<compile_context>
chip_gen: v7x
topology: tpu7x:2x2x1
jax: 0.10.2.dev20260603
libtpu: 0.0.44.dev20260713+nightly
codegen_flags: <defaults>
</compile_context>

<pallas_src>
import functools

import jax
import jax.numpy as jnp
from jax import lax
from jax.experimental import pallas as pl
from jax.experimental.pallas import tpu as pltpu
from jax.experimental.pallas import tpu_sc as plsc

DIM = 64
SCALE = DIM ** (-0.5)

_NC = 2
_NS = 16
_NW = _NC * _NS
_IB = 128


def _make_gather(n_seq, seq_len, d):
    n_blocks = n_seq // _IB
    assert n_blocks % _NW == 0 and d % 16 == 0
    blocks_per_w = n_blocks // _NW
    n_units = blocks_per_w * seq_len
    assert n_units % 4 == 0
    mesh = plsc.VectorSubcoreMesh(core_axis_name="c", subcore_axis_name="s")

    @functools.partial(
        pl.kernel,
        mesh=mesh,
        out_type=jax.ShapeDtypeStruct(
            (seq_len, d // 8, n_blocks, 8, _IB), jnp.float32
        ),
        scratch_types=[
            *[pltpu.VMEM((_IB,), jnp.int32) for _ in range(4)],
            *[pltpu.VMEM((_IB, d), jnp.float32) for _ in range(4)],
            *[pltpu.VMEM((d // 8, 8, _IB + 1), jnp.float32) for _ in range(2)],
            *[pltpu.SemaphoreType.DMA for _ in range(10)],
        ],
        compiler_params=pltpu.CompilerParams(
            use_tc_tiling_on_sc=False, needs_layout_passes=False
        ),
    )
    def gather(table_hbm, idxt_hbm, out_hbm, *scratch):
        ibufs = scratch[0:4]
        gbufs = scratch[4:8]
        tbufs = scratch[8:10]
        isems = scratch[10:14]
        gsems = scratch[14:18]
        ssems = scratch[18:20]

        wid = lax.axis_index("s") * _NC + lax.axis_index("c")

        iota = lax.iota(jnp.int32, 16)
        r_v = lax.rem(iota, 8)
        tk_base = lax.div(iota, 8)
        zeros_v = jnp.zeros((16,), jnp.int32)
        tkvs = [tk_base + 2 * q for q in range(d // 16)]

        def unit_ij(u):
            j = lax.rem(u, seq_len)
            g = lax.div(u, seq_len)
            return j, wid * blocks_per_w + g

        def issue_idx(u, b):
            j, blk = unit_ij(u)
            pltpu.async_copy(
                idxt_hbm.at[pl.ds(j * n_seq + blk * _IB, _IB)],
                ibufs[b],
                isems[b],
            )

        def wait_idx(u, b):
            j, blk = unit_ij(u)
            pltpu.make_async_copy(
                idxt_hbm.at[pl.ds(j * n_seq + blk * _IB, _IB)],
                ibufs[b],
                isems[b],
            ).wait()

        def issue_gather(b):
            pltpu.async_copy(table_hbm.at[ibufs[b]], gbufs[b], gsems[b])

        def wait_gather(b):
            pltpu.make_async_copy(
                table_hbm.at[ibufs[b]], gbufs[b], gsems[b]
            ).wait()

        def issue_scatter(u, tb):
            j, blk = unit_ij(u)
            pltpu.async_copy(
                tbufs[tb].at[:, :, pl.ds(0, _IB)],
                out_hbm.at[j, :, blk],
                ssems[tb],
            )

        def wait_scatter(u, tb):
            j, blk = unit_ij(u)
            pltpu.make_async_copy(
                tbufs[tb].at[:, :, pl.ds(0, _IB)],
                out_hbm.at[j, :, blk],
                ssems[tb],
            ).wait()

        def transpose_scale(b, tb):
            gbuf = gbufs[b]
            tbuf = tbufs[tb]

            @plsc.parallel_loop(0, _IB, 1, unroll=8)
            def _row(c):
                c_v = zeros_v + c
                for q in range(d // 16):
                    v = gbuf[c, pl.ds(16 * q, 16)] * SCALE
                    plsc.store_scatter(tbuf, [tkvs[q], r_v, c_v], v)

        for u in range(3):
            issue_idx(u, u)
        for u in range(2):
            wait_idx(u, u)
            issue_gather(u)

        def ring4(k, carry):
            for uu in range(4):
                u = k * 4 + uu

                @pl.when(u + 3 < n_units)
                def _idx():
                    issue_idx(u + 3, (uu + 3) % 4)

                @pl.when(u + 2 < n_units)
                def _gather():
                    wait_idx(u + 2, (uu + 2) % 4)
                    issue_gather((uu + 2) % 4)

                wait_gather(uu)

                @pl.when(u >= 2)
                def _drain():
                    wait_scatter(u - 2, uu % 2)

                transpose_scale(uu, uu % 2)
                issue_scatter(u, uu % 2)
            return carry

        lax.fori_loop(0, n_units // 4, ring4, 0)

        for u in range(n_units - 2, n_units):
            wait_scatter(u, u % 2)

    return gather


@jax.jit
def kernel(x, emb_weight):
    b, s = x.shape
    v, d = emb_weight.shape
    idxt = x.T.reshape(-1).astype(jnp.int32)
    out6 = _make_gather(b, s, d)(emb_weight, idxt)
    out3 = jnp.transpose(out6, (0, 1, 3, 2, 4)).reshape(s, d, b)
    return jnp.transpose(out3, (2, 0, 1))

# --- scband reference (transcript-rebuilt; emitter-appended) ---
"""Pipeline reference for scband-noiembedding-76828374990859 (READ-ONLY COPY).

The authoritative reference and input builder live on the scoring server;
editing this copy changes nothing except your own understanding.
"""

import jax, jax.numpy as jnp
import numpy as np

DIM = 64
MAX_SEQ_LEN = 100000
SCALE = DIM ** (-0.5)

def setup_inputs(seed: int = 0) -> dict:
    key = jax.random.key(seed)
    k1, k2 = jax.random.split(key)
    x = jax.random.randint(k1, (16384, 50), 0, MAX_SEQ_LEN, dtype=jnp.int64 if jax.config.jax_enable_x64 else jnp.int32)
    emb_weight = jax.random.normal(k2, (MAX_SEQ_LEN, DIM), dtype=jnp.float32)
    return {"x": x, "emb_weight": emb_weight}

def reference(x, emb_weight):
    # pos_emb = emb(x); pos_emb = pos_emb * scale; l2norm_embed=False so no l2norm
    pos_emb = jnp.take(emb_weight, x, axis=0)
    pos_emb = pos_emb * SCALE
    return pos_emb

if __name__ == "__main__":
    import jax
    _d = setup_inputs()
    print(jax.jit(kernel)(*tuple(_d.values())))

</pallas_src>

<mosaic_0001>
#map = affine_map<(d0, d1) -> (0, 0)>
#map1 = affine_map<(d0, d1) -> (0)>
#map2 = affine_map<(d0, d1) -> (0, 0, 0, 0, 0)>
module attributes {stable_mosaic.version = 14 : i64} {
  func.func @gather(%arg0: i32, %arg1: i32, %arg2: memref<100000x64xf32, #tpu.memory_space<hbm>>, %arg3: memref<819200xi32, #tpu.memory_space<hbm>>, %arg4: memref<50x8x128x8x128xf32, #tpu.memory_space<hbm>>, %arg5: memref<128xi32, #tpu.memory_space<vmem>>, %arg6: memref<128xi32, #tpu.memory_space<vmem>>, %arg7: memref<128xi32, #tpu.memory_space<vmem>>, %arg8: memref<128xi32, #tpu.memory_space<vmem>>, %arg9: memref<128x64xf32, #tpu.memory_space<vmem>>, %arg10: memref<128x64xf32, #tpu.memory_space<vmem>>, %arg11: memref<128x64xf32, #tpu.memory_space<vmem>>, %arg12: memref<128x64xf32, #tpu.memory_space<vmem>>, %arg13: memref<8x8x129xf32, #tpu.memory_space<vmem>>, %arg14: memref<8x8x129xf32, #tpu.memory_space<vmem>>, %arg15: memref<!tpu.dma_semaphore, #tpu.memory_space<semaphore_mem>>, %arg16: memref<!tpu.dma_semaphore, #tpu.memory_space<semaphore_mem>>, %arg17: memref<!tpu.dma_semaphore, #tpu.memory_space<semaphore_mem>>, %arg18: memref<!tpu.dma_semaphore, #tpu.memory_space<semaphore_mem>>, %arg19: memref<!tpu.dma_semaphore, #tpu.memory_space<semaphore_mem>>, %arg20: memref<!tpu.dma_semaphore, #tpu.memory_space<semaphore_mem>>, %arg21: memref<!tpu.dma_semaphore, #tpu.memory_space<semaphore_mem>>, %arg22: memref<!tpu.dma_semaphore, #tpu.memory_space<semaphore_mem>>, %arg23: memref<!tpu.dma_semaphore, #tpu.memory_space<semaphore_mem>>, %arg24: memref<!tpu.dma_semaphore, #tpu.memory_space<semaphore_mem>>) attributes {dimension_semantics = [#tpu.dimension_semantics<core_parallel>, #tpu.dimension_semantics<subcore_parallel>], iteration_bounds = array<i64: 2, 16>, scalar_prefetch = 0 : i64, scratch_operands = 20 : i64, tpu.core_type = #tpu.core_type<sc_vector_subcore>, window_params = [{transform_indices = #map}, {transform_indices = #map1}, {transform_indices = #map2}]} {
    %mul3A = arith.constant 2 : i32
    %mul3A_0 = arith.muli %arg1, %mul3A : i32
    %add3A = arith.addi %mul3A_0, %arg0 : i32
    %iota3A = tpu.iota {dimensions = array<i32: 0>} : vector<16xi32>
    %rem3A = arith.constant 8 : i32
    %rem3A_1 = vector.broadcast %rem3A : i32 to vector<16xi32>
    %rem3A_2 = arith.remsi %iota3A, %rem3A_1 : vector<16xi32>
    %div3A = arith.constant 8 : i32
    %div3A_3 = vector.broadcast %div3A : i32 to vector<16xi32>
    %div3A_4 = arith.divsi %iota3A, %div3A_3 : vector<16xi32>
    %broadcast_in_dim3A = arith.constant 0 : i32
    %broadcast_in_dim3A_5 = vector.broadcast %broadcast_in_dim3A : i32 to vector<16xi32>
    %add3A_6 = arith.constant 0 : i32
    %add3A_7 = vector.broadcast %add3A_6 : i32 to vector<16xi32>
    %add3A_8 = arith.addi %div3A_4, %add3A_7 : vector<16xi32>
    %add3A_9 = arith.constant 2 : i32
    %add3A_10 = vector.broadcast %add3A_9 : i32 to vector<16xi32>
    %add3A_11 = arith.addi %div3A_4, %add3A_10 : vector<16xi32>
    %add3A_12 = arith.constant 4 : i32
    %add3A_13 = vector.broadcast %add3A_12 : i32 to vector<16xi32>
    %add3A_14 = arith.addi %div3A_4, %add3A_13 : vector<16xi32>
    %add3A_15 = arith.constant 6 : i32
    %add3A_16 = vector.broadcast %add3A_15 : i32 to vector<16xi32>
    %add3A_17 = arith.addi %div3A_4, %add3A_16 : vector<16xi32>
    %rem3A_18 = arith.constant 0 : i32
    %rem3A_19 = arith.constant 50 : i32
    %rem3A_20 = arith.remsi %rem3A_18, %rem3A_19 : i32
    %div3A_21 = arith.constant 0 : i32
    %div3A_22 = arith.constant 50 : i32
    %div3A_23 = arith.divsi %div3A_21, %div3A_22 : i32
    %mul3A_24 = arith.constant 4 : i32
    %mul3A_25 = arith.muli %add3A, %mul3A_24 : i32
    %add3A_26 = arith.addi %mul3A_25, %div3A_23 : i32
    %mul3A_27 = arith.constant 16384 : i32
    %mul3A_28 = arith.muli %rem3A_20, %mul3A_27 : i32
    %mul3A_29 = arith.constant 128 : i32
    %mul3A_30 = arith.muli %add3A_26, %mul3A_29 : i32
    %add3A_31 = arith.addi %mul3A_28, %mul3A_30 : i32
    %dma_start3A = tpu.memref_slice %arg3[%add3A_31] : memref<819200xi32, #tpu.memory_space<hbm>> -> memref<128xi32, #tpu.memory_space<hbm>>
    %dma_start3A_32 = tpu.memref_slice %arg3[%add3A_31] : memref<819200xi32, #tpu.memory_space<hbm>> -> memref<128xi32, #tpu.memory_space<hbm>>
    tpu.enqueue_dma source(%dma_start3A_32 : memref<128xi32, #tpu.memory_space<hbm>>) target(%arg5 : memref<128xi32, #tpu.memory_space<vmem>>) target_semaphore(%arg15 : memref<!tpu.dma_semaphore, #tpu.memory_space<semaphore_mem>>)
    %rem3A_33 = arith.constant 1 : i32
    %rem3A_34 = arith.constant 50 : i32
    %rem3A_35 = arith.remsi %rem3A_33, %rem3A_34 : i32
    %div3A_36 = arith.constant 1 : i32
    %div3A_37 = arith.constant 50 : i32
    %div3A_38 = arith.divsi %div3A_36, %div3A_37 : i32
    %mul3A_39 = arith.constant 4 : i32
    %mul3A_40 = arith.muli %add3A, %mul3A_39 : i32
    %add3A_41 = arith.addi %mul3A_40, %div3A_38 : i32
    %mul3A_42 = arith.constant 16384 : i32
    %mul3A_43 = arith.muli %rem3A_35, %mul3A_42 : i32
    %mul3A_44 = arith.constant 128 : i32
    %mul3A_45 = arith.muli %add3A_41, %mul3A_44 : i32
    %add3A_46 = arith.addi %mul3A_43, %mul3A_45 : i32
    %dma_start3A_47 = tpu.memref_slice %arg3[%add3A_46] : memref<819200xi32, #tpu.memory_space<hbm>> -> memref<128xi32, #tpu.memory_space<hbm>>
    %dma_start3A_48 = tpu.memref_slice %arg3[%add3A_46] : memref<819200xi32, #tpu.memory_space<hbm>> -> memref<128xi32, #tpu.memory_space<hbm>>
    tpu.enqueue_dma source(%dma_start3A_48 : memref<128xi32, #tpu.memory_space<hbm>>) target(%arg6 : memref<128xi32, #tpu.memory_space<vmem>>) target_semaphore(%arg16 : memref<!tpu.dma_semaphore, #tpu.memory_space<semaphore_mem>>)
    %rem3A_49 = arith.constant 2 : i32
    %rem3A_50 = arith.constant 50 : i32
    %rem3A_51 = arith.remsi %rem3A_49, %rem3A_50 : i32
    %div3A_52 = arith.constant 2 : i32
    %div3A_53 = arith.constant 50 : i32
    %div3A_54 = arith.divsi %div3A_52, %div3A_53 : i32
    %mul3A_55 = arith.constant 4 : i32
    %mul3A_56 = arith.muli %add3A, %mul3A_55 : i32
    %add3A_57 = arith.addi %mul3A_56, %div3A_54 : i32
    %mul3A_58 = arith.constant 16384 : i32
    %mul3A_59 = arith.muli %rem3A_51, %mul3A_58 : i32
    %mul3A_60 = arith.constant 128 : i32
    %mul3A_61 = arith.muli %add3A_57, %mul3A_60 : i32
    %add3A_62 = arith.addi %mul3A_59, %mul3A_61 : i32
    %dma_start3A_63 = tpu.memref_slice %arg3[%add3A_62] : memref<819200xi32, #tpu.memory_space<hbm>> -> memref<128xi32, #tpu.memory_space<hbm>>
    %dma_start3A_64 = tpu.memref_slice %arg3[%add3A_62] : memref<819200xi32, #tpu.memory_space<hbm>> -> memref<128xi32, #tpu.memory_space<hbm>>
    tpu.enqueue_dma source(%dma_start3A_64 : memref<128xi32, #tpu.memory_space<hbm>>) target(%arg7 : memref<128xi32, #tpu.memory_space<vmem>>) target_semaphore(%arg17 : memref<!tpu.dma_semaphore, #tpu.memory_space<semaphore_mem>>)
    %rem3A_65 = arith.constant 0 : i32
    %rem3A_66 = arith.constant 50 : i32
    %rem3A_67 = arith.remsi %rem3A_65, %rem3A_66 : i32
    %div3A_68 = arith.constant 0 : i32
    %div3A_69 = arith.constant 50 : i32
    %div3A_70 = arith.divsi %div3A_68, %div3A_69 : i32
    %mul3A_71 = arith.constant 4 : i32
    %mul3A_72 = arith.muli %add3A, %mul3A_71 : i32
    %add3A_73 = arith.addi %mul3A_72, %div3A_70 : i32
    %mul3A_74 = arith.constant 16384 : i32
    %mul3A_75 = arith.muli %rem3A_67, %mul3A_74 : i32
    %mul3A_76 = arith.constant 128 : i32
    %mul3A_77 = arith.muli %add3A_73, %mul3A_76 : i32
    %add3A_78 = arith.addi %mul3A_75, %mul3A_77 : i32
    %dma_wait3A = tpu.memref_slice %arg3[%add3A_78] : memref<819200xi32, #tpu.memory_space<hbm>> -> memref<128xi32, #tpu.memory_space<hbm>>
    %dma_wait3A_79 = tpu.memref_slice %arg3[%add3A_78] : memref<819200xi32, #tpu.memory_space<hbm>> -> memref<128xi32, #tpu.memory_space<hbm>>
    tpu.wait_dma2 semaphore(%arg15 : memref<!tpu.dma_semaphore, #tpu.memory_space<semaphore_mem>>) src(%dma_wait3A_79 : memref<128xi32, #tpu.memory_space<hbm>>) dst(%arg5 : memref<128xi32, #tpu.memory_space<vmem>>)
    %dma_start3A_80 = arith.constant 0 : i32
    %dma_start3A_81 = arith.constant 0 : i32
    %dma_start3A_82 = tpu.memref_slice %arg2[%dma_start3A_80, %dma_start3A_81] : memref<100000x64xf32, #tpu.memory_space<hbm>> -> memref<100000x64xf32, #tpu.memory_space<hbm>>
    tpu.enqueue_indirect_dma source(%dma_start3A_82 : memref<100000x64xf32, #tpu.memory_space<hbm>>) target(%arg9 : memref<128x64xf32, #tpu.memory_space<vmem>>) offsets(%arg5 : memref<128xi32, #tpu.memory_space<vmem>>) semaphore(%arg19 : memref<!tpu.dma_semaphore, #tpu.memory_space<semaphore_mem>>)
    %rem3A_83 = arith.constant 1 : i32
    %rem3A_84 = arith.constant 50 : i32
    %rem3A_85 = arith.remsi %rem3A_83, %rem3A_84 : i32
    %div3A_86 = arith.constant 1 : i32
    %div3A_87 = arith.constant 50 : i32
    %div3A_88 = arith.divsi %div3A_86, %div3A_87 : i32
    %mul3A_89 = arith.constant 4 : i32
    %mul3A_90 = arith.muli %add3A, %mul3A_89 : i32
    %add3A_91 = arith.addi %mul3A_90, %div3A_88 : i32
    %mul3A_92 = arith.constant 16384 : i32
    %mul3A_93 = arith.muli %rem3A_85, %mul3A_92 : i32
    %mul3A_94 = arith.constant 128 : i32
    %mul3A_95 = arith.muli %add3A_91, %mul3A_94 : i32
    %add3A_96 = arith.addi %mul3A_93, %mul3A_95 : i32
    %dma_wait3A_97 = tpu.memref_slice %arg3[%add3A_96] : memref<819200xi32, #tpu.memory_space<hbm>> -> memref<128xi32, #tpu.memory_space<hbm>>
    %dma_wait3A_98 = tpu.memref_slice %arg3[%add3A_96] : memref<819200xi32, #tpu.memory_space<hbm>> -> memref<128xi32, #tpu.memory_space<hbm>>
    tpu.wait_dma2 semaphore(%arg16 : memref<!tpu.dma_semaphore, #tpu.memory_space<semaphore_mem>>) src(%dma_wait3A_98 : memref<128xi32, #tpu.memory_space<hbm>>) dst(%arg6 : memref<128xi32, #tpu.memory_space<vmem>>)
    %dma_start3A_99 = arith.constant 0 : i32
    %dma_start3A_100 = arith.constant 0 : i32
    %dma_start3A_101 = tpu.memref_slice %arg2[%dma_start3A_99, %dma_start3A_100] : memref<100000x64xf32, #tpu.memory_space<hbm>> -> memref<100000x64xf32, #tpu.memory_space<hbm>>
    tpu.enqueue_indirect_dma source(%dma_start3A_101 : memref<100000x64xf32, #tpu.memory_space<hbm>>) target(%arg10 : memref<128x64xf32, #tpu.memory_space<vmem>>) offsets(%arg6 : memref<128xi32, #tpu.memory_space<vmem>>) semaphore(%arg20 : memref<!tpu.dma_semaphore, #tpu.memory_space<semaphore_mem>>)
    %scan3A = arith.constant 0 : i32
    %scan3A_102 = arith.constant 0 : i32
    %scan3A_103 = arith.constant 50 : i32
    %scan3A_104 = arith.addi %scan3A_102, %scan3A_103 : i32
    %scan3A_105 = arith.constant 1 : i32
    scf.for %scan3A_161 = %scan3A_102 to %scan3A_104 step %scan3A_105  : i32 {
      %mul3A_162 = arith.constant 4 : i32
      %mul3A_163 = arith.muli %scan3A_161, %mul3A_162 : i32
      %add3A_164 = arith.constant 0 : i32
      %add3A_165 = arith.addi %mul3A_163, %add3A_164 : i32
      %add3A_166 = arith.constant 3 : i32
      %add3A_167 = arith.addi %add3A_165, %add3A_166 : i32
      %lt3A = arith.constant 200 : i32
      %lt3A_168 = arith.cmpi slt, %add3A_167, %lt3A : i32
      %convert_element_type3A = arith.extui %lt3A_168 : i1 to i32
      %cond3A = arith.constant 0 : i32
      %cond3A_169 = arith.cmpi ne, %convert_element_type3A, %cond3A : i32
      scf.if %cond3A_169 {
        %add3A_373 = arith.constant 3 : i32
        %add3A_374 = arith.addi %add3A_165, %add3A_373 : i32
        %rem3A_375 = arith.constant 50 : i32
        %rem3A_376 = arith.remsi %add3A_374, %rem3A_375 : i32
        %div3A_377 = arith.constant 50 : i32
        %div3A_378 = arith.divsi %add3A_374, %div3A_377 : i32
        %mul3A_379 = arith.constant 4 : i32
        %mul3A_380 = arith.muli %add3A, %mul3A_379 : i32
        %add3A_381 = arith.addi %mul3A_380, %div3A_378 : i32
        %mul3A_382 = arith.constant 16384 : i32
        %mul3A_383 = arith.muli %rem3A_376, %mul3A_382 : i32
        %mul3A_384 = arith.constant 128 : i32
        %mul3A_385 = arith.muli %add3A_381, %mul3A_384 : i32
        %add3A_386 = arith.addi %mul3A_383, %mul3A_385 : i32
        %dma_start3A_387 = tpu.memref_slice %arg3[%add3A_386] : memref<819200xi32, #tpu.memory_space<hbm>> -> memref<128xi32, #tpu.memory_space<hbm>>
        %dma_start3A_388 = tpu.memref_slice %arg3[%add3A_386] : memref<819200xi32, #tpu.memory_space<hbm>> -> memref<128xi32, #tpu.memory_space<hbm>>
        tpu.enqueue_dma source(%dma_start3A_388 : memref<128xi32, #tpu.memory_space<hbm>>) target(%arg8 : memref<128xi32, #tpu.memory_space<vmem>>) target_semaphore(%arg18 : memref<!tpu.dma_semaphore, #tpu.memory_space<semaphore_mem>>)
      } else {
      }
      %add3A_170 = arith.constant 2 : i32
      %add3A_171 = arith.addi %add3A_165, %add3A_170 : i32
      %lt3A_172 = arith.constant 200 : i32
      %lt3A_173 = arith.cmpi slt, %add3A_171, %lt3A_172 : i32
      %convert_element_type3A_174 = arith.extui %lt3A_173 : i1 to i32
      %cond3A_175 = arith.constant 0 : i32
      %cond3A_176 = arith.cmpi ne, %convert_element_type3A_174, %cond3A_175 : i32
      scf.if %cond3A_176 {
        %add3A_373 = arith.constant 2 : i32
        %add3A_374 = arith.addi %add3A_165, %add3A_373 : i32
        %rem3A_375 = arith.constant 50 : i32
        %rem3A_376 = arith.remsi %add3A_374, %rem3A_375 : i32
        %div3A_377 = arith.constant 50 : i32
        %div3A_378 = arith.divsi %add3A_374, %div3A_377 : i32
        %mul3A_379 = arith.constant 4 : i32
        %mul3A_380 = arith.muli %add3A, %mul3A_379 : i32
        %add3A_381 = arith.addi %mul3A_380, %div3A_378 : i32
        %mul3A_382 = arith.constant 16384 : i32
        %mul3A_383 = arith.muli %rem3A_376, %mul3A_382 : i32
        %mul3A_384 = arith.constant 128 : i32
        %mul3A_385 = arith.muli %add3A_381, %mul3A_384 : i32
        %add3A_386 = arith.addi %mul3A_383, %mul3A_385 : i32
        %dma_wait3A_387 = tpu.memref_slice %arg3[%add3A_386] : memref<819200xi32, #tpu.memory_space<hbm>> -> memref<128xi32, #tpu.memory_space<hbm>>
        %dma_wait3A_388 = tpu.memref_slice %arg3[%add3A_386] : memref<819200xi32, #tpu.memory_space<hbm>> -> memref<128xi32, #tpu.memory_space<hbm>>
        tpu.wait_dma2 semaphore(%arg17 : memref<!tpu.dma_semaphore, #tpu.memory_space<semaphore_mem>>) src(%dma_wait3A_388 : memref<128xi32, #tpu.memory_space<hbm>>) dst(%arg7 : memref<128xi32, #tpu.memory_space<vmem>>)
        %dma_start3A_389 = arith.constant 0 : i32
        %dma_start3A_390 = arith.constant 0 : i32
        %dma_start3A_391 = tpu.memref_slice %arg2[%dma_start3A_389, %dma_start3A_390] : memref<100000x64xf32, #tpu.memory_space<hbm>> -> memref<100000x64xf32, #tpu.memory_space<hbm>>
        tpu.enqueue_indirect_dma source(%dma_start3A_391 : memref<100000x64xf32, #tpu.memory_space<hbm>>) target(%arg11 : memref<128x64xf32, #tpu.memory_space<vmem>>) offsets(%arg7 : memref<128xi32, #tpu.memory_space<vmem>>) semaphore(%arg21 : memref<!tpu.dma_semaphore, #tpu.memory_space<semaphore_mem>>)
      } else {
      }
      %dma_wait3A_177 = arith.constant 0 : i32
      %dma_wait3A_178 = arith.constant 0 : i32
      %dma_wait3A_179 = tpu.memref_slice %arg2[%dma_wait3A_177, %dma_wait3A_178] : memref<100000x64xf32, #tpu.memory_space<hbm>> -> memref<100000x64xf32, #tpu.memory_space<hbm>>
      tpu.wait_indirect_dma semaphore(%arg19 : memref<!tpu.dma_semaphore, #tpu.memory_space<semaphore_mem>>) src(%dma_wait3A_179 : memref<100000x64xf32, #tpu.memory_space<hbm>>) dst(%arg9 : memref<128x64xf32, #tpu.memory_space<vmem>>)
      %ge3A = arith.constant 2 : i32
      %ge3A_180 = arith.cmpi sge, %add3A_165, %ge3A : i32
      %convert_element_type3A_181 = arith.extui %ge3A_180 : i1 to i32
      %cond3A_182 = arith.constant 0 : i32
      %cond3A_183 = arith.cmpi ne, %convert_element_type3A_181, %cond3A_182 : i32
      scf.if %cond3A_183 {
        %sub3A = arith.constant 2 : i32
        %sub3A_373 = arith.subi %add3A_165, %sub3A : i32
        %rem3A_374 = arith.constant 50 : i32
        %rem3A_375 = arith.remsi %sub3A_373, %rem3A_374 : i32
        %div3A_376 = arith.constant 50 : i32
        %div3A_377 = arith.divsi %sub3A_373, %div3A_376 : i32
        %mul3A_378 = arith.constant 4 : i32
        %mul3A_379 = arith.muli %add3A, %mul3A_378 : i32
        %add3A_380 = arith.addi %mul3A_379, %div3A_377 : i32
        %dma_wait3A_381 = arith.constant 0 : i32
        %dma_wait3A_382 = arith.constant 0 : i32
        %dma_wait3A_383 = arith.constant 0 : i32
        %dma_wait3A_384 = tpu.memref_slice %arg13[%dma_wait3A_381, %dma_wait3A_382, %dma_wait3A_383] : memref<8x8x129xf32, #tpu.memory_space<vmem>> -> memref<8x8x128xf32, #tpu.memory_space<vmem>>
        %dma_wait3A_385 = arith.constant 0 : i32
        %dma_wait3A_386 = arith.constant 0 : i32
        %dma_wait3A_387 = arith.constant 0 : i32
        %dma_wait3A_388 = tpu.memref_slice %arg4[%rem3A_375, %dma_wait3A_385, %add3A_380, %dma_wait3A_386, %dma_wait3A_387] : memref<50x8x128x8x128xf32, #tpu.memory_space<hbm>> -> memref<1x8x1x8x128xf32, #tpu.memory_space<hbm>>
        %dma_wait3A_389 = tpu.memref_squeeze %dma_wait3A_388 : memref<1x8x1x8x128xf32, #tpu.memory_space<hbm>> -> memref<8x8x128xf32, #tpu.memory_space<hbm>>
        %dma_wait3A_390 = arith.constant 0 : i32
        %dma_wait3A_391 = arith.constant 0 : i32
        %dma_wait3A_392 = arith.constant 0 : i32
        %dma_wait3A_393 = tpu.memref_slice %arg4[%rem3A_375, %dma_wait3A_390, %add3A_380, %dma_wait3A_391, %dma_wait3A_392] : memref<50x8x128x8x128xf32, #tpu.memory_space<hbm>> -> memref<1x8x1x8x128xf32, #tpu.memory_space<hbm>>
        %dma_wait3A_394 = tpu.memref_squeeze %dma_wait3A_393 : memref<1x8x1x8x128xf32, #tpu.memory_space<hbm>> -> memref<8x8x128xf32, #tpu.memory_space<hbm>>
        %dma_wait3A_395 = arith.constant 0 : i32
        %dma_wait3A_396 = arith.constant 0 : i32
        %dma_wait3A_397 = arith.constant 0 : i32
        %dma_wait3A_398 = tpu.memref_slice %arg13[%dma_wait3A_395, %dma_wait3A_396, %dma_wait3A_397] : memref<8x8x129xf32, #tpu.memory_space<vmem>> -> memref<8x8x128xf32, #tpu.memory_space<vmem>>
        tpu.wait_dma2 semaphore(%arg23 : memref<!tpu.dma_semaphore, #tpu.memory_space<semaphore_mem>>) src(%dma_wait3A_398 : memref<8x8x128xf32, #tpu.memory_space<vmem>>) dst(%dma_wait3A_394 : memref<8x8x128xf32, #tpu.memory_space<hbm>>)
      } else {
      }
      %parallel_loop3A = arith.constant 0 : i32
      %parallel_loop3A_184 = arith.constant 128 : i32
      %parallel_loop3A_185 = arith.constant 1 : i32
      scf.for %parallel_loop3A_373 = %parallel_loop3A to %parallel_loop3A_184 step %parallel_loop3A_185  : i32 {
        %parallel_loop3A_374 = vector.broadcast %parallel_loop3A_373 : i32 to vector<16xi32>
        %parallel_loop3A_375 = arith.addi %broadcast_in_dim3A_5, %parallel_loop3A_374 : vector<16xi32>
        %parallel_loop3A_376 = arith.index_cast %parallel_loop3A_373 : i32 to index
        %parallel_loop3A_377 = arith.constant 0 : index
        %parallel_loop3A_378 = tpu.vector_load %arg9[%parallel_loop3A_376, %parallel_loop3A_377] {strides = array<i32>} : memref<128x64xf32, #tpu.memory_space<vmem>>, vector<16xf32>,
        %parallel_loop3A_379 = arith.constant 1.250000e-01 : f32
        %parallel_loop3A_380 = vector.broadcast %parallel_loop3A_379 : f32 to vector<16xf32>
        %parallel_loop3A_381 = arith.mulf %parallel_loop3A_378, %parallel_loop3A_380 : vector<16xf32>
        tpu.vector_store_idx %arg13[%add3A_8, %rem3A_2, %parallel_loop3A_375], %parallel_loop3A_381 : memref<8x8x129xf32, #tpu.memory_space<vmem>>[vector<16xi32>, vector<16xi32>, vector<16xi32>], vector<16xf32>,
        %parallel_loop3A_382 = arith.index_cast %parallel_loop3A_373 : i32 to index
        %parallel_loop3A_383 = arith.constant 16 : index
        %parallel_loop3A_384 = tpu.vector_load %arg9[%parallel_loop3A_382, %parallel_loop3A_383] {strides = array<i32>} : memref<128x64xf32, #tpu.memory_space<vmem>>, vector<16xf32>,
        %parallel_loop3A_385 = arith.constant 1.250000e-01 : f32
        %parallel_loop3A_386 = vector.broadcast %parallel_loop3A_385 : f32 to vector<16xf32>
        %parallel_loop3A_387 = arith.mulf %parallel_loop3A_384, %parallel_loop3A_386 : vector<16xf32>
        tpu.vector_store_idx %arg13[%add3A_11, %rem3A_2, %parallel_loop3A_375], %parallel_loop3A_387 : memref<8x8x129xf32, #tpu.memory_space<vmem>>[vector<16xi32>, vector<16xi32>, vector<16xi32>], vector<16xf32>,
        %parallel_loop3A_388 = arith.index_cast %parallel_loop3A_373 : i32 to index
        %parallel_loop3A_389 = arith.constant 32 : index
        %parallel_loop3A_390 = tpu.vector_load %arg9[%parallel_loop3A_388, %parallel_loop3A_389] {strides = array<i32>} : memref<128x64xf32, #tpu.memory_space<vmem>>, vector<16xf32>,
        %parallel_loop3A_391 = arith.constant 1.250000e-01 : f32
        %parallel_loop3A_392 = vector.broadcast %parallel_loop3A_391 : f32 to vector<16xf32>
        %parallel_loop3A_393 = arith.mulf %parallel_loop3A_390, %parallel_loop3A_392 : vector<16xf32>
        tpu.vector_store_idx %arg13[%add3A_14, %rem3A_2, %parallel_loop3A_375], %parallel_loop3A_393 : memref<8x8x129xf32, #tpu.memory_space<vmem>>[vector<16xi32>, vector<16xi32>, vector<16xi32>], vector<16xf32>,
        %parallel_loop3A_394 = arith.index_cast %parallel_loop3A_373 : i32 to index
        %parallel_loop3A_395 = arith.constant 48 : index
        %parallel_loop3A_396 = tpu.vector_load %arg9[%parallel_loop3A_394, %parallel_loop3A_395] {strides = array<i32>} : memref<128x64xf32, #tpu.memory_space<vmem>>, vector<16xf32>,
        %parallel_loop3A_397 = arith.constant 1.250000e-01 : f32
        %parallel_loop3A_398 = vector.broadcast %parallel_loop3A_397 : f32 to vector<16xf32>
        %parallel_loop3A_399 = arith.mulf %parallel_loop3A_396, %parallel_loop3A_398 : vector<16xf32>
        tpu.vector_store_idx %arg13[%add3A_17, %rem3A_2, %parallel_loop3A_375], %parallel_loop3A_399 : memref<8x8x129xf32, #tpu.memory_space<vmem>>[vector<16xi32>, vector<16xi32>, vector<16xi32>], vector<16xf32>,
      } {sc.loop_unroll_factor = 8 : i64, sc.parallel_access}
      %rem3A_186 = arith.constant 50 : i32
      %rem3A_187 = arith.remsi %add3A_165, %rem3A_186 : i32
      %div3A_188 = arith.constant 50 : i32
      %div3A_189 = arith.divsi %add3A_165, %div3A_188 : i32
      %mul3A_190 = arith.constant 4 : i32
      %mul3A_191 = arith.muli %add3A, %mul3A_190 : i32
      %add3A_192 = arith.addi %mul3A_191, %div3A_189 : i32
      %dma_start3A_193 = arith.constant 0 : i32
      %dma_start3A_194 = arith.constant 0 : i32
      %dma_start3A_195 = arith.constant 0 : i32
      %dma_start3A_196 = tpu.memref_slice %arg13[%dma_start3A_193, %dma_start3A_194, %dma_start3A_195] : memref<8x8x129xf32, #tpu.memory_space<vmem>> -> memref<8x8x128xf32, #tpu.memory_space<vmem>>
      %dma_start3A_197 = arith.constant 0 : i32
      %dma_start3A_198 = arith.constant 0 : i32
      %dma_start3A_199 = arith.constant 0 : i32
      %dma_start3A_200 = tpu.memref_slice %arg4[%rem3A_187, %dma_start3A_197, %add3A_192, %dma_start3A_198, %dma_start3A_199] : memref<50x8x128x8x128xf32, #tpu.memory_space<hbm>> -> memref<1x8x1x8x128xf32, #tpu.memory_space<hbm>>
      %dma_start3A_201 = tpu.memref_squeeze %dma_start3A_200 : memref<1x8x1x8x128xf32, #tpu.memory_space<hbm>> -> memref<8x8x128xf32, #tpu.memory_space<hbm>>
      %dma_start3A_202 = arith.constant 0 : i32
      %dma_start3A_203 = arith.constant 0 : i32
      %dma_start3A_204 = arith.constant 0 : i32
      %dma_start3A_205 = tpu.memref_slice %arg4[%rem3A_187, %dma_start3A_202, %add3A_192, %dma_start3A_203, %dma_start3A_204] : memref<50x8x128x8x128xf32, #tpu.memory_space<hbm>> -> memref<1x8x1x8x128xf32, #tpu.memory_space<hbm>>
      %dma_start3A_206 = tpu.memref_squeeze %dma_start3A_205 : memref<1x8x1x8x128xf32, #tpu.memory_space<hbm>> -> memref<8x8x128xf32, #tpu.memory_space<hbm>>
      %dma_start3A_207 = arith.constant 0 : i32
      %dma_start3A_208 = arith.constant 0 : i32
      %dma_start3A_209 = arith.constant 0 : i32
      %dma_start3A_210 = tpu.memref_slice %arg13[%dma_start3A_207, %dma_start3A_208, %dma_start3A_209] : memref<8x8x129xf32, #tpu.memory_space<vmem>> -> memref<8x8x128xf32, #tpu.memory_space<vmem>>
      tpu.enqueue_dma source(%dma_start3A_210 : memref<8x8x128xf32, #tpu.memory_space<vmem>>) target(%dma_start3A_206 : memref<8x8x128xf32, #tpu.memory_space<hbm>>) target_semaphore(%arg23 : memref<!tpu.dma_semaphore, #tpu.memory_space<semaphore_mem>>)
      %mul3A_211 = arith.constant 4 : i32
      %mul3A_212 = arith.muli %scan3A_161, %mul3A_211 : i32
      %add3A_213 = arith.constant 1 : i32
      %add3A_214 = arith.addi %mul3A_212, %add3A_213 : i32
      %add3A_215 = arith.constant 3 : i32
      %add3A_216 = arith.addi %add3A_214, %add3A_215 : i32
      %lt3A_217 = arith.constant 200 : i32
      %lt3A_218 = arith.cmpi slt, %add3A_216, %lt3A_217 : i32
      %convert_element_type3A_219 = arith.extui %lt3A_218 : i1 to i32
      %cond3A_220 = arith.constant 0 : i32
      %cond3A_221 = arith.cmpi ne, %convert_element_type3A_219, %cond3A_220 : i32
      scf.if %cond3A_221 {
        %add3A_373 = arith.constant 3 : i32
        %add3A_374 = arith.addi %add3A_214, %add3A_373 : i32
        %rem3A_375 = arith.constant 50 : i32
        %rem3A_376 = arith.remsi %add3A_374, %rem3A_375 : i32
        %div3A_377 = arith.constant 50 : i32
        %div3A_378 = arith.divsi %add3A_374, %div3A_377 : i32
        %mul3A_379 = arith.constant 4 : i32
        %mul3A_380 = arith.muli %add3A, %mul3A_379 : i32
        %add3A_381 = arith.addi %mul3A_380, %div3A_378 : i32
        %mul3A_382 = arith.constant 16384 : i32
        %mul3A_383 = arith.muli %rem3A_376, %mul3A_382 : i32
        %mul3A_384 = arith.constant 128 : i32
        %mul3A_385 = arith.muli %add3A_381, %mul3A_384 : i32
        %add3A_386 = arith.addi %mul3A_383, %mul3A_385 : i32
        %dma_start3A_387 = tpu.memref_slice %arg3[%add3A_386] : memref<819200xi32, #tpu.memory_space<hbm>> -> memref<128xi32, #tpu.memory_space<hbm>>
        %dma_start3A_388 = tpu.memref_slice %arg3[%add3A_386] : memref<819200xi32, #tpu.memory_space<hbm>> -> memref<128xi32, #tpu.memory_space<hbm>>
        tpu.enqueue_dma source(%dma_start3A_388 : memref<128xi32, #tpu.memory_space<hbm>>) target(%arg5 : memref<128xi32, #tpu.memory_space<vmem>>) target_semaphore(%arg15 : memref<!tpu.dma_semaphore, #tpu.memory_space<semaphore_mem>>)
      } else {
      }
      %add3A_222 = arith.constant 2 : i32
      %add3A_223 = arith.addi %add3A_214, %add3A_222 : i32
      %lt3A_224 = arith.constant 200 : i32
      %lt3A_225 = arith.cmpi slt, %add3A_223, %lt3A_224 : i32
      %convert_element_type3A_226 = arith.extui %lt3A_225 : i1 to i32
      %cond3A_227 = arith.constant 0 : i32
      %cond3A_228 = arith.cmpi ne, %convert_element_type3A_226, %cond3A_227 : i32
      scf.if %cond3A_228 {
        %add3A_373 = arith.constant 2 : i32
        %add3A_374 = arith.addi %add3A_214, %add3A_373 : i32
        %rem3A_375 = arith.constant 50 : i32
        %rem3A_376 = arith.remsi %add3A_374, %rem3A_375 : i32
        %div3A_377 = arith.constant 50 : i32
        %div3A_378 = arith.divsi %add3A_374, %div3A_377 : i32
        %mul3A_379 = arith.constant 4 : i32
        %mul3A_380 = arith.muli %add3A, %mul3A_379 : i32
        %add3A_381 = arith.addi %mul3A_380, %div3A_378 : i32
        %mul3A_382 = arith.constant 16384 : i32
        %mul3A_383 = arith.muli %rem3A_376, %mul3A_382 : i32
        %mul3A_384 = arith.constant 128 : i32
        %mul3A_385 = arith.muli %add3A_381, %mul3A_384 : i32
        %add3A_386 = arith.addi %mul3A_383, %mul3A_385 : i32
        %dma_wait3A_387 = tpu.memref_slice %arg3[%add3A_386] : memref<819200xi32, #tpu.memory_space<hbm>> -> memref<128xi32, #tpu.memory_space<hbm>>
        %dma_wait3A_388 = tpu.memref_slice %arg3[%add3A_386] : memref<819200xi32, #tpu.memory_space<hbm>> -> memref<128xi32, #tpu.memory_space<hbm>>
        tpu.wait_dma2 semaphore(%arg18 : memref<!tpu.dma_semaphore, #tpu.memory_space<semaphore_mem>>) src(%dma_wait3A_388 : memref<128xi32, #tpu.memory_space<hbm>>) dst(%arg8 : memref<128xi32, #tpu.memory_space<vmem>>)
        %dma_start3A_389 = arith.constant 0 : i32
        %dma_start3A_390 = arith.constant 0 : i32
        %dma_start3A_391 = tpu.memref_slice %arg2[%dma_start3A_389, %dma_start3A_390] : memref<100000x64xf32, #tpu.memory_space<hbm>> -> memref<100000x64xf32, #tpu.memory_space<hbm>>
        tpu.enqueue_indirect_dma source(%dma_start3A_391 : memref<100000x64xf32, #tpu.memory_space<hbm>>) target(%arg12 : memref<128x64xf32, #tpu.memory_space<vmem>>) offsets(%arg8 : memref<128xi32, #tpu.memory_space<vmem>>) semaphore(%arg22 : memref<!tpu.dma_semaphore, #tpu.memory_space<semaphore_mem>>)
      } else {
      }
      %dma_wait3A_229 = arith.constant 0 : i32
      %dma_wait3A_230 = arith.constant 0 : i32
      %dma_wait3A_231 = tpu.memref_slice %arg2[%dma_wait3A_229, %dma_wait3A_230] : memref<100000x64xf32, #tpu.memory_space<hbm>> -> memref<100000x64xf32, #tpu.memory_space<hbm>>
      tpu.wait_indirect_dma semaphore(%arg20 : memref<!tpu.dma_semaphore, #tpu.memory_space<semaphore_mem>>) src(%dma_wait3A_231 : memref<100000x64xf32, #tpu.memory_space<hbm>>) dst(%arg10 : memref<128x64xf32, #tpu.memory_space<vmem>>)
      %ge3A_232 = arith.constant 2 : i32
      %ge3A_233 = arith.cmpi sge, %add3A_214, %ge3A_232 : i32
      %convert_element_type3A_234 = arith.extui %ge3A_233 : i1 to i32
      %cond3A_235 = arith.constant 0 : i32
      %cond3A_236 = arith.cmpi ne, %convert_element_type3A_234, %cond3A_235 : i32
      scf.if %cond3A_236 {
        %sub3A = arith.constant 2 : i32
        %sub3A_373 = arith.subi %add3A_214, %sub3A : i32
        %rem3A_374 = arith.constant 50 : i32
        %rem3A_375 = arith.remsi %sub3A_373, %rem3A_374 : i32
        %div3A_376 = arith.constant 50 : i32
        %div3A_377 = arith.divsi %sub3A_373, %div3A_376 : i32
        %mul3A_378 = arith.constant 4 : i32
        %mul3A_379 = arith.muli %add3A, %mul3A_378 : i32
        %add3A_380 = arith.addi %mul3A_379, %div3A_377 : i32
        %dma_wait3A_381 = arith.constant 0 : i32
        %dma_wait3A_382 = arith.constant 0 : i32
        %dma_wait3A_383 = arith.constant 0 : i32
        %dma_wait3A_384 = tpu.memref_slice %arg14[%dma_wait3A_381, %dma_wait3A_382, %dma_wait3A_383] : memref<8x8x129xf32, #tpu.memory_space<vmem>> -> memref<8x8x128xf32, #tpu.memory_space<vmem>>
        %dma_wait3A_385 = arith.constant 0 : i32
        %dma_wait3A_386 = arith.constant 0 : i32
        %dma_wait3A_387 = arith.constant 0 : i32
        %dma_wait3A_388 = tpu.memref_slice %arg4[%rem3A_375, %dma_wait3A_385, %add3A_380, %dma_wait3A_386, %dma_wait3A_387] : memref<50x8x128x8x128xf32, #tpu.memory_space<hbm>> -> memref<1x8x1x8x128xf32, #tpu.memory_space<hbm>>
        %dma_wait3A_389 = tpu.memref_squeeze %dma_wait3A_388 : memref<1x8x1x8x128xf32, #tpu.memory_space<hbm>> -> memref<8x8x128xf32, #tpu.memory_space<hbm>>
        %dma_wait3A_390 = arith.constant 0 : i32
        %dma_wait3A_391 = arith.constant 0 : i32
        %dma_wait3A_392 = arith.constant 0 : i32
        %dma_wait3A_393 = tpu.memref_slice %arg4[%rem3A_375, %dma_wait3A_390, %add3A_380, %dma_wait3A_391, %dma_wait3A_392] : memref<50x8x128x8x128xf32, #tpu.memory_space<hbm>> -> memref<1x8x1x8x128xf32, #tpu.memory_space<hbm>>
        %dma_wait3A_394 = tpu.memref_squeeze %dma_wait3A_393 : memref<1x8x1x8x128xf32, #tpu.memory_space<hbm>> -> memref<8x8x128xf32, #tpu.memory_space<hbm>>
        %dma_wait3A_395 = arith.constant 0 : i32
        %dma_wait3A_396 = arith.constant 0 : i32
        %dma_wait3A_397 = arith.constant 0 : i32
        %dma_wait3A_398 = tpu.memref_slice %arg14[%dma_wait3A_395, %dma_wait3A_396, %dma_wait3A_397] : memref<8x8x129xf32, #tpu.memory_space<vmem>> -> memref<8x8x128xf32, #tpu.memory_space<vmem>>
        tpu.wait_dma2 semaphore(%arg24 : memref<!tpu.dma_semaphore, #tpu.memory_space<semaphore_mem>>) src(%dma_wait3A_398 : memref<8x8x128xf32, #tpu.memory_space<vmem>>) dst(%dma_wait3A_394 : memref<8x8x128xf32, #tpu.memory_space<hbm>>)
      } else {
      }
      %parallel_loop3A_237 = arith.constant 0 : i32
      %parallel_loop3A_238 = arith.constant 128 : i32
      %parallel_loop3A_239 = arith.constant 1 : i32
      scf.for %parallel_loop3A_373 = %parallel_loop3A_237 to %parallel_loop3A_238 step %parallel_loop3A_239  : i32 {
        %parallel_loop3A_374 = vector.broadcast %parallel_loop3A_373 : i32 to vector<16xi32>
        %parallel_loop3A_375 = arith.addi %broadcast_in_dim3A_5, %parallel_loop3A_374 : vector<16xi32>
        %parallel_loop3A_376 = arith.index_cast %parallel_loop3A_373 : i32 to index
        %parallel_loop3A_377 = arith.constant 0 : index
        %parallel_loop3A_378 = tpu.vector_load %arg10[%parallel_loop3A_376, %parallel_loop3A_377] {strides = array<i32>} : memref<128x64xf32, #tpu.memory_space<vmem>>, vector<16xf32>,
        %parallel_loop3A_379 = arith.constant 1.250000e-01 : f32
        %parallel_loop3A_380 = vector.broadcast %parallel_loop3A_379 : f32 to vector<16xf32>
        %parallel_loop3A_381 = arith.mulf %parallel_loop3A_378, %parallel_loop3A_380 : vector<16xf32>
        tpu.vector_store_idx %arg14[%add3A_8, %rem3A_2, %parallel_loop3A_375], %parallel_loop3A_381 : memref<8x8x129xf32, #tpu.memory_space<vmem>>[vector<16xi32>, vector<16xi32>, vector<16xi32>], vector<16xf32>,
        %parallel_loop3A_382 = arith.index_cast %parallel_loop3A_373 : i32 to index
        %parallel_loop3A_383 = arith.constant 16 : index
        %parallel_loop3A_384 = tpu.vector_load %arg10[%parallel_loop3A_382, %parallel_loop3A_383] {strides = array<i32>} : memref<128x64xf32, #tpu.memory_space<vmem>>, vector<16xf32>,
        %parallel_loop3A_385 = arith.constant 1.250000e-01 : f32
        %parallel_loop3A_386 = vector.broadcast %parallel_loop3A_385 : f32 to vector<16xf32>
        %parallel_loop3A_387 = arith.mulf %parallel_loop3A_384, %parallel_loop3A_386 : vector<16xf32>
        tpu.vector_store_idx %arg14[%add3A_11, %rem3A_2, %parallel_loop3A_375], %parallel_loop3A_387 : memref<8x8x129xf32, #tpu.memory_space<vmem>>[vector<16xi32>, vector<16xi32>, vector<16xi32>], vector<16xf32>,
        %parallel_loop3A_388 = arith.index_cast %parallel_loop3A_373 : i32 to index
        %parallel_loop3A_389 = arith.constant 32 : index
        %parallel_loop3A_390 = tpu.vector_load %arg10[%parallel_loop3A_388, %parallel_loop3A_389] {strides = array<i32>} : memref<128x64xf32, #tpu.memory_space<vmem>>, vector<16xf32>,
        %parallel_loop3A_391 = arith.constant 1.250000e-01 : f32
        %parallel_loop3A_392 = vector.broadcast %parallel_loop3A_391 : f32 to vector<16xf32>
        %parallel_loop3A_393 = arith.mulf %parallel_loop3A_390, %parallel_loop3A_392 : vector<16xf32>
        tpu.vector_store_idx %arg14[%add3A_14, %rem3A_2, %parallel_loop3A_375], %parallel_loop3A_393 : memref<8x8x129xf32, #tpu.memory_space<vmem>>[vector<16xi32>, vector<16xi32>, vector<16xi32>], vector<16xf32>,
        %parallel_loop3A_394 = arith.index_cast %parallel_loop3A_373 : i32 to index
        %parallel_loop3A_395 = arith.constant 48 : index
        %parallel_loop3A_396 = tpu.vector_load %arg10[%parallel_loop3A_394, %parallel_loop3A_395] {strides = array<i32>} : memref<128x64xf32, #tpu.memory_space<vmem>>, vector<16xf32>,
        %parallel_loop3A_397 = arith.constant 1.250000e-01 : f32
        %parallel_loop3A_398 = vector.broadcast %parallel_loop3A_397 : f32 to vector<16xf32>
        %parallel_loop3A_399 = arith.mulf %parallel_loop3A_396, %parallel_loop3A_398 : vector<16xf32>
        tpu.vector_store_idx %arg14[%add3A_17, %rem3A_2, %parallel_loop3A_375], %parallel_loop3A_399 : memref<8x8x129xf32, #tpu.memory_space<vmem>>[vector<16xi32>, vector<16xi32>, vector<16xi32>], vector<16xf32>,
      } {sc.loop_unroll_factor = 8 : i64, sc.parallel_access}
      %rem3A_240 = arith.constant 50 : i32
      %rem3A_241 = arith.remsi %add3A_214, %rem3A_240 : i32
      %div3A_242 = arith.constant 50 : i32
      %div3A_243 = arith.divsi %add3A_214, %div3A_242 : i32
      %mul3A_244 = arith.constant 4 : i32
      %mul3A_245 = arith.muli %add3A, %mul3A_244 : i32
      %add3A_246 = arith.addi %mul3A_245, %div3A_243 : i32
      %dma_start3A_247 = arith.constant 0 : i32
      %dma_start3A_248 = arith.constant 0 : i32
      %dma_start3A_249 = arith.constant 0 : i32
      %dma_start3A_250 = tpu.memref_slice %arg14[%dma_start3A_247, %dma_start3A_248, %dma_start3A_249] : memref<8x8x129xf32, #tpu.memory_space<vmem>> -> memref<8x8x128xf32, #tpu.memory_space<vmem>>
      %dma_start3A_251 = arith.constant 0 : i32
      %dma_start3A_252 = arith.constant 0 : i32
      %dma_start3A_253 = arith.constant 0 : i32
      %dma_start3A_254 = tpu.memref_slice %arg4[%rem3A_241, %dma_start3A_251, %add3A_246, %dma_start3A_252, %dma_start3A_253] : memref<50x8x128x8x128xf32, #tpu.memory_space<hbm>> -> memref<1x8x1x8x128xf32, #tpu.memory_space<hbm>>
      %dma_start3A_255 = tpu.memref_squeeze %dma_start3A_254 : memref<1x8x1x8x128xf32, #tpu.memory_space<hbm>> -> memref<8x8x128xf32, #tpu.memory_space<hbm>>
      %dma_start3A_256 = arith.constant 0 : i32
      %dma_start3A_257 = arith.constant 0 : i32
      %dma_start3A_258 = arith.constant 0 : i32
      %dma_start3A_259 = tpu.memref_slice %arg4[%rem3A_241, %dma_start3A_256, %add3A_246, %dma_start3A_257, %dma_start3A_258] : memref<50x8x128x8x128xf32, #tpu.memory_space<hbm>> -> memref<1x8x1x8x128xf32, #tpu.memory_space<hbm>>
      %dma_start3A_260 = tpu.memref_squeeze %dma_start3A_259 : memref<1x8x1x8x128xf32, #tpu.memory_space<hbm>> -> memref<8x8x128xf32, #tpu.memory_space<hbm>>
      %dma_start3A_261 = arith.constant 0 : i32
      %dma_start3A_262 = arith.constant 0 : i32
      %dma_start3A_263 = arith.constant 0 : i32
      %dma_start3A_264 = tpu.memref_slice %arg14[%dma_start3A_261, %dma_start3A_262, %dma_start3A_263] : memref<8x8x129xf32, #tpu.memory_space<vmem>> -> memref<8x8x128xf32, #tpu.memory_space<vmem>>
      tpu.enqueue_dma source(%dma_start3A_264 : memref<8x8x128xf32, #tpu.memory_space<vmem>>) target(%dma_start3A_260 : memref<8x8x128xf32, #tpu.memory_space<hbm>>) target_semaphore(%arg24 : memref<!tpu.dma_semaphore, #tpu.memory_space<semaphore_mem>>)
      %mul3A_265 = arith.constant 4 : i32
      %mul3A_266 = arith.muli %scan3A_161, %mul3A_265 : i32
      %add3A_267 = arith.constant 2 : i32
      %add3A_268 = arith.addi %mul3A_266, %add3A_267 : i32
      %add3A_269 = arith.constant 3 : i32
      %add3A_270 = arith.addi %add3A_268, %add3A_269 : i32
      %lt3A_271 = arith.constant 200 : i32
      %lt3A_272 = arith.cmpi slt, %add3A_270, %lt3A_271 : i32
      %convert_element_type3A_273 = arith.extui %lt3A_272 : i1 to i32
      %cond3A_274 = arith.constant 0 : i32
      %cond3A_275 = arith.cmpi ne, %convert_element_type3A_273, %cond3A_274 : i32
      scf.if %cond3A_275 {
        %add3A_373 = arith.constant 3 : i32
        %add3A_374 = arith.addi %add3A_268, %add3A_373 : i32
        %rem3A_375 = arith.constant 50 : i32
        %rem3A_376 = arith.remsi %add3A_374, %rem3A_375 : i32
        %div3A_377 = arith.constant 50 : i32
        %div3A_378 = arith.divsi %add3A_374, %div3A_377 : i32
        %mul3A_379 = arith.constant 4 : i32
        %mul3A_380 = arith.muli %add3A, %mul3A_379 : i32
        %add3A_381 = arith.addi %mul3A_380, %div3A_378 : i32
        %mul3A_382 = arith.constant 16384 : i32
        %mul3A_383 = arith.muli %rem3A_376, %mul3A_382 : i32
        %mul3A_384 = arith.constant 128 : i32
        %mul3A_385 = arith.muli %add3A_381, %mul3A_384 : i32
        %add3A_386 = arith.addi %mul3A_383, %mul3A_385 : i32
        %dma_start3A_387 = tpu.memref_slice %arg3[%add3A_386] : memref<819200xi32, #tpu.memory_space<hbm>> -> memref<128xi32, #tpu.memory_space<hbm>>
        %dma_start3A_388 = tpu.memref_slice %arg3[%add3A_386] : memref<819200xi32, #tpu.memory_space<hbm>> -> memref<128xi32, #tpu.memory_space<hbm>>
        tpu.enqueue_dma source(%dma_start3A_388 : memref<128xi32, #tpu.memory_space<hbm>>) target(%arg6 : memref<128xi32, #tpu.memory_space<vmem>>) target_semaphore(%arg16 : memref<!tpu.dma_semaphore, #tpu.memory_space<semaphore_mem>>)
      } else {
      }
      %add3A_276 = arith.constant 2 : i32
      %add3A_277 = arith.addi %add3A_268, %add3A_276 : i32
      %lt3A_278 = arith.constant 200 : i32
      %lt3A_279 = arith.cmpi slt, %add3A_277, %lt3A_278 : i32
      %convert_element_type3A_280 = arith.extui %lt3A_279 : i1 to i32
      %cond3A_281 = arith.constant 0 : i32
      %cond3A_282 = arith.cmpi ne, %convert_element_type3A_280, %cond3A_281 : i32
      scf.if %cond3A_282 {
        %add3A_373 = arith.constant 2 : i32
        %add3A_374 = arith.addi %add3A_268, %add3A_373 : i32
        %rem3A_375 = arith.constant 50 : i32
        %rem3A_376 = arith.remsi %add3A_374, %rem3A_375 : i32
        %div3A_377 = arith.constant 50 : i32
        %div3A_378 = arith.divsi %add3A_374, %div3A_377 : i32
        %mul3A_379 = arith.constant 4 : i32
        %mul3A_380 = arith.muli %add3A, %mul3A_379 : i32
        %add3A_381 = arith.addi %mul3A_380, %div3A_378 : i32
        %mul3A_382 = arith.constant 16384 : i32
        %mul3A_383 = arith.muli %rem3A_376, %mul3A_382 : i32
        %mul3A_384 = arith.constant 128 : i32
        %mul3A_385 = arith.muli %add3A_381, %mul3A_384 : i32
        %add3A_386 = arith.addi %mul3A_383, %mul3A_385 : i32
        %dma_wait3A_387 = tpu.memref_slice %arg3[%add3A_386] : memref<819200xi32, #tpu.memory_space<hbm>> -> memref<128xi32, #tpu.memory_space<hbm>>
        %dma_wait3A_388 = tpu.memref_slice %arg3[%add3A_386] : memref<819200xi32, #tpu.memory_space<hbm>> -> memref<128xi32, #tpu.memory_space<hbm>>
        tpu.wait_dma2 semaphore(%arg15 : memref<!tpu.dma_semaphore, #tpu.memory_space<semaphore_mem>>) src(%dma_wait3A_388 : memref<128xi32, #tpu.memory_space<hbm>>) dst(%arg5 : memref<128xi32, #tpu.memory_space<vmem>>)
        %dma_start3A_389 = arith.constant 0 : i32
        %dma_start3A_390 = arith.constant 0 : i32
        %dma_start3A_391 = tpu.memref_slice %arg2[%dma_start3A_389, %dma_start3A_390] : memref<100000x64xf32, #tpu.memory_space<hbm>> -> memref<100000x64xf32, #tpu.memory_space<hbm>>
        tpu.enqueue_indirect_dma source(%dma_start3A_391 : memref<100000x64xf32, #tpu.memory_space<hbm>>) target(%arg9 : memref<128x64xf32, #tpu.memory_space<vmem>>) offsets(%arg5 : memref<128xi32, #tpu.memory_space<vmem>>) semaphore(%arg19 : memref<!tpu.dma_semaphore, #tpu.memory_space<semaphore_mem>>)
      } else {
      }
      %dma_wait3A_283 = arith.constant 0 : i32
      %dma_wait3A_284 = arith.constant 0 : i32
      %dma_wait3A_285 = tpu.memref_slice %arg2[%dma_wait3A_283, %dma_wait3A_284] : memref<100000x64xf32, #tpu.memory_space<hbm>> -> memref<100000x64xf32, #tpu.memory_space<hbm>>
      tpu.wait_indirect_dma semaphore(%arg21 : memref<!tpu.dma_semaphore, #tpu.memory_space<semaphore_mem>>) src(%dma_wait3A_285 : memref<100000x64xf32, #tpu.memory_space<hbm>>) dst(%arg11 : memref<128x64xf32, #tpu.memory_space<vmem>>)
      %ge3A_286 = arith.constant 2 : i32
      %ge3A_287 = arith.cmpi sge, %add3A_268, %ge3A_286 : i32
      %convert_element_type3A_288 = arith.extui %ge3A_287 : i1 to i32
      %cond3A_289 = arith.constant 0 : i32
      %cond3A_290 = arith.cmpi ne, %convert_element_type3A_288, %cond3A_289 : i32
      scf.if %cond3A_290 {
        %sub3A = arith.constant 2 : i32
        %sub3A_373 = arith.subi %add3A_268, %sub3A : i32
        %rem3A_374 = arith.constant 50 : i32
        %rem3A_375 = arith.remsi %sub3A_373, %rem3A_374 : i32
        %div3A_376 = arith.constant 50 : i32
        %div3A_377 = arith.divsi %sub3A_373, %div3A_376 : i32
        %mul3A_378 = arith.constant 4 : i32
        %mul3A_379 = arith.muli %add3A, %mul3A_378 : i32
        %add3A_380 = arith.addi %mul3A_379, %div3A_377 : i32
        %dma_wait3A_381 = arith.constant 0 : i32
        %dma_wait3A_382 = arith.constant 0 : i32
        %dma_wait3A_383 = arith.constant 0 : i32
        %dma_wait3A_384 = tpu.memref_slice %arg13[%dma_wait3A_381, %dma_wait3A_382, %dma_wait3A_383] : memref<8x8x129xf32, #tpu.memory_space<vmem>> -> memref<8x8x128xf32, #tpu.memory_space<vmem>>
        %dma_wait3A_385 = arith.constant 0 : i32
        %dma_wait3A_386 = arith.constant 0 : i32
        %dma_wait3A_387 = arith.constant 0 : i32
        %dma_wait3A_388 = tpu.memref_slice %arg4[%rem3A_375, %dma_wait3A_385, %add3A_380, %dma_wait3A_386, %dma_wait3A_387] : memref<50x8x128x8x128xf32, #tpu.memory_space<hbm>> -> memref<1x8x1x8x128xf32, #tpu.memory_space<hbm>>
        %dma_wait3A_389 = tpu.memref_squeeze %dma_wait3A_388 : memref<1x8x1x8x128xf32, #tpu.memory_space<hbm>> -> memref<8x8x128xf32, #tpu.memory_space<hbm>>
        %dma_wait3A_390 = arith.constant 0 : i32
        %dma_wait3A_391 = arith.constant 0 : i32
        %dma_wait3A_392 = arith.constant 0 : i32
        %dma_wait3A_393 = tpu.memref_slice %arg4[%rem3A_375, %dma_wait3A_390, %add3A_380, %dma_wait3A_391, %dma_wait3A_392] : memref<50x8x128x8x128xf32, #tpu.memory_space<hbm>> -> memref<1x8x1x8x128xf32, #tpu.memory_space<hbm>>
        %dma_wait3A_394 = tpu.memref_squeeze %dma_wait3A_393 : memref<1x8x1x8x128xf32, #tpu.memory_space<hbm>> -> memref<8x8x128xf32, #tpu.memory_space<hbm>>
        %dma_wait3A_395 = arith.constant 0 : i32
        %dma_wait3A_396 = arith.constant 0 : i32
        %dma_wait3A_397 = arith.constant 0 : i32
        %dma_wait3A_398 = tpu.memref_slice %arg13[%dma_wait3A_395, %dma_wait3A_396, %dma_wait3A_397] : memref<8x8x129xf32, #tpu.memory_space<vmem>> -> memref<8x8x128xf32, #tpu.memory_space<vmem>>
        tpu.wait_dma2 semaphore(%arg23 : memref<!tpu.dma_semaphore, #tpu.memory_space<semaphore_mem>>) src(%dma_wait3A_398 : memref<8x8x128xf32, #tpu.memory_space<vmem>>) dst(%dma_wait3A_394 : memref<8x8x128xf32, #tpu.memory_space<hbm>>)
      } else {
      }
      %parallel_loop3A_291 = arith.constant 0 : i32
      %parallel_loop3A_292 = arith.constant 128 : i32
      %parallel_loop3A_293 = arith.constant 1 : i32
      scf.for %parallel_loop3A_373 = %parallel_loop3A_291 to %parallel_loop3A_292 step %parallel_loop3A_293  : i32 {
        %parallel_loop3A_374 = vector.broadcast %parallel_loop3A_373 : i32 to vector<16xi32>
        %parallel_loop3A_375 = arith.addi %broadcast_in_dim3A_5, %parallel_loop3A_374 : vector<16xi32>
        %parallel_loop3A_376 = arith.index_cast %parallel_loop3A_373 : i32 to index
        %parallel_loop3A_377 = arith.constant 0 : index
        %parallel_loop3A_378 = tpu.vector_load %arg11[%parallel_loop3A_376, %parallel_loop3A_377] {strides = array<i32>} : memref<128x64xf32, #tpu.memory_space<vmem>>, vector<16xf32>,
        %parallel_loop3A_379 = arith.constant 1.250000e-01 : f32
        %parallel_loop3A_380 = vector.broadcast %parallel_loop3A_379 : f32 to vector<16xf32>
        %parallel_loop3A_381 = arith.mulf %parallel_loop3A_378, %parallel_loop3A_380 : vector<16xf32>
        tpu.vector_store_idx %arg13[%add3A_8, %rem3A_2, %parallel_loop3A_375], %parallel_loop3A_381 : memref<8x8x129xf32, #tpu.memory_space<vmem>>[vector<16xi32>, vector<16xi32>, vector<16xi32>], vector<16xf32>,
        %parallel_loop3A_382 = arith.index_cast %parallel_loop3A_373 : i32 to index
        %parallel_loop3A_383 = arith.constant 16 : index
        %parallel_loop3A_384 = tpu.vector_load %arg11[%parallel_loop3A_382, %parallel_loop3A_383] {strides = array<i32>} : memref<128x64xf32, #tpu.memory_space<vmem>>, vector<16xf32>,
        %parallel_loop3A_385 = arith.constant 1.250000e-01 : f32
        %parallel_loop3A_386 = vector.broadcast %parallel_loop3A_385 : f32 to vector<16xf32>
        %parallel_loop3A_387 = arith.mulf %parallel_loop3A_384, %parallel_loop3A_386 : vector<16xf32>
        tpu.vector_store_idx %arg13[%add3A_11, %rem3A_2, %parallel_loop3A_375], %parallel_loop3A_387 : memref<8x8x129xf32, #tpu.memory_space<vmem>>[vector<16xi32>, vector<16xi32>, vector<16xi32>], vector<16xf32>,
        %parallel_loop3A_388 = arith.index_cast %parallel_loop3A_373 : i32 to index
        %parallel_loop3A_389 = arith.constant 32 : index
        %parallel_loop3A_390 = tpu.vector_load %arg11[%parallel_loop3A_388, %parallel_loop3A_389] {strides = array<i32>} : memref<128x64xf32, #tpu.memory_space<vmem>>, vector<16xf32>,
        %parallel_loop3A_391 = arith.constant 1.250000e-01 : f32
        %parallel_loop3A_392 = vector.broadcast %parallel_loop3A_391 : f32 to vector<16xf32>
        %parallel_loop3A_393 = arith.mulf %parallel_loop3A_390, %parallel_loop3A_392 : vector<16xf32>
        tpu.vector_store_idx %arg13[%add3A_14, %rem3A_2, %parallel_loop3A_375], %parallel_loop3A_393 : memref<8x8x129xf32, #tpu.memory_space<vmem>>[vector<16xi32>, vector<16xi32>, vector<16xi32>], vector<16xf32>,
        %parallel_loop3A_394 = arith.index_cast %parallel_loop3A_373 : i32 to index
        %parallel_loop3A_395 = arith.constant 48 : index
        %parallel_loop3A_396 = tpu.vector_load %arg11[%parallel_loop3A_394, %parallel_loop3A_395] {strides = array<i32>} : memref<128x64xf32, #tpu.memory_space<vmem>>, vector<16xf32>,
        %parallel_loop3A_397 = arith.constant 1.250000e-01 : f32
        %parallel_loop3A_398 = vector.broadcast %parallel_loop3A_397 : f32 to vector<16xf32>
        %parallel_loop3A_399 = arith.mulf %parallel_loop3A_396, %parallel_loop3A_398 : vector<16xf32>
        tpu.vector_store_idx %arg13[%add3A_17, %rem3A_2, %parallel_loop3A_375], %parallel_loop3A_399 : memref<8x8x129xf32, #tpu.memory_space<vmem>>[vector<16xi32>, vector<16xi32>, vector<16xi32>], vector<16xf32>,
      } {sc.loop_unroll_factor = 8 : i64, sc.parallel_access}
      %rem3A_294 = arith.constant 50 : i32
      %rem3A_295 = arith.remsi %add3A_268, %rem3A_294 : i32
      %div3A_296 = arith.constant 50 : i32
      %div3A_297 = arith.divsi %add3A_268, %div3A_296 : i32
      %mul3A_298 = arith.constant 4 : i32
      %mul3A_299 = arith.muli %add3A, %mul3A_298 : i32
      %add3A_300 = arith.addi %mul3A_299, %div3A_297 : i32
      %dma_start3A_301 = arith.constant 0 : i32
      %dma_start3A_302 = arith.constant 0 : i32
      %dma_start3A_303 = arith.constant 0 : i32
      %dma_start3A_304 = tpu.memref_slice %arg13[%dma_start3A_301, %dma_start3A_302, %dma_start3A_303] : memref<8x8x129xf32, #tpu.memory_space<vmem>> -> memref<8x8x128xf32, #tpu.memory_space<vmem>>
      %dma_start3A_305 = arith.constant 0 : i32
      %dma_start3A_306 = arith.constant 0 : i32
      %dma_start3A_307 = arith.constant 0 : i32
      %dma_start3A_308 = tpu.memref_slice %arg4[%rem3A_295, %dma_start3A_305, %add3A_300, %dma_start3A_306, %dma_start3A_307] : memref<50x8x128x8x128xf32, #tpu.memory_space<hbm>> -> memref<1x8x1x8x128xf32, #tpu.memory_space<hbm>>
      %dma_start3A_309 = tpu.memref_squeeze %dma_start3A_308 : memref<1x8x1x8x128xf32, #tpu.memory_space<hbm>> -> memref<8x8x128xf32, #tpu.memory_space<hbm>>
      %dma_start3A_310 = arith.constant 0 : i32
      %dma_start3A_311 = arith.constant 0 : i32
      %dma_start3A_312 = arith.constant 0 : i32
      %dma_start3A_313 = tpu.memref_slice %arg4[%rem3A_295, %dma_start3A_310, %add3A_300, %dma_start3A_311, %dma_start3A_312] : memref<50x8x128x8x128xf32, #tpu.memory_space<hbm>> -> memref<1x8x1x8x128xf32, #tpu.memory_space<hbm>>
      %dma_start3A_314 = tpu.memref_squeeze %dma_start3A_313 : memref<1x8x1x8x128xf32, #tpu.memory_space<hbm>> -> memref<8x8x128xf32, #tpu.memory_space<hbm>>
      %dma_start3A_315 = arith.constant 0 : i32
      %dma_start3A_316 = arith.constant 0 : i32
      %dma_start3A_317 = arith.constant 0 : i32
      %dma_start3A_318 = tpu.memref_slice %arg13[%dma_start3A_315, %dma_start3A_316, %dma_start3A_317] : memref<8x8x129xf32, #tpu.memory_space<vmem>> -> memref<8x8x128xf32, #tpu.memory_space<vmem>>
      tpu.enqueue_dma source(%dma_start3A_318 : memref<8x8x128xf32, #tpu.memory_space<vmem>>) target(%dma_start3A_314 : memref<8x8x128xf32, #tpu.memory_space<hbm>>) target_semaphore(%arg23 : memref<!tpu.dma_semaphore, #tpu.memory_space<semaphore_mem>>)
      %mul3A_319 = arith.constant 4 : i32
      %mul3A_320 = arith.muli %scan3A_161, %mul3A_319 : i32
      %add3A_321 = arith.constant 3 : i32
      %add3A_322 = arith.addi %mul3A_320, %add3A_321 : i32
      %add3A_323 = arith.constant 3 : i32
      %add3A_324 = arith.addi %add3A_322, %add3A_323 : i32
      %lt3A_325 = arith.constant 200 : i32
      %lt3A_326 = arith.cmpi slt, %add3A_324, %lt3A_325 : i32
      %convert_element_type3A_327 = arith.extui %lt3A_326 : i1 to i32
      %cond3A_328 = arith.constant 0 : i32
      %cond3A_329 = arith.cmpi ne, %convert_element_type3A_327, %cond3A_328 : i32
      scf.if %cond3A_329 {
        %add3A_373 = arith.constant 3 : i32
        %add3A_374 = arith.addi %add3A_322, %add3A_373 : i32
        %rem3A_375 = arith.constant 50 : i32
        %rem3A_376 = arith.remsi %add3A_374, %rem3A_375 : i32
        %div3A_377 = arith.constant 50 : i32
        %div3A_378 = arith.divsi %add3A_374, %div3A_377 : i32
        %mul3A_379 = arith.constant 4 : i32
        %mul3A_380 = arith.muli %add3A, %mul3A_379 : i32
        %add3A_381 = arith.addi %mul3A_380, %div3A_378 : i32
        %mul3A_382 = arith.constant 16384 : i32
        %mul3A_383 = arith.muli %rem3A_376, %mul3A_382 : i32
        %mul3A_384 = arith.constant 128 : i32
        %mul3A_385 = arith.muli %add3A_381, %mul3A_384 : i32
        %add3A_386 = arith.addi %mul3A_383, %mul3A_385 : i32
        %dma_start3A_387 = tpu.memref_slice %arg3[%add3A_386] : memref<819200xi32, #tpu.memory_space<hbm>> -> memref<128xi32, #tpu.memory_space<hbm>>
        %dma_start3A_388 = tpu.memref_slice %arg3[%add3A_386] : memref<819200xi32, #tpu.memory_space<hbm>> -> memref<128xi32, #tpu.memory_space<hbm>>
        tpu.enqueue_dma source(%dma_start3A_388 : memref<128xi32, #tpu.memory_space<hbm>>) target(%arg7 : memref<128xi32, #tpu.memory_space<vmem>>) target_semaphore(%arg17 : memref<!tpu.dma_semaphore, #tpu.memory_space<semaphore_mem>>)
      } else {
      }
      %add3A_330 = arith.constant 2 : i32
      %add3A_331 = arith.addi %add3A_322, %add3A_330 : i32
      %lt3A_332 = arith.constant 200 : i32
      %lt3A_333 = arith.cmpi slt, %add3A_331, %lt3A_332 : i32
      %convert_element_type3A_334 = arith.extui %lt3A_333 : i1 to i32
      %cond3A_335 = arith.constant 0 : i32
      %cond3A_336 = arith.cmpi ne, %convert_element_type3A_334, %cond3A_335 : i32
      scf.if %cond3A_336 {
        %add3A_373 = arith.constant 2 : i32
        %add3A_374 = arith.addi %add3A_322, %add3A_373 : i32
        %rem3A_375 = arith.constant 50 : i32
        %rem3A_376 = arith.remsi %add3A_374, %rem3A_375 : i32
        %div3A_377 = arith.constant 50 : i32
        %div3A_378 = arith.divsi %add3A_374, %div3A_377 : i32
        %mul3A_379 = arith.constant 4 : i32
        %mul3A_380 = arith.muli %add3A, %mul3A_379 : i32
        %add3A_381 = arith.addi %mul3A_380, %div3A_378 : i32
        %mul3A_382 = arith.constant 16384 : i32
        %mul3A_383 = arith.muli %rem3A_376, %mul3A_382 : i32
        %mul3A_384 = arith.constant 128 : i32
        %mul3A_385 = arith.muli %add3A_381, %mul3A_384 : i32
        %add3A_386 = arith.addi %mul3A_383, %mul3A_385 : i32
        %dma_wait3A_387 = tpu.memref_slice %arg3[%add3A_386] : memref<819200xi32, #tpu.memory_space<hbm>> -> memref<128xi32, #tpu.memory_space<hbm>>
        %dma_wait3A_388 = tpu.memref_slice %arg3[%add3A_386] : memref<819200xi32, #tpu.memory_space<hbm>> -> memref<128xi32, #tpu.memory_space<hbm>>
        tpu.wait_dma2 semaphore(%arg16 : memref<!tpu.dma_semaphore, #tpu.memory_space<semaphore_mem>>) src(%dma_wait3A_388 : memref<128xi32, #tpu.memory_space<hbm>>) dst(%arg6 : memref<128xi32, #tpu.memory_space<vmem>>)
        %dma_start3A_389 = arith.constant 0 : i32
        %dma_start3A_390 = arith.constant 0 : i32
        %dma_start3A_391 = tpu.memref_slice %arg2[%dma_start3A_389, %dma_start3A_390] : memref<100000x64xf32, #tpu.memory_space<hbm>> -> memref<100000x64xf32, #tpu.memory_space<hbm>>
        tpu.enqueue_indirect_dma source(%dma_start3A_391 : memref<100000x64xf32, #tpu.memory_space<hbm>>) target(%arg10 : memref<128x64xf32, #tpu.memory_space<vmem>>) offsets(%arg6 : memref<128xi32, #tpu.memory_space<vmem>>) semaphore(%arg20 : memref<!tpu.dma_semaphore, #tpu.memory_space<semaphore_mem>>)
      } else {
      }
      %dma_wait3A_337 = arith.constant 0 : i32
      %dma_wait3A_338 = arith.constant 0 : i32
      %dma_wait3A_339 = tpu.memref_slice %arg2[%dma_wait3A_337, %dma_wait3A_338] : memref<100000x64xf32, #tpu.memory_space<hbm>> -> memref<100000x64xf32, #tpu.memory_space<hbm>>
      tpu.wait_indirect_dma semaphore(%arg22 : memref<!tpu.dma_semaphore, #tpu.memory_space<semaphore_mem>>) src(%dma_wait3A_339 : memref<100000x64xf32, #tpu.memory_space<hbm>>) dst(%arg12 : memref<128x64xf32, #tpu.memory_space<vmem>>)
      %ge3A_340 = arith.constant 2 : i32
      %ge3A_341 = arith.cmpi sge, %add3A_322, %ge3A_340 : i32
      %convert_element_type3A_342 = arith.extui %ge3A_341 : i1 to i32
      %cond3A_343 = arith.constant 0 : i32
      %cond3A_344 = arith.cmpi ne, %convert_element_type3A_342, %cond3A_343 : i32
      scf.if %cond3A_344 {
        %sub3A = arith.constant 2 : i32
        %sub3A_373 = arith.subi %add3A_322, %sub3A : i32
        %rem3A_374 = arith.constant 50 : i32
        %rem3A_375 = arith.remsi %sub3A_373, %rem3A_374 : i32
        %div3A_376 = arith.constant 50 : i32
        %div3A_377 = arith.divsi %sub3A_373, %div3A_376 : i32
        %mul3A_378 = arith.constant 4 : i32
        %mul3A_379 = arith.muli %add3A, %mul3A_378 : i32
        %add3A_380 = arith.addi %mul3A_379, %div3A_377 : i32
        %dma_wait3A_381 = arith.constant 0 : i32
        %dma_wait3A_382 = arith.constant 0 : i32
        %dma_wait3A_383 = arith.constant 0 : i32
        %dma_wait3A_384 = tpu.memref_slice %arg14[%dma_wait3A_381, %dma_wait3A_382, %dma_wait3A_383] : memref<8x8x129xf32, #tpu.memory_space<vmem>> -> memref<8x8x128xf32, #tpu.memory_space<vmem>>
        %dma_wait3A_385 = arith.constant 0 : i32
        %dma_wait3A_386 = arith.constant 0 : i32
        %dma_wait3A_387 = arith.constant 0 : i32
        %dma_wait3A_388 = tpu.memref_slice %arg4[%rem3A_375, %dma_wait3A_385, %add3A_380, %dma_wait3A_386, %dma_wait3A_387] : memref<50x8x128x8x128xf32, #tpu.memory_space<hbm>> -> memref<1x8x1x8x128xf32, #tpu.memory_space<hbm>>
        %dma_wait3A_389 = tpu.memref_squeeze %dma_wait3A_388 : memref<1x8x1x8x128xf32, #tpu.memory_space<hbm>> -> memref<8x8x128xf32, #tpu.memory_space<hbm>>
        %dma_wait3A_390 = arith.constant 0 : i32
        %dma_wait3A_391 = arith.constant 0 : i32
        %dma_wait3A_392 = arith.constant 0 : i32
        %dma_wait3A_393 = tpu.memref_slice %arg4[%rem3A_375, %dma_wait3A_390, %add3A_380, %dma_wait3A_391, %dma_wait3A_392] : memref<50x8x128x8x128xf32, #tpu.memory_space<hbm>> -> memref<1x8x1x8x128xf32, #tpu.memory_space<hbm>>
        %dma_wait3A_394 = tpu.memref_squeeze %dma_wait3A_393 : memref<1x8x1x8x128xf32, #tpu.memory_space<hbm>> -> memref<8x8x128xf32, #tpu.memory_space<hbm>>
        %dma_wait3A_395 = arith.constant 0 : i32
        %dma_wait3A_396 = arith.constant 0 : i32
        %dma_wait3A_397 = arith.constant 0 : i32
        %dma_wait3A_398 = tpu.memref_slice %arg14[%dma_wait3A_395, %dma_wait3A_396, %dma_wait3A_397] : memref<8x8x129xf32, #tpu.memory_space<vmem>> -> memref<8x8x128xf32, #tpu.memory_space<vmem>>
        tpu.wait_dma2 semaphore(%arg24 : memref<!tpu.dma_semaphore, #tpu.memory_space<semaphore_mem>>) src(%dma_wait3A_398 : memref<8x8x128xf32, #tpu.memory_space<vmem>>) dst(%dma_wait3A_394 : memref<8x8x128xf32, #tpu.memory_space<hbm>>)
      } else {
      }
      %parallel_loop3A_345 = arith.constant 0 : i32
      %parallel_loop3A_346 = arith.constant 128 : i32
      %parallel_loop3A_347 = arith.constant 1 : i32
      scf.for %parallel_loop3A_373 = %parallel_loop3A_345 to %parallel_loop3A_346 step %parallel_loop3A_347  : i32 {
        %parallel_loop3A_374 = vector.broadcast %parallel_loop3A_373 : i32 to vector<16xi32>
        %parallel_loop3A_375 = arith.addi %broadcast_in_dim3A_5, %parallel_loop3A_374 : vector<16xi32>
        %parallel_loop3A_376 = arith.index_cast %parallel_loop3A_373 : i32 to index
        %parallel_loop3A_377 = arith.constant 0 : index
        %parallel_loop3A_378 = tpu.vector_load %arg12[%parallel_loop3A_376, %parallel_loop3A_377] {strides = array<i32>} : memref<128x64xf32, #tpu.memory_space<vmem>>, vector<16xf32>,
        %parallel_loop3A_379 = arith.constant 1.250000e-01 : f32
        %parallel_loop3A_380 = vector.broadcast %parallel_loop3A_379 : f32 to vector<16xf32>
        %parallel_loop3A_381 = arith.mulf %parallel_loop3A_378, %parallel_loop3A_380 : vector<16xf32>
        tpu.vector_store_idx %arg14[%add3A_8, %rem3A_2, %parallel_loop3A_375], %parallel_loop3A_381 : memref<8x8x129xf32, #tpu.memory_space<vmem>>[vector<16xi32>, vector<16xi32>, vector<16xi32>], vector<16xf32>,
        %parallel_loop3A_382 = arith.index_cast %parallel_loop3A_373 : i32 to index
        %parallel_loop3A_383 = arith.constant 16 : index
        %parallel_loop3A_384 = tpu.vector_load %arg12[%parallel_loop3A_382, %parallel_loop3A_383] {strides = array<i32>} : memref<128x64xf32, #tpu.memory_space<vmem>>, vector<16xf32>,
        %parallel_loop3A_385 = arith.constant 1.250000e-01 : f32
        %parallel_loop3A_386 = vector.broadcast %parallel_loop3A_385 : f32 to vector<16xf32>
        %parallel_loop3A_387 = arith.mulf %parallel_loop3A_384, %parallel_loop3A_386 : vector<16xf32>
        tpu.vector_store_idx %arg14[%add3A_11, %rem3A_2, %parallel_loop3A_375], %parallel_loop3A_387 : memref<8x8x129xf32, #tpu.memory_space<vmem>>[vector<16xi32>, vector<16xi32>, vector<16xi32>], vector<16xf32>,
        %parallel_loop3A_388 = arith.index_cast %parallel_loop3A_373 : i32 to index
        %parallel_loop3A_389 = arith.constant 32 : index
        %parallel_loop3A_390 = tpu.vector_load %arg12[%parallel_loop3A_388, %parallel_loop3A_389] {strides = array<i32>} : memref<128x64xf32, #tpu.memory_space<vmem>>, vector<16xf32>,
        %parallel_loop3A_391 = arith.constant 1.250000e-01 : f32
        %parallel_loop3A_392 = vector.broadcast %parallel_loop3A_391 : f32 to vector<16xf32>
        %parallel_loop3A_393 = arith.mulf %parallel_loop3A_390, %parallel_loop3A_392 : vector<16xf32>
        tpu.vector_store_idx %arg14[%add3A_14, %rem3A_2, %parallel_loop3A_375], %parallel_loop3A_393 : memref<8x8x129xf32, #tpu.memory_space<vmem>>[vector<16xi32>, vector<16xi32>, vector<16xi32>], vector<16xf32>,
        %parallel_loop3A_394 = arith.index_cast %parallel_loop3A_373 : i32 to index
        %parallel_loop3A_395 = arith.constant 48 : index
        %parallel_loop3A_396 = tpu.vector_load %arg12[%parallel_loop3A_394, %parallel_loop3A_395] {strides = array<i32>} : memref<128x64xf32, #tpu.memory_space<vmem>>, vector<16xf32>,
        %parallel_loop3A_397 = arith.constant 1.250000e-01 : f32
        %parallel_loop3A_398 = vector.broadcast %parallel_loop3A_397 : f32 to vector<16xf32>
        %parallel_loop3A_399 = arith.mulf %parallel_loop3A_396, %parallel_loop3A_398 : vector<16xf32>
        tpu.vector_store_idx %arg14[%add3A_17, %rem3A_2, %parallel_loop3A_375], %parallel_loop3A_399 : memref<8x8x129xf32, #tpu.memory_space<vmem>>[vector<16xi32>, vector<16xi32>, vector<16xi32>], vector<16xf32>,
      } {sc.loop_unroll_factor = 8 : i64, sc.parallel_access}
      %rem3A_348 = arith.constant 50 : i32
      %rem3A_349 = arith.remsi %add3A_322, %rem3A_348 : i32
      %div3A_350 = arith.constant 50 : i32
      %div3A_351 = arith.divsi %add3A_322, %div3A_350 : i32
      %mul3A_352 = arith.constant 4 : i32
      %mul3A_353 = arith.muli %add3A, %mul3A_352 : i32
      %add3A_354 = arith.addi %mul3A_353, %div3A_351 : i32
      %dma_start3A_355 = arith.constant 0 : i32
      %dma_start3A_356 = arith.constant 0 : i32
      %dma_start3A_357 = arith.constant 0 : i32
      %dma_start3A_358 = tpu.memref_slice %arg14[%dma_start3A_355, %dma_start3A_356, %dma_start3A_357] : memref<8x8x129xf32, #tpu.memory_space<vmem>> -> memref<8x8x128xf32, #tpu.memory_space<vmem>>
      %dma_start3A_359 = arith.constant 0 : i32
      %dma_start3A_360 = arith.constant 0 : i32
      %dma_start3A_361 = arith.constant 0 : i32
      %dma_start3A_362 = tpu.memref_slice %arg4[%rem3A_349, %dma_start3A_359, %add3A_354, %dma_start3A_360, %dma_start3A_361] : memref<50x8x128x8x128xf32, #tpu.memory_space<hbm>> -> memref<1x8x1x8x128xf32, #tpu.memory_space<hbm>>
      %dma_start3A_363 = tpu.memref_squeeze %dma_start3A_362 : memref<1x8x1x8x128xf32, #tpu.memory_space<hbm>> -> memref<8x8x128xf32, #tpu.memory_space<hbm>>
      %dma_start3A_364 = arith.constant 0 : i32
      %dma_start3A_365 = arith.constant 0 : i32
      %dma_start3A_366 = arith.constant 0 : i32
      %dma_start3A_367 = tpu.memref_slice %arg4[%rem3A_349, %dma_start3A_364, %add3A_354, %dma_start3A_365, %dma_start3A_366] : memref<50x8x128x8x128xf32, #tpu.memory_space<hbm>> -> memref<1x8x1x8x128xf32, #tpu.memory_space<hbm>>
      %dma_start3A_368 = tpu.memref_squeeze %dma_start3A_367 : memref<1x8x1x8x128xf32, #tpu.memory_space<hbm>> -> memref<8x8x128xf32, #tpu.memory_space<hbm>>
      %dma_start3A_369 = arith.constant 0 : i32
      %dma_start3A_370 = arith.constant 0 : i32
      %dma_start3A_371 = arith.constant 0 : i32
      %dma_start3A_372 = tpu.memref_slice %arg14[%dma_start3A_369, %dma_start3A_370, %dma_start3A_371] : memref<8x8x129xf32, #tpu.memory_space<vmem>> -> memref<8x8x128xf32, #tpu.memory_space<vmem>>
      tpu.enqueue_dma source(%dma_start3A_372 : memref<8x8x128xf32, #tpu.memory_space<vmem>>) target(%dma_start3A_368 : memref<8x8x128xf32, #tpu.memory_space<hbm>>) target_semaphore(%arg24 : memref<!tpu.dma_semaphore, #tpu.memory_space<semaphore_mem>>)
    }
    %scan3A_106 = arith.constant 50 : i32
    %rem3A_107 = arith.constant 198 : i32
    %rem3A_108 = arith.constant 50 : i32
    %rem3A_109 = arith.remsi %rem3A_107, %rem3A_108 : i32
    %div3A_110 = arith.constant 198 : i32
    %div3A_111 = arith.constant 50 : i32
    %div3A_112 = arith.divsi %div3A_110, %div3A_111 : i32
    %mul3A_113 = arith.constant 4 : i32
    %mul3A_114 = arith.muli %add3A, %mul3A_113 : i32
    %add3A_115 = arith.addi %mul3A_114, %div3A_112 : i32
    %dma_wait3A_116 = arith.constant 0 : i32
    %dma_wait3A_117 = arith.constant 0 : i32
    %dma_wait3A_118 = arith.constant 0 : i32
    %dma_wait3A_119 = tpu.memref_slice %arg13[%dma_wait3A_116, %dma_wait3A_117, %dma_wait3A_118] : memref<8x8x129xf32, #tpu.memory_space<vmem>> -> memref<8x8x128xf32, #tpu.memory_space<vmem>>
    %dma_wait3A_120 = arith.constant 0 : i32
    %dma_wait3A_121 = arith.constant 0 : i32
    %dma_wait3A_122 = arith.constant 0 : i32
    %dma_wait3A_123 = tpu.memref_slice %arg4[%rem3A_109, %dma_wait3A_120, %add3A_115, %dma_wait3A_121, %dma_wait3A_122] : memref<50x8x128x8x128xf32, #tpu.memory_space<hbm>> -> memref<1x8x1x8x128xf32, #tpu.memory_space<hbm>>
    %dma_wait3A_124 = tpu.memref_squeeze %dma_wait3A_123 : memref<1x8x1x8x128xf32, #tpu.memory_space<hbm>> -> memref<8x8x128xf32, #tpu.memory_space<hbm>>
    %dma_wait3A_125 = arith.constant 0 : i32
    %dma_wait3A_126 = arith.constant 0 : i32
    %dma_wait3A_127 = arith.constant 0 : i32
    %dma_wait3A_128 = tpu.memref_slice %arg4[%rem3A_109, %dma_wait3A_125, %add3A_115, %dma_wait3A_126, %dma_wait3A_127] : memref<50x8x128x8x128xf32, #tpu.memory_space<hbm>> -> memref<1x8x1x8x128xf32, #tpu.memory_space<hbm>>
    %dma_wait3A_129 = tpu.memref_squeeze %dma_wait3A_128 : memref<1x8x1x8x128xf32, #tpu.memory_space<hbm>> -> memref<8x8x128xf32, #tpu.memory_space<hbm>>
    %dma_wait3A_130 = arith.constant 0 : i32
    %dma_wait3A_131 = arith.constant 0 : i32
    %dma_wait3A_132 = arith.constant 0 : i32
    %dma_wait3A_133 = tpu.memref_slice %arg13[%dma_wait3A_130, %dma_wait3A_131, %dma_wait3A_132] : memref<8x8x129xf32, #tpu.memory_space<vmem>> -> memref<8x8x128xf32, #tpu.memory_space<vmem>>
    tpu.wait_dma2 semaphore(%arg23 : memref<!tpu.dma_semaphore, #tpu.memory_space<semaphore_mem>>) src(%dma_wait3A_133 : memref<8x8x128xf32, #tpu.memory_space<vmem>>) dst(%dma_wait3A_129 : memref<8x8x128xf32, #tpu.memory_space<hbm>>)
    %rem3A_134 = arith.constant 199 : i32
    %rem3A_135 = arith.constant 50 : i32
    %rem3A_136 = arith.remsi %rem3A_134, %rem3A_135 : i32
    %div3A_137 = arith.constant 199 : i32
    %div3A_138 = arith.constant 50 : i32
    %div3A_139 = arith.divsi %div3A_137, %div3A_138 : i32
    %mul3A_140 = arith.constant 4 : i32
    %mul3A_141 = arith.muli %add3A, %mul3A_140 : i32
    %add3A_142 = arith.addi %mul3A_141, %div3A_139 : i32
    %dma_wait3A_143 = arith.constant 0 : i32
    %dma_wait3A_144 = arith.constant 0 : i32
    %dma_wait3A_145 = arith.constant 0 : i32
    %dma_wait3A_146 = tpu.memref_slice %arg14[%dma_wait3A_143, %dma_wait3A_144, %dma_wait3A_145] : memref<8x8x129xf32, #tpu.memory_space<vmem>> -> memref<8x8x128xf32, #tpu.memory_space<vmem>>
    %dma_wait3A_147 = arith.constant 0 : i32
    %dma_wait3A_148 = arith.constant 0 : i32
    %dma_wait3A_149 = arith.constant 0 : i32
    %dma_wait3A_150 = tpu.memref_slice %arg4[%rem3A_136, %dma_wait3A_147, %add3A_142, %dma_wait3A_148, %dma_wait3A_149] : memref<50x8x128x8x128xf32, #tpu.memory_space<hbm>> -> memref<1x8x1x8x128xf32, #tpu.memory_space<hbm>>
    %dma_wait3A_151 = tpu.memref_squeeze %dma_wait3A_150 : memref<1x8x1x8x128xf32, #tpu.memory_space<hbm>> -> memref<8x8x128xf32, #tpu.memory_space<hbm>>
    %dma_wait3A_152 = arith.constant 0 : i32
    %dma_wait3A_153 = arith.constant 0 : i32
    %dma_wait3A_154 = arith.constant 0 : i32
    %dma_wait3A_155 = tpu.memref_slice %arg4[%rem3A_136, %dma_wait3A_152, %add3A_142, %dma_wait3A_153, %dma_wait3A_154] : memref<50x8x128x8x128xf32, #tpu.memory_space<hbm>> -> memref<1x8x1x8x128xf32, #tpu.memory_space<hbm>>
    %dma_wait3A_156 = tpu.memref_squeeze %dma_wait3A_155 : memref<1x8x1x8x128xf32, #tpu.memory_space<hbm>> -> memref<8x8x128xf32, #tpu.memory_space<hbm>>
    %dma_wait3A_157 = arith.constant 0 : i32
    %dma_wait3A_158 = arith.constant 0 : i32
    %dma_wait3A_159 = arith.constant 0 : i32
    %dma_wait3A_160 = tpu.memref_slice %arg14[%dma_wait3A_157, %dma_wait3A_158, %dma_wait3A_159] : memref<8x8x129xf32, #tpu.memory_space<vmem>> -> memref<8x8x128xf32, #tpu.memory_space<vmem>>
    tpu.wait_dma2 semaphore(%arg24 : memref<!tpu.dma_semaphore, #tpu.memory_space<semaphore_mem>>) src(%dma_wait3A_160 : memref<8x8x128xf32, #tpu.memory_space<vmem>>) dst(%dma_wait3A_156 : memref<8x8x128xf32, #tpu.memory_space<hbm>>)
    return
  }
}

</mosaic_0001>

<sc_bundles>
// kernel: kernel.3.cloned.1.call-start
scs
__scs_entry_jumppad:
0x0: {  	(pc) =	sbr.rel $0x88, $3  }
0x1: {  	(tag) =	ssettag $0x0;
	lr =	simm.s32 $0x1  }
0x2: {  	[smem:$0x3F9F] =	sst lr;
	_ =	strace $0xD0000000  }
0x3: {  	_ = 	snop  }
0x4: {  	_ = 	snop  }
0x5: {  	_ = 	snop  }
0x6: {  	_ = 	snop  }
0x7: {  	_ = 	snop  }
__scs_overlays_trampoline_lowered:
0x8: {  	[smem:$0x3FAE] =	sst s0  }
0x9: {  	[smem:$0x3FAF] =	sst s1  }
0xa: {  	[smem:$0x3FB0] =	sst s2  }
0xb: {  	[smem:$0x3FB1] =	sst s3  }
0xc: {  	[smem:$0x3FB2] =	sst s4  }
0xd: {  	[smem:$0x3FB3] =	sst s5  }
0xe: {  	[smem:$0x3FB4] =	sst s6  }
0xf: {  	[smem:$0x3FB5] =	sst s7  }
0x10: {  	[smem:$0x3FB6] =	sst s8  }
0x11: {  	[smem:$0x3FB7] =	sst s9;
	s0 =	simm.s32 @!p0 $0x0  }
0x12: {  	s1 =	sld [smem:$0x3F9D];
	s0 =	simm.s32 @p0 $0x1  }
0x13: {  	[smem:$0x3FB8] =	sst s0;
	s0 =	simm.s32 @!p1 $0x0  }
0x14: {  	s2 =	sld [smem:$0x3F9C];
	s0 =	simm.s32 @p1 $0x1  }
0x15: {  	[smem:$0x3FB9] =	sst s0;
	s0 =	simm.s32 @!p2 $0x0  }
0x16: {  	s3 =	sld [smem:$0x3FDB];
	s0 =	simm.s32 @p2 $0x1  }
0x17: {  	s4 =	simm.s32 $0x1BF5;
	[smem:$0x3FBB] =	sst s0  }
0x18: {  	s0 =	sld [smem:$0x3F9E];
	_ =	swait.ge [sflag:s4], $0x0  }
0x19: {  	s7 =	sld [smem:$0x3F9F]  }
0x1a: {  	s8 =	sadd.s32 $0xFFFFE003, lr  }
0x1b: {  	s9 =	sadd.s32 $0xFFFFFEF7, lr;
	s5 =	simm.s32 $0xFFFFFFFF;
	p2 =	slt.u32 s8, $0xFFFFF086  }
0x1c: {  	p1 =	slt.u32 s9, $0xF7A;
	s5 =	simm.s32 @!p2 $0x0  }
0x1d: {  	s5 =	simm.s32 @p1 $0x1;
	p0 =	seq.s32 s7, s2  }
0x1e: {  	s7 =	smul.u32 @!p0 $0xF7A, s2;
	p2 =	seq.s32 @!p0 s5, $0x0  }
0x1f: {  	s9 =	smul.u32 $0xF7A, s1;
	s8 =	simm.s32 @!p0 $0x1BF5;
	p2 =	por !p2, p0  }
0x20: {  	[sflag:s8] =	ssyncset.s32 @!p0 $0xFFFFF086;
	s6 =	sadd.s32 @!p0 s3, s7;
	s7 =	simm.s32 @!p0 $0x108  }
0x21: {  	s3 =	sadd.s32 s3, s9;
	s6 =	sadd.s32 @!p0 $0x88, s6;
	s7 =	simm.s32 @p2 $0x1082  }
0x22: {  	[simem:s7], [sflag:s8] =	dma.local @!p0 [hbm:s6], $0xF7A  }
0x23: {  	s9 =	sor.u32 $0xD0000000, s2;
	s6 =	simm.s32 $0x108;
	_ =	swait.ge @!p0 [sflag:s8], $0x0  }
0x24: {  	s3 =	sadd.s32 $0x88, s3;
	s6 =	simm.s32 @!p1 $0x1082;
	[sflag:s4] =	ssyncset.s32 $0xFFFFF086  }
0x25: {  	[simem:s6], [sflag:s4] =	dma.local [hbm:s3], $0xF7A  }
0x26: {  	[smem:$0x3F9F] =	sst s1;
	(tag) =	ssettag s2;
	_ =	strace s9  }
0x27: {  	s1 =	sld [smem:$0x3FAF]  }
0x28: {  	s2 =	sld [smem:$0x3FB0]  }
0x29: {  	s4 =	sld [smem:$0x3FB2]  }
0x2a: {  	p0 =	seq.s32 s5, $0x0;
	s5 =	sld [smem:$0x3FB3]  }
0x2b: {  	s6 =	sld [smem:$0x3FB4]  }
0x2c: {  	s7 =	sld [smem:$0x3FB5]  }
0x2d: {  	s3 =	simm.s32 $0x108;
	s8 =	sld [smem:$0x3FB6]  }
0x2e: {  	s3 =	simm.s32 @!p0 $0x1082;
	s9 =	sld [smem:$0x3FB7]  }
0x2f: {  	lr =	sadd.s32 s0, s3;
	s0 =	sld [smem:$0x3FAE]  }
0x30: {  	s3 =	sld [smem:$0x3FB1]  }
0x31: {  	[smem:$0x3FBA] =	sst s10  }
0x32: {  	s10 =	sld [smem:$0x3FB8];
	_ =	sdelay $0x3  }
0x33: {  	p0 =	seq.s32 s10, $0x1;
	s10 =	sld [smem:$0x3FBA];
	_ =	sdelay $0x3  }
0x34: {  	[smem:$0x3FBA] =	sst s10  }
0x35: {  	s10 =	sld [smem:$0x3FB9];
	_ =	sdelay $0x3  }
0x36: {  	p1 =	seq.s32 s10, $0x1;
	s10 =	sld [smem:$0x3FBA];
	_ =	sdelay $0x3  }
0x37: {  	[smem:$0x3FBA] =	sst s10  }
0x38: {  	s10 =	sld [smem:$0x3FBB]  }
0x39: {  	_ = 	snop;
	(pc) =	sbr.ind lr, $3  }
0x3a: {  	_ = 	snop  }
0x3b: {  	_ = 	snop  }
0x3c: {  	p2 =	seq.s32 s10, $0x1;
	s10 =	sld [smem:$0x3FBA]  }
0x3d: {  	_ =	shalt  }
0x3e: {  	_ =	shalt  }
0x3f: {  	_ =	shalt  }
0x40: {  	_ =	shalt  }
0x41: {  	_ =	shalt  }
0x42: {  	_ =	shalt  }
0x43: {  	_ =	shalt  }
0x44: {  	_ =	shalt  }
0x45: {  	_ =	shalt  }
0x46: {  	_ =	shalt  }
0x47: {  	_ =	shalt  }
0x48: {  	_ =	shalt  }
0x49: {  	_ =	shalt  }
0x4a: {  	_ =	shalt  }
0x4b: {  	_ =	shalt  }
0x4c: {  	_ =	shalt  }
0x4d: {  	_ =	shalt  }
0x4e: {  	_ =	shalt  }
0x4f: {  	_ =	shalt  }
0x50: {  	_ =	shalt  }
0x51: {  	_ =	shalt  }
0x52: {  	_ =	shalt  }
0x53: {  	_ =	shalt  }
0x54: {  	_ =	shalt  }
0x55: {  	_ =	shalt  }
0x56: {  	_ =	shalt  }
0x57: {  	_ =	shalt  }
0x58: {  	_ =	shalt  }
0x59: {  	_ =	shalt  }
0x5a: {  	_ =	shalt  }
0x5b: {  	_ =	shalt  }
0x5c: {  	_ =	shalt  }
0x5d: {  	_ =	shalt  }
0x5e: {  	_ =	shalt  }
0x5f: {  	_ =	shalt  }
0x60: {  	_ =	shalt  }
0x61: {  	_ =	shalt  }
0x62: {  	_ =	shalt  }
0x63: {  	_ =	shalt  }
0x64: {  	_ =	shalt  }
0x65: {  	_ =	shalt  }
0x66: {  	_ =	shalt  }
0x67: {  	_ =	shalt  }
0x68: {  	_ =	shalt  }
0x69: {  	_ =	shalt  }
0x6a: {  	_ =	shalt  }
0x6b: {  	_ =	shalt  }
0x6c: {  	_ =	shalt  }
0x6d: {  	_ =	shalt  }
0x6e: {  	_ =	shalt  }
0x6f: {  	_ =	shalt  }
0x70: {  	_ =	shalt  }
0x71: {  	_ =	shalt  }
0x72: {  	_ =	shalt  }
0x73: {  	_ =	shalt  }
0x74: {  	_ =	shalt  }
0x75: {  	_ =	shalt  }
0x76: {  	_ =	shalt  }
0x77: {  	_ =	shalt  }
0x78: {  	_ =	shalt  }
0x79: {  	_ =	shalt  }
0x7a: {  	_ =	shalt  }
0x7b: {  	_ =	shalt  }
0x7c: {  	_ =	shalt  }
0x7d: {  	_ =	shalt  }
0x7e: {  	_ =	shalt  }
0x7f: {  	_ =	shalt  }
0x80: {  	_ =	shalt  }
0x81: {  	_ =	shalt  }
0x82: {  	_ =	shalt  }
0x83: {  	_ =	shalt  }
0x84: {  	_ =	shalt  }
0x85: {  	_ =	shalt  }
0x86: {  	_ =	shalt  }
0x87: {  	_ =	shalt  }
.Lfunc_end0:
.L_simem_size_0:
called_computation_lowered:
.L_overlay_start_0:
0x88: {  	s2 =	sld [smem:$0x3FD9]  }
0x89: {  	s3 =	sld [smem:$0x3FFE];
	_ =	sdelay $0x1  }
0x8a: {  	s1 =	srdreg.scid  }
0x8b: {  	s0 =	sand.u32 $0x1, s1  }
0x8c: {  	s17 =	sshll.u32 s0, $0xA;
	s2 =	sadd.s32 s3, s2  }
0x8d: {  	s2 =	sadd.s32 s2, s17  }
0x8e: {  	[smem:$0x3FC6] =	sst s2  }
0x8f: {  	_ = 	snop  }
0x90: {  	s2 =	sld [smem:$0x3FD0];
	(tm) =	ssettm $0x1  }
0x91: {  	s18 =	sld [smem:$0x3FFB];
	_ =	sdelay $0x3  }
0x92: {  	_ =	strace s18  }
0x93: {  	s3 =	sld [smem:$0x3FFC];
	_ =	sdelay $0x3  }
0x94: {  	_ =	strace s3  }
0x95: {  	s3 =	sld [smem:$0x3FFD];
	_ =	sdelay $0x3  }
0x96: {  	_ =	strace s3  }
0x97: {  	_ =	strace $0x8FFFFFFF  }
0x98: {  	s19 =	sld [smem:$0x3FDB];
	_ =	sdelay $0x1  }
0x99: {  	s4 =	simm.s32 $_scs_section_size  }
0x9a: {  	s5 =	simm.s32 $_size__tile_overlayer_lowered;
	s6 =	simm.s32 $_tile_overlayer_lowered  }
0x9b: {  	s22 =	simm.s32 $0x1BFF;
	s21 =	sshll.u32 s6, $0x1;
	s3 =	sadd.s32 s4, s19  }
0x9c: {  	s7 =	simm.s32 $0x0;
	s20 =	sshll.u32 s5, $0x1;
	s5 =	sadd.s32 s21, s3  }
0x9d: {  	[timem:s7], [sflag:s22] =	dma.local [hbm:s5], s20  }
0x9e: {  	_ =	swait.ge [sflag:s22], s20  }
0x9f: {  	s4 =	ssub.s32 $0x0, s20;
	[sflag:s22] =	ssyncset.done $0x0  }
0xa0: {  	[sflag:s22] =	ssyncadd.s32 s4;
	_ =	sdelay $0x1  }
0xa1: {  	s23 =	simm.s32 $0x1B8B  }
0xa2: {  	_ =	swait.ge [sflag:s23], $0x1  }
0xa3: {  	[sflag:s23] =	ssyncset.done $0x0  }
0xa4: {  	s25 =	simm.s32 $0x1B8E;
	s24 =	sld [smem:$0x3FFE];
	[sflag:s23] =	ssyncadd.s32 $0xFFFFFFFF  }
0xa5: {  	s26 =	simm.s32 $execute0_lowered;
	[smem:$0x3FD2] =	sst s25  }
0xa6: {  	s5 =	sshll.u32 s26, $0x1;
	_ =	strace $0x80000046;
	[dreg:$0x1] =	wrdreg $0xFFFFFFFF  }
0xa7: {  	s28 =	simm.s32 $_size_execute0_lowered;
	s3 =	sadd.s32 s3, s5;
	[dreg:$0x0] =	wrdreg $0x0  }
0xa8: {  	s5 =	sshll.u32 s28, $0x1;
	[dreg:$0x2] =	wrdreg s3  }
0xa9: {  	[dreg:$0x3] =	wrdreg s5  }
0xaa: {  	[dreg:$0x4] =	wrdreg $0xC0  }
0xab: {  	_ =	task [dreg:s7], $0x5FFFF  }
0xac: {  	[dreg:$0x1] =	wrdreg $0xFFFFFFFF  }
0xad: {  	[dreg:$0x0] =	wrdreg $0x60  }
0xae: {  	[dreg:$0x2] =	wrdreg s24  }
0xaf: {  	[dreg:$0x3] =	wrdreg s2  }
0xb0: {  	[dreg:$0x4] =	wrdreg $0x9  }
0xb1: {  	_ =	task.clear_ibuf [dreg:s7], $0x5FFFF;
	_ =	strace $0x90000046  }
0xb2: {  	s29 =	simm.s32 $0x9;
	_ =	strace $0x80000048  }
0xb3: {  	_ =	swait.ge [sflag:s29], $0x1  }
0xb4: {  	[sflag:s29] =	ssyncadd.s32 $0xFFFFFFFF  }
0xb5: {  	_ =	strace $0x90000048  }
0xb6: {  	_ =	sfence  }
0xb7: {  	s30 =	sld [smem:$0x0];
	_ =	sdelay $0x2  }
0xb8: {  	s31 =	sshll.u32 s1, $0xD;
	s1 =	sshrl.u32 s1, $0x2  }
0xb9: {  	s3 =	sand.u32 $0x4000, s31;
	s1 =	sadd.s32 s1, s30  }
0xba: {  	s0 =	sor.u32 s3, s0;
	s1 =	sshll.u32 s1, $0x11  }
0xbb: {  	s0 =	sor.u32 s1, s0  }
0xbc: {  	s0 =	sadd.s32 $0x8F2B, s0  }
0xbd: {  	[sflag:s0] =	ssyncadd.remote.s32 $0x1  }
0xbe: {  	_ =	sfence.sel $0xFFFF  }
0xbf: {  	[dreg:$0x0] =	wrdreg $0xFFFFFFFF;
	(pc) =	sbr.abs _section_cstart, $3  }
0xc0: {  	[dreg:$0x1] =	wrdreg $0xFFFFFFFF  }
0xc1: {  	_ =	task.clear_ibuf [dreg:s7], $0x2FFFF;
	_ =	strace $0x9FFFFFFF  }
0xc2: {  	(tm) =	ssettm $0x7FFFFFFF  }
0xc3: {  	_ =	shalt  }
tec
execute0_lowered:
.L_overlay_start_1:
0x0: {  	(tag) =	ssettag $0x1  }
0x1: {  	v0 =	vlaneseq.u32  }
0x2: {  	s0 =	rddreg [dreg:$0x0];
	s3 =	simm.s32 $0x0;
	v8 =	vmul.u32 $0x88, v0  }
0x3: {  	[smem:$0x7FF] =	sst s3  }
0x4: {  	s1 =	rddreg [dreg:$0x1];
	_ =	strace $0x80000047;
	v0 =	vadd.s32 $0x1981, v8;
	[tilespmem:$0x1FEB0] =	vst v8  }
0x5: {  	v11 =	vadd.s32 $0x1980, v8;
	[tilespmem:$0x1FEA0] =	vst v0  }
0x6: {  	v12 =	vor.u32 $0x1, v8;
	[tilespmem:$0x1FEC0] =	vst v11  }
0x7: {  	v13 =	vadd.s32 $0x1101, v8;
	[tilespmem:$0x1FED0] =	vst v12  }
0x8: {  	v16 =	vor.u32 $0x2, v8;
	[tilespmem:$0x1FEE0] =	vst v13  }
0x9: {  	v20 =	vadd.s32 $0x1102, v8;
	[tilespmem:$0x1FEF0] =	vst v16  }
0xa: {  	v23 =	vadd.s32 $0x1982, v8;
	[tilespmem:$0x1FF00] =	vst v20  }
0xb: {  	v24 =	vor.u32 $0x3, v8;
	[tilespmem:$0x1FF10] =	vst v23  }
0xc: {  	v27 =	vadd.s32 $0x1983, v8;
	[tilespmem:$0x1FF20] =	vst v24  }
0xd: {  	v28 =	vor.u32 $0x4, v8;
	[tilespmem:$0x1FF30] =	vst v27  }
0xe: {  	v32 =	vadd.s32 $0x1984, v8;
	[tilespmem:$0x1FF40] =	vst v28  }
0xf: {  	s2 =	srdreg.scid;
	s4 =	stileid.u32;
	s11 =	simm.s32 $0x80;
	v30 =	vor.u32 $0x5, v8;
	[tilespmem:$0x1FF50] =	vst v32  }
0x10: {  	s12 =	simm.s32 $0x100;
	s17 =	simm.s32 $0x180;
	s18 =	simm.s32 $0x3;
	v31 =	vadd.s32 $0x1985, v8;
	[tilespmem:$0x1FF60] =	vst v30  }
0x11: {  	s20 =	simm.s32 $0x5;
	s21 =	simm.s32 $0x8200;
	s22 =	simm.s32 $0x4;
	v15 =	vor.u32 $0x6, v8;
	[tilespmem:$0x1FF70] =	vst v31  }
0x12: {  	s24 =	simm.s32 $0x6;
	s2 =	sand.u32 $0x1, s2;
	s4 =	sshll.u32 s4, $0x1;
	v6 =	vadd.s32 $0x1986, v8;
	[tilespmem:$0x1FF80] =	vst v15  }
0x13: {  	s28 =	simm.s32 $0x9;
	s6 =	ssub.s32 $0x2, s2;
	s2 =	sor.u32 s2, s4;
	v19 =	vor.u32 $0x7, v8;
	[tilespmem:$0x1FF90] =	vst v6  }
0x14: {  	v1 =	vimm.s32 $0x0;
	vm0 =	vcmask $0x300;
	s4 =	sadd.s32 $0x400, s0;
	s7 =	sshrl.u32 s6, $0x1;
	s8 =	sshll.u32 s2, $0x6;
	v2 =	vadd.s32 $0x887, v8;
	[tilespmem:$0x1FFA0] =	vst v19  }
0x15: {  	s30 =	simm.s32 $0xA;
	v1 =	vsel vm0, $0x3, v1;
	v10 =	vadd.s32 $0x880, v8;
	v3 =	vadd.s32 $0x1107, v8;
	s25 =	ssub.s32 s6, s7;
	s6 =	sadd.s32 s4, s8;
	[tilespmem:$0x1FFB0] =	vst v2  }
0x16: {  	s29 =	simm.s32 $0x8;
	s5 =	sadd.s32 $0x19400, s0;
	v62 =	vadd.s32 $0x1100, v8;
	v17 =	vadd.s32 $0x881, v8;
	v5 =	vadd.s32 $0x1987, v8;
	[tilespmem:$0x1FFC0] =	vst v3;
	s26 =	sadd.s32 $0x800, s6  }
0x17: {  	s9 =	sshll.u32 s2, $0x2;
	v9 =	vadd.s32 $0x882, v8;
	v21 =	vadd.s32 $0x883, v8;
	v7 =	vadd.s32 $0x1106, v8;
	[tilespmem:$0x1FFD0] =	vst v5;
	s31 =	sadd.s32 $0x1000, s6;
	[dreg:$0x3] =	wrdreg s26  }
0x18: {  	v18 =	vadd.s32 $0x1103, v8;
	v25 =	vadd.s32 $0x884, v8;
	v26 =	vadd.s32 $0x1105, v8;
	s2 =	simm.s32 $0x0;
	[tilespmem:$0x1FFE0] =	vst v7;
	s0 =	smax.u32 s25, $0x1;
	[dreg:$0x4] =	wrdreg s31  }
0x19: {  	v22 =	vadd.s32 $0x1104, v8;
	v29 =	vadd.s32 $0x885, v8;
	v4 =	vadd.s32 $0x886, v8;
	[tilespmem:$0x1FFF0] =	vst v26;
	s25 =	simm.s32 $0xA400;
	[dreg:$0x5] =	wrdreg s0;
	s26 =	simm.s32 $0x7  }
.LBB2_1:
0x1a: {  	[dreg:$0x6] =	wrdreg s2  }
0x1b: {  	[tilespmem:s3], [sflag:$0x1] =	stream.linear.gather [hbm4b:s6+s3], $0x80, $0x38;
	[tilespmem:$0xC600] =	vst v63  }
0x1c: {  	s0 =	rddreg [dreg:$0x3]  }
0x1d: {  	[tilespmem:s11], [sflag:$0x2] =	stream.linear.gather [hbm4b:s0+s3], $0x80, $0x38;
	[tilespmem:$0xC600] =	vst v63  }
0x1e: {  	s15 =	rddreg [dreg:$0x4];
	s16 =	simm.s32 $0x1  }
0x1f: {  	[tilespmem:s12], [sflag:$0x3] =	stream.linear.gather [hbm4b:s15+s3], $0x80, $0x38;
	[tilespmem:$0xC600] =	vst v63  }
0x20: {  	_ =	swait.ge [sflag:s16], $0x80  }
0x21: {  	[sflag:s16] =	ssyncset.done $0x0  }
0x22: {  	s19 =	simm.s32 $0x200;
	s23 =	simm.s32 $0x2;
	[sflag:s16] =	ssyncadd.s32 $0xFFFFFF80  }
0x23: {  	[tilespmem:s19], [sflag:$0x5] =	stream.indirect.gather [hbm4b:s5+s11], $0x40, s3, s11, $0xb8;
	[tilespmem:$0xC600] =	vst v63  }
0x24: {  	_ =	swait.ge [sflag:s23], $0x80  }
0x25: {  	[sflag:s23] =	ssyncset.done $0x0  }
0x26: {  	s31 =	simm.s32 $0x2200;
	s0 =	simm.s32 $0x0;
	[sflag:s23] =	ssyncadd.s32 $0xFFFFFF80  }
0x27: {  	[tilespmem:s31], [sflag:$0x6] =	stream.indirect.gather [hbm4b:s5+s11], $0x40, s11, s11, $0xb8;
	[tilespmem:$0xC600] =	vst v63  }
.LBB2_2:
0x28: {  	s7 =	sshllo.u32 s0, $0x2  }
0x29: {  	s2 =	sand.u32 $0xFF, s7  }
0x2a: {  	s2 =	smul.u32 $0x29, s2;
	_ =	sdelay $0x1  }
0x2b: {  	s2 =	sshrl.u32 s2, $0xB  }
0x2c: {  	s8 =	smul.u32 $0x32, s2;
	_ =	sdelay $0x1  }
0x2d: {  	s7 =	ssub.s32 s7, s8  }
0x2e: {  	s23 =	sshll.u32 s2, $0x4;
	s14 =	sand.u32 $0xFF, s7  }
0x2f: {  	s7 =	sadd.s32 s23, s6;
	s31 =	sshll.u32 s14, $0xB  }
0x30: {  	s7 =	sadd.s32 s31, s7  }
0x31: {  	[tilespmem:s17], [sflag:$0x4] =	stream.linear.gather [hbm4b:s7+s3], $0x80, $0x38;
	[tilespmem:$0xC600] =	vst v63  }
0x32: {  	_ =	swait.ge [sflag:s18], $0x80  }
0x33: {  	[sflag:s18] =	ssyncset.done $0x0  }
0x34: {  	s10 =	simm.s32 $0x4200;
	s13 =	simm.s32 $0x0;
	[sflag:s18] =	ssyncadd.s32 $0xFFFFFF80  }
0x35: {  	[tilespmem:s10], [sflag:$0x7] =	stream.indirect.gather [hbm4b:s5+s11], $0x40, s12, s11, $0xb8;
	[tilespmem:$0xC600] =	vst v63  }
0x36: {  	p1 =	seq.s32 s0, $0x0;
	s15 =	simm.s32 $0x1;
	_ =	swait.ge [sflag:s20], $0x2000  }
0x37: {  	s16 =	simm.s32 $0x2;
	s19 =	simm.s32 $0x4;
	v33 =	vmov s13;
	[sflag:s20] =	ssyncset.done $0x0  }
0x38: {  	v34 =	vmov s15;
	v35 =	vmov s16;
	s13 =	simm.s32 @!p1 $0x9;
	v37 =	vmov s19;
	s8 =	simm.s32 $0x7;
	[sflag:s20] =	ssyncadd.s32 $0xFFFFE000  }
0x39: {  	v33 =	vshrl.u32 v33, $0x3;
	v34 =	vshrl.u32 v34, $0x3;
	v40 =	vmov s8;
	_ =	swait.ge @!p1 [sflag:s13], $0x2000  }
0x3a: {  	v35 =	vshrl.u32 v35, $0x3;
	v37 =	vshrl.u32 v37, $0x3;
	v40 =	vshrl.u32 v40, $0x3;
	[sflag:s13] =	ssyncset.done @!p1 $0x0  }
0x3b: {  	v33 =	vshll.u32 v33, v1;
	v34 =	vshll.u32 v34, v1;
	s8 =	simm.s32 $0x300;
	v40 =	vshll.u32 v40, v1;
	[sflag:s13] =	ssyncadd.s32 @!p1 $0xFFFFE000  }
0x3c: {  	v35 =	vshll.u32 v35, v1;
	v41 =	vbroadcast v33, $0x0;
	v0 =	vbroadcast v40, $0x0;
	v56 =	vld [tilespmem:s8+$0xC0]  }
0x3d: {  	v44 =	vshll.u32 v37, v1;
	v14 =	vbroadcast v34, $0x0;
	v37 =	vbroadcast v35, $0x0;
	s10 =	simm.s32 $0x3;
	v43 =	vld [tilespmem:s8+$0xFFFFFF00]  }
0x3e: {  	v35 =	vbroadcast v44, $0x0;
	v46 =	vadd.s32 v19, v0;
	v36 =	vmov s10;
	v45 =	vld [tilespmem:s8+$0xFFFFFF40]  }
0x3f: {  	v58 =	vadd.s32 v8, v41;
	v48 =	vadd.s32 v12, v14;
	s23 =	simm.s32 $0x5;
	v36 =	vshrl.u32 v36, $0x3;
	v47 =	vld [tilespmem:s8+$0xFFFFFF80]  }
0x40: {  	v50 =	vadd.s32 v16, v37;
	v38 =	vmov s23;
	v36 =	vshll.u32 v36, v1  }
0x41: {  	s31 =	simm.s32 $0x6;
	v38 =	vshrl.u32 v38, $0x3;
	v36 =	vbroadcast v36, $0x0;
	v49 =	vld [tilespmem:s8+$0xFFFFFFC0];
	v59 =	vmul.f32 $1.250000000e-01, v56  }
0x42: {  	v39 =	vmov s31;
	v57 =	vshll.u32 v38, v1;
	v51 =	vld [tilespmem:s8+$0x0];
	v43 =	vmul.f32 $1.250000000e-01, v43  }
0x43: {  	v42 =	vshrl.u32 v39, $0x3;
	v52 =	vadd.s32 v24, v36;
	v53 =	vld [tilespmem:s8+$0x40];
	v45 =	vmul.f32 $1.250000000e-01, v45;
	[tilespmem:v46+s21+$0x0] =	vst.idx.msk $0xffff, v59  }
0x44: {  	v33 =	vbroadcast v57, $0x0;
	v42 =	vshll.u32 v42, v1;
	v55 =	vld [tilespmem:s8+$0x80];
	v61 =	vmul.f32 $1.250000000e-01, v47;
	[tilespmem:v58+s21+$0x0] =	vst.idx.msk $0xffff, v43  }
0x45: {  	v54 =	vadd.s32 v28, v35;
	v34 =	vbroadcast v42, $0x0;
	[tilespmem:v48+s21+$0x0] =	vst.idx.msk $0xffff, v45;
	v44 =	vld [tilespmem:s8+$0xD0]  }
0x46: {  	s10 =	simm.s32 $0x8;
	v40 =	vmul.f32 $1.250000000e-01, v49;
	v43 =	vadd.s32 v30, v33;
	[tilespmem:v50+s21+$0x0] =	vst.idx.msk $0xffff, v61;
	v63 =	vld [tilespmem:s8+$0xFFFFFF10]  }
0x47: {  	v60 =	vmov s10;
	v47 =	vadd.s32 v15, v34;
	v49 =	vld [tilespmem:s8+$0xFFFFFF50];
	[tilespmem:$0x1FE80] =	vst v41  }
0x48: {  	v42 =	vshrl.u32 v60, $0x3;
	v60 =	vmul.f32 $1.250000000e-01, v51;
	v50 =	vadd.s32 v2, v0;
	[tilespmem:v52+s21+$0x0] =	vst.idx.msk $0xffff, v40  }
0x49: {  	v56 =	vadd.s32 v10, v41;
	v61 =	vmul.f32 $1.250000000e-01, v53;
	v57 =	vld [tilespmem:s8+$0xFFFFFF90];
	[tilespmem:$0x1FE90] =	vst v14  }
0x4a: {  	v38 =	vmul.f32 $1.250000000e-01, v55;
	v53 =	vadd.s32 v17, v14;
	v58 =	vld [tilespmem:s8+$0xFFFFFFD0];
	[tilespmem:v54+s21+$0x0] =	vst.idx.msk $0xffff, v60  }
0x4b: {  	v55 =	vadd.s32 v9, v37;
	v59 =	vld [tilespmem:s8+$0x10];
	[tilespmem:v43+s21+$0x0] =	vst.idx.msk $0xffff, v61;
	v43 =	vmul.f32 $1.250000000e-01, v44  }
0x4c: {  	v46 =	vadd.s32 v21, v36;
	[tilespmem:v47+s21+$0x0] =	vst.idx.msk $0xffff, v38;
	v45 =	vmul.f32 $1.250000000e-01, v63;
	v60 =	vld [tilespmem:s8+$0x50]  }
0x4d: {  	v61 =	vld [tilespmem:s8+$0x90];
	v47 =	vmul.f32 $1.250000000e-01, v49;
	v49 =	vadd.s32 v25, v35;
	[tilespmem:v50+s21+$0x0] =	vst.idx.msk $0xffff, v43  }
0x4e: {  	v43 =	vshll.u32 v42, v1;
	[tilespmem:v56+s21+$0x0] =	vst.idx.msk $0xffff, v45;
	v42 =	vmul.f32 $1.250000000e-01, v57;
	v45 =	vadd.s32 v29, v33;
	v50 =	vld [tilespmem:s8+$0xE0]  }
0x4f: {  	[tilespmem:v53+s21+$0x0] =	vst.idx.msk $0xffff, v47;
	v53 =	vadd.s32 v4, v34;
	v56 =	vld [tilespmem:s8+$0xFFFFFF20];
	v63 =	vmul.f32 $1.250000000e-01, v58  }
0x50: {  	v57 =	vld [tilespmem:s8+$0xFFFFFF60];
	[tilespmem:v55+s21+$0x0] =	vst.idx.msk $0xffff, v42;
	v42 =	vmul.f32 $1.250000000e-01, v59;
	v55 =	vadd.s32 v3, v0  }
0x51: {  	s23 =	simm.s32 $0xD;
	v39 =	vmov v14;
	v58 =	vadd.s32 v62, v41;
	v59 =	vld [tilespmem:s8+$0xFFFFFFA0];
	[tilespmem:v46+s21+$0x0] =	vst.idx.msk $0xffff, v63;
	v46 =	vmul.f32 $1.250000000e-01, v60  }
0x52: {  	v14 =	vmovc v62;
	v44 =	vmov s23;
	v62 =	vadd.s32 v13, v39;
	v47 =	vmul.f32 $1.250000000e-01, v61;
	[tilespmem:v49+s21+$0x0] =	vst.idx.msk $0xffff, v42  }
0x53: {  	v61 =	vshrl.u32 v44, $0x3;
	v49 =	vadd.s32 v20, v37;
	[tilespmem:v45+s21+$0x0] =	vst.idx.msk $0xffff, v46;
	v44 =	vmul.f32 $1.250000000e-01, v50  }
0x54: {  	[tilespmem:v53+s21+$0x0] =	vst.idx.msk $0xffff, v47;
	v50 =	vmul.f32 $1.250000000e-01, v56  }
0x55: {  	v63 =	vld [tilespmem:s8+$0xFFFFFFE0];
	v46 =	vmul.f32 $1.250000000e-01, v57;
	[tilespmem:v55+s21+$0x0] =	vst.idx.msk $0xffff, v44  }
0x56: {  	[tilespmem:v58+s21+$0x0] =	vst.idx.msk $0xffff, v50;
	v45 =	vmul.f32 $1.250000000e-01, v59  }
0x57: {  	v56 =	vadd.s32 v18, v36;
	[tilespmem:v62+s21+$0x0] =	vst.idx.msk $0xffff, v46  }
0x58: {  	[tilespmem:v49+s21+$0x0] =	vst.idx.msk $0xffff, v45  }
0x59: {  	v53 =	vadd.s32 v5, v0;
	v0 =	vld [tilespmem:$0x1FE80]  }
0x5a: {  	s15 =	simm.s32 $0xA;
	v39 =	vld [tilespmem:s8+$0x20];
	v63 =	vmul.f32 $1.250000000e-01, v63  }
0x5b: {  	s16 =	simm.s32 $0xB;
	s13 =	simm.s32 $0x9;
	v51 =	vmov s15;
	v40 =	vld [tilespmem:s8+$0x60]  }
0x5c: {  	s19 =	simm.s32 $0xC;
	v51 =	vshrl.u32 v51, $0x3;
	v48 =	vmov s13;
	v52 =	vmov s16;
	v60 =	vld [tilespmem:s8+$0xA0];
	[tilespmem:v56+s21+$0x0] =	vst.idx.msk $0xffff, v63  }
0x5d: {  	v48 =	vshrl.u32 v48, $0x3;
	v52 =	vshrl.u32 v52, $0x3;
	v54 =	vmov s19;
	v63 =	vld [tilespmem:$0x1FE90]  }
0x5e: {  	s31 =	simm.s32 $0xE;
	v47 =	vshll.u32 v48, v1;
	v57 =	vadd.s32 v22, v35;
	v48 =	vadd.s32 v11, v0;
	v0 =	vld [tilespmem:$0x1FEA0]  }
0x5f: {  	v38 =	vmov s31;
	v41 =	vshrl.u32 v54, $0x3;
	v54 =	vadd.s32 v26, v33;
	v55 =	vld [tilespmem:s8+$0xF0]  }
0x60: {  	v42 =	vshrl.u32 v38, $0x3;
	v38 =	vbroadcast v43, $0x0;
	v43 =	vshll.u32 v51, v1;
	v50 =	vld [tilespmem:s8+$0xFFFFFF30]  }
0x61: {  	v51 =	vadd.s32 v7, v34;
	v44 =	vshll.u32 v52, v1;
	v52 =	vld [tilespmem:s8+$0xFFFFFF70];
	v62 =	vmul.f32 $1.250000000e-01, v39  }
0x62: {  	s16 =	sshll.u32 s0, $0x2;
	v46 =	vshll.u32 v41, v1;
	v45 =	vshll.u32 v61, v1;
	v49 =	vld [tilespmem:s8+$0xFFFFFFB0]  }
0x63: {  	s10 =	simm.s32 $0x10;
	s13 =	simm.s32 $0xF;
	s7 =	sor.u32 $0x2, s16;
	v39 =	vmul.f32 $1.250000000e-01, v40;
	v40 =	vmul.f32 $1.250000000e-01, v60;
	v56 =	vld [tilespmem:s8+$0xFFFFFFF0];
	[tilespmem:v57+s21+$0x0] =	vst.idx.msk $0xffff, v62;
	v41 =	vadd.s32 v0, v63  }
.LBB2_3:
0x64: {  	v57 =	vmov s13  }
0x65: {  	v37 =	vadd.s32 v23, v37;
	v58 =	vld [tilespmem:s8+$0x30];
	v36 =	vadd.s32 v27, v36;
	[tilespmem:v54+s21+$0x0] =	vst.idx.msk $0xffff, v39;
	v60 =	vmul.f32 $1.250000000e-01, v55  }
0x66: {  	v35 =	vadd.s32 v32, v35;
	v61 =	vshrl.u32 v57, $0x3;
	[tilespmem:v51+s21+$0x0] =	vst.idx.msk $0xffff, v40;
	v62 =	vld [tilespmem:s8+$0x70];
	v50 =	vmul.f32 $1.250000000e-01, v50  }
0x67: {  	v39 =	vmov v38;
	v38 =	vshll.u32 v61, v1;
	v63 =	vmul.f32 $1.250000000e-01, v52;
	v52 =	vld [tilespmem:s8+$0xB0];
	s8 =	sadd.s32 $0x200, s8;
	[tilespmem:v53+s21+$0x0] =	vst.idx.msk $0xffff, v60  }
0x68: {  	v33 =	vadd.s32 v31, v33;
	v40 =	vbroadcast v38, $0x0;
	v54 =	vmul.f32 $1.250000000e-01, v49;
	[tilespmem:v48+s21+$0x0] =	vst.idx.msk $0xffff, v50;
	v53 =	vld [tilespmem:s8+$0xC0]  }
0x69: {  	v42 =	vshll.u32 v42, v1;
	v34 =	vadd.s32 v6, v34;
	v57 =	vmul.f32 $1.250000000e-01, v56;
	[tilespmem:v41+s21+$0x0] =	vst.idx.msk $0xffff, v63;
	v48 =	vld [tilespmem:s8+$0xFFFFFF00]  }
0x6a: {  	v41 =	vbroadcast v47, $0x0;
	v47 =	vadd.s32 v19, v40;
	[tilespmem:v37+s21+$0x0] =	vst.idx.msk $0xffff, v54;
	v60 =	vmul.f32 $1.250000000e-01, v58;
	v59 =	vld [tilespmem:s8+$0xFFFFFF40]  }
0x6b: {  	v51 =	vadd.s32 v8, v39;
	v37 =	vbroadcast v43, $0x0;
	[tilespmem:v36+s21+$0x0] =	vst.idx.msk $0xffff, v57;
	v61 =	vld [tilespmem:s8+$0xFFFFFF80];
	v62 =	vmul.f32 $1.250000000e-01, v62  }
0x6c: {  	v36 =	vbroadcast v44, $0x0;
	v63 =	vld [tilespmem:s8+$0xFFFFFFC0];
	v49 =	vadd.s32 v12, v41;
	[tilespmem:v35+s21+$0x0] =	vst.idx.msk $0xffff, v60;
	v56 =	vmul.f32 $1.250000000e-01, v52  }
0x6d: {  	v44 =	vadd.s32 v16, v37;
	v35 =	vbroadcast v46, $0x0;
	v52 =	vld [tilespmem:s8+$0x0];
	[tilespmem:v33+s21+$0x0] =	vst.idx.msk $0xffff, v62;
	v57 =	vmul.f32 $1.250000000e-01, v53  }
0x6e: {  	v33 =	vbroadcast v45, $0x0;
	[tilespmem:v34+s21+$0x0] =	vst.idx.msk $0xffff, v56;
	v58 =	vmul.f32 $1.250000000e-01, v48;
	v48 =	vadd.s32 v24, v36;
	v53 =	vld [tilespmem:s8+$0x40]  }
0x6f: {  	v45 =	vadd.s32 v28, v35;
	v34 =	vbroadcast v42, $0x0;
	v59 =	vmul.f32 $1.250000000e-01, v59;
	v50 =	vld [tilespmem:s8+$0x80];
	[tilespmem:v47+s21+$0x0] =	vst.idx.msk $0xffff, v57  }
0x70: {  	v62 =	vadd.s32 v30, v33;
	v61 =	vmul.f32 $1.250000000e-01, v61;
	[tilespmem:v51+s21+$0x0] =	vst.idx.msk $0xffff, v58;
	v47 =	vld [tilespmem:s8+$0xD0]  }
0x71: {  	v60 =	vmov s10;
	v63 =	vmul.f32 $1.250000000e-01, v63;
	[tilespmem:v49+s21+$0x0] =	vst.idx.msk $0xffff, v59;
	v49 =	vadd.s32 v15, v34;
	v51 =	vld [tilespmem:s8+$0xFFFFFF10]  }
0x72: {  	v42 =	vshrl.u32 v60, $0x3;
	[tilespmem:v44+s21+$0x0] =	vst.idx.msk $0xffff, v61;
	v60 =	vmul.f32 $1.250000000e-01, v52;
	v44 =	vadd.s32 v2, v40;
	v55 =	vld [tilespmem:s8+$0xFFFFFF50]  }
0x73: {  	v56 =	vadd.s32 v10, v39;
	v57 =	vld [tilespmem:s8+$0xFFFFFF90];
	[tilespmem:v48+s21+$0x0] =	vst.idx.msk $0xffff, v63;
	v61 =	vmul.f32 $1.250000000e-01, v53  }
0x74: {  	s23 =	sadd.s32 $0x1, s10;
	[tilespmem:v45+s21+$0x0] =	vst.idx.msk $0xffff, v60;
	v53 =	vadd.s32 v17, v41;
	v43 =	vmul.f32 $1.250000000e-01, v50;
	v58 =	vld [tilespmem:s8+$0xFFFFFFD0]  }
0x75: {  	v54 =	vmov s23;
	v50 =	vadd.s32 v9, v37;
	v59 =	vld [tilespmem:s8+$0x10];
	[tilespmem:v62+s21+$0x0] =	vst.idx.msk $0xffff, v61;
	v38 =	vmul.f32 $1.250000000e-01, v47  }
0x76: {  	s23 =	sadd.s32 $0x5, s10;
	v54 =	vshrl.u32 v54, $0x3;
	[tilespmem:v49+s21+$0x0] =	vst.idx.msk $0xffff, v43;
	v47 =	vmul.f32 $1.250000000e-01, v51;
	v51 =	vadd.s32 v21, v36;
	v60 =	vld [tilespmem:s8+$0x50]  }
0x77: {  	s31 =	sadd.s32 $0x2, s10;
	v46 =	vmov s23;
	v49 =	vmul.f32 $1.250000000e-01, v55;
	v55 =	vadd.s32 v25, v35;
	v61 =	vld [tilespmem:s8+$0x90];
	[tilespmem:v44+s21+$0x0] =	vst.idx.msk $0xffff, v38  }
0x78: {  	v52 =	vmov s31;
	v62 =	vmul.f32 $1.250000000e-01, v57;
	[tilespmem:v56+s21+$0x0] =	vst.idx.msk $0xffff, v47;
	v44 =	vadd.s32 v29, v33;
	v47 =	vld [tilespmem:s8+$0xE0]  }
0x79: {  	v52 =	vshrl.u32 v52, $0x3;
	[tilespmem:v53+s21+$0x0] =	vst.idx.msk $0xffff, v49;
	v53 =	vadd.s32 v4, v34;
	v56 =	vld [tilespmem:s8+$0xFFFFFF20];
	v63 =	vmul.f32 $1.250000000e-01, v58  }
0x7a: {  	s19 =	sadd.s32 $0x4, s10;
	v38 =	vshll.u32 v42, v1;
	[tilespmem:v50+s21+$0x0] =	vst.idx.msk $0xffff, v62;
	v42 =	vmul.f32 $1.250000000e-01, v59;
	v50 =	vadd.s32 v3, v40;
	v57 =	vld [tilespmem:s8+$0xFFFFFF60]  }
0x7b: {  	s15 =	sadd.s32 $0x3, s10;
	s31 =	sadd.s32 $0x6, s10;
	v45 =	vmov s19;
	v58 =	vadd.s32 v14, v39;
	v59 =	vld [tilespmem:s8+$0xFFFFFFA0];
	[tilespmem:v51+s21+$0x0] =	vst.idx.msk $0xffff, v63;
	v49 =	vmul.f32 $1.250000000e-01, v60  }
0x7c: {  	v48 =	vmov s15;
	v43 =	vmov s31;
	[tilespmem:v55+s21+$0x0] =	vst.idx.msk $0xffff, v42;
	v55 =	vmul.f32 $1.250000000e-01, v61;
	v60 =	vld [tilespmem:s8+$0xFFFFFFE0]  }
0x7d: {  	v51 =	vadd.s32 v13, v41;
	v61 =	vshrl.u32 v46, $0x3;
	v62 =	vld [tilespmem:s8+$0x20];
	[tilespmem:v44+s21+$0x0] =	vst.idx.msk $0xffff, v49;
	v44 =	vmul.f32 $1.250000000e-01, v47  }
0x7e: {  	v46 =	vadd.s32 v20, v37;
	v42 =	vshrl.u32 v43, $0x3;
	[tilespmem:v53+s21+$0x0] =	vst.idx.msk $0xffff, v55;
	v43 =	vmul.f32 $1.250000000e-01, v56;
	v63 =	vld [tilespmem:s8+$0x60]  }
0x7f: {  	v45 =	vshrl.u32 v45, $0x3;
	v48 =	vshrl.u32 v48, $0x3;
	v56 =	vadd.s32 v18, v36;
	v0 =	vld [tilespmem:s8+$0xA0];
	[tilespmem:v50+s21+$0x0] =	vst.idx.msk $0xffff, v44  }
0x80: {  	p0 =	slt.u32 s10, $0x78;
	v49 =	vmul.f32 $1.250000000e-01, v57;
	v57 =	vadd.s32 v22, v35;
	v47 =	vshll.u32 v54, v1;
	[tilespmem:v58+s21+$0x0] =	vst.idx.msk $0xffff, v43;
	v58 =	vld [tilespmem:$0x1FEA0]  }
.Ltmp0:
0x81: {  	v53 =	vmul.f32 $1.250000000e-01, v59;
	v54 =	vadd.s32 v26, v33;
	v43 =	vshll.u32 v52, v1;
	v55 =	vld [tilespmem:s8+$0xF0];
	(pc) =	sbr.rel @p0 .LBB2_3-.Ltmp0, $4  }
0x82: {  	[tilespmem:v51+s21+$0x0] =	vst.idx.msk $0xffff, v49;
	v51 =	vadd.s32 v7, v34;
	v44 =	vshll.u32 v48, v1;
	v50 =	vld [tilespmem:s8+$0xFFFFFF30];
	v60 =	vmul.f32 $1.250000000e-01, v60  }
0x83: {  	[tilespmem:v46+s21+$0x0] =	vst.idx.msk $0xffff, v53;
	v53 =	vadd.s32 v5, v40;
	v46 =	vshll.u32 v45, v1;
	v52 =	vld [tilespmem:s8+$0xFFFFFF70];
	v62 =	vmul.f32 $1.250000000e-01, v62  }
0x84: {  	v38 =	vbroadcast v38, $0x0;
	v48 =	vadd.s32 v11, v39;
	v45 =	vshll.u32 v61, v1;
	v49 =	vld [tilespmem:s8+$0xFFFFFFB0];
	[tilespmem:v56+s21+$0x0] =	vst.idx.msk $0xffff, v60  }
0x85: {  	s13 =	sadd.s32 $0x7, s10;
	s10 =	sadd.s32 $0x8, s10;
	v39 =	vmul.f32 $1.250000000e-01, v63;
	[tilespmem:v57+s21+$0x0] =	vst.idx.msk $0xffff, v62;
	v40 =	vmul.f32 $1.250000000e-01, v0;
	v56 =	vld [tilespmem:s8+$0xFFFFFFF0];
	v41 =	vadd.s32 v58, v41  }
0x86: {  	_ =	sdelay $0x3  }
0x87: {  	v0 =	vmov s13;
	v37 =	vadd.s32 v23, v37;
	v57 =	vld [tilespmem:s8+$0x30];
	v62 =	vmul.f32 $1.250000000e-01, v55;
	[tilespmem:v54+s21+$0x0] =	vst.idx.msk $0xffff, v39  }
0x88: {  	v36 =	vadd.s32 v27, v36;
	v0 =	vshrl.u32 v0, $0x3;
	v50 =	vmul.f32 $1.250000000e-01, v50;
	[tilespmem:v51+s21+$0x0] =	vst.idx.msk $0xffff, v40;
	v54 =	vld [tilespmem:s8+$0x70]  }
0x89: {  	v35 =	vadd.s32 v32, v35;
	s13 =	sadd.s32 $0x200, s8;
	v0 =	vshll.u32 v0, v1;
	v63 =	vmul.f32 $1.250000000e-01, v52;
	v51 =	vld [tilespmem:s8+$0xB0];
	[tilespmem:v53+s21+$0x0] =	vst.idx.msk $0xffff, v62  }
0x8a: {  	v33 =	vadd.s32 v31, v33;
	v39 =	vld [tilespmem:s13+$0xC0];
	v0 =	vbroadcast v0, $0x0;
	[tilespmem:v48+s21+$0x0] =	vst.idx.msk $0xffff, v50;
	v55 =	vmul.f32 $1.250000000e-01, v49  }
0x8b: {  	v42 =	vshll.u32 v42, v1;
	v34 =	vadd.s32 v6, v34;
	v49 =	vld [tilespmem:s13+$0xFFFFFF00];
	[tilespmem:v41+s21+$0x0] =	vst.idx.msk $0xffff, v63;
	v56 =	vmul.f32 $1.250000000e-01, v56  }
0x8c: {  	v47 =	vbroadcast v47, $0x0;
	v41 =	vld [tilespmem:s13+$0xFFFFFF40];
	v50 =	vadd.s32 v19, v0;
	[tilespmem:v37+s21+$0x0] =	vst.idx.msk $0xffff, v55;
	v59 =	vmul.f32 $1.250000000e-01, v57  }
0x8d: {  	v60 =	vadd.s32 v8, v38;
	v43 =	vbroadcast v43, $0x0;
	v61 =	vld [tilespmem:s13+$0xFFFFFF80];
	[tilespmem:v36+s21+$0x0] =	vst.idx.msk $0xffff, v56;
	v62 =	vmul.f32 $1.250000000e-01, v54  }
0x8e: {  	v44 =	vbroadcast v44, $0x0;
	v40 =	vadd.s32 v12, v47;
	v63 =	vld [tilespmem:s13+$0xFFFFFFC0];
	[tilespmem:v35+s21+$0x0] =	vst.idx.msk $0xffff, v59;
	v55 =	vmul.f32 $1.250000000e-01, v51  }
0x8f: {  	v46 =	vbroadcast v46, $0x0;
	v37 =	vadd.s32 v16, v43;
	v56 =	vld [tilespmem:s13+$0x0];
	v39 =	vmul.f32 $1.250000000e-01, v39;
	[tilespmem:v33+s21+$0x0] =	vst.idx.msk $0xffff, v62  }
0x90: {  	v45 =	vbroadcast v45, $0x0;
	v36 =	vadd.s32 v24, v44;
	v57 =	vmul.f32 $1.250000000e-01, v49;
	v49 =	vld [tilespmem:s13+$0x40];
	[tilespmem:v34+s21+$0x0] =	vst.idx.msk $0xffff, v55  }
0x91: {  	v42 =	vbroadcast v42, $0x0;
	v35 =	vadd.s32 v28, v46;
	v59 =	vmul.f32 $1.250000000e-01, v41;
	v41 =	vld [tilespmem:s13+$0x80];
	[tilespmem:v50+s21+$0x0] =	vst.idx.msk $0xffff, v39  }
0x92: {  	[tilespmem:v60+s21+$0x0] =	vst.idx.msk $0xffff, v57;
	v60 =	vmul.f32 $1.250000000e-01, v61;
	v39 =	vadd.s32 v30, v45;
	v61 =	vld [tilespmem:s13+$0xD0]  }
0x93: {  	v63 =	vmul.f32 $1.250000000e-01, v63;
	v62 =	vld [tilespmem:s13+$0xFFFFFF10];
	[tilespmem:v40+s21+$0x0] =	vst.idx.msk $0xffff, v59;
	v40 =	vadd.s32 v15, v42  }
0x94: {  	v56 =	vmul.f32 $1.250000000e-01, v56;
	v52 =	vld [tilespmem:s13+$0xFFFFFF50];
	[tilespmem:v37+s21+$0x0] =	vst.idx.msk $0xffff, v60;
	v37 =	vadd.s32 v2, v0  }
0x95: {  	v51 =	vadd.s32 v10, v38;
	[tilespmem:v36+s21+$0x0] =	vst.idx.msk $0xffff, v63;
	v57 =	vld [tilespmem:s13+$0xFFFFFF90];
	v59 =	vmul.f32 $1.250000000e-01, v49  }
0x96: {  	v36 =	vadd.s32 v17, v47;
	v49 =	vld [tilespmem:s13+$0xFFFFFFD0];
	[tilespmem:v35+s21+$0x0] =	vst.idx.msk $0xffff, v56;
	v60 =	vmul.f32 $1.250000000e-01, v41  }
0x97: {  	v35 =	vadd.s32 v9, v43;
	v41 =	vld [tilespmem:s13+$0x10];
	[tilespmem:v39+s21+$0x0] =	vst.idx.msk $0xffff, v59;
	v61 =	vmul.f32 $1.250000000e-01, v61  }
0x98: {  	v48 =	vadd.s32 v21, v44;
	v62 =	vmul.f32 $1.250000000e-01, v62;
	v63 =	vld [tilespmem:s13+$0x50];
	[tilespmem:v40+s21+$0x0] =	vst.idx.msk $0xffff, v60  }
0x99: {  	v40 =	vadd.s32 v25, v46;
	v56 =	vmul.f32 $1.250000000e-01, v52;
	v52 =	vld [tilespmem:s13+$0x90];
	[tilespmem:v37+s21+$0x0] =	vst.idx.msk $0xffff, v61  }
0x9a: {  	v59 =	vadd.s32 v29, v45;
	[tilespmem:v51+s21+$0x0] =	vst.idx.msk $0xffff, v62;
	v57 =	vmul.f32 $1.250000000e-01, v57;
	v60 =	vld [tilespmem:s13+$0xE0]  }
0x9b: {  	v61 =	vmul.f32 $1.250000000e-01, v49;
	v51 =	vld [tilespmem:s13+$0xFFFFFF20];
	[tilespmem:v36+s21+$0x0] =	vst.idx.msk $0xffff, v56;
	v36 =	vadd.s32 v4, v42  }
0x9c: {  	v62 =	vmul.f32 $1.250000000e-01, v41;
	v49 =	vld [tilespmem:s13+$0xFFFFFF60];
	[tilespmem:v35+s21+$0x0] =	vst.idx.msk $0xffff, v57;
	v35 =	vadd.s32 v3, v0  }
0x9d: {  	v41 =	vadd.s32 v14, v38;
	[tilespmem:v48+s21+$0x0] =	vst.idx.msk $0xffff, v61;
	v53 =	vld [tilespmem:s13+$0xFFFFFFA0];
	v63 =	vmul.f32 $1.250000000e-01, v63  }
0x9e: {  	v48 =	vadd.s32 v13, v47;
	v56 =	vld [tilespmem:s13+$0xFFFFFFE0];
	[tilespmem:v40+s21+$0x0] =	vst.idx.msk $0xffff, v62;
	v57 =	vmul.f32 $1.250000000e-01, v52  }
0x9f: {  	v40 =	vadd.s32 v20, v43;
	v52 =	vld [tilespmem:s13+$0x20];
	[tilespmem:v59+s21+$0x0] =	vst.idx.msk $0xffff, v63;
	v59 =	vmul.f32 $1.250000000e-01, v60  }
0xa0: {  	v61 =	vadd.s32 v18, v44;
	v60 =	vmul.f32 $1.250000000e-01, v51;
	v62 =	vld [tilespmem:s13+$0x60];
	[tilespmem:v36+s21+$0x0] =	vst.idx.msk $0xffff, v57  }
0xa1: {  	v36 =	vadd.s32 v22, v46;
	v63 =	vmul.f32 $1.250000000e-01, v49;
	v49 =	vld [tilespmem:s13+$0xA0];
	[tilespmem:v35+s21+$0x0] =	vst.idx.msk $0xffff, v59  }
0xa2: {  	v54 =	vadd.s32 v26, v45;
	[tilespmem:v41+s21+$0x0] =	vst.idx.msk $0xffff, v60;
	v53 =	vmul.f32 $1.250000000e-01, v53;
	v55 =	vld [tilespmem:s13+$0xF0]  }
0xa3: {  	v56 =	vmul.f32 $1.250000000e-01, v56;
	v41 =	vld [tilespmem:s13+$0xFFFFFF30];
	[tilespmem:v48+s21+$0x0] =	vst.idx.msk $0xffff, v63;
	v48 =	vadd.s32 v7, v42  }
0xa4: {  	v0 =	vadd.s32 v5, v0;
	v59 =	vmul.f32 $1.250000000e-01, v52;
	v57 =	vld [tilespmem:s13+$0xFFFFFF70];
	[tilespmem:v40+s21+$0x0] =	vst.idx.msk $0xffff, v53  }
0xa5: {  	v60 =	vadd.s32 v11, v38;
	[tilespmem:v61+s21+$0x0] =	vst.idx.msk $0xffff, v56;
	v40 =	vld [tilespmem:s13+$0xFFFFFFB0];
	v61 =	vmul.f32 $1.250000000e-01, v62  }
0xa6: {  	v62 =	vadd.s32 v58, v47;
	v63 =	vld [tilespmem:s13+$0xFFFFFFF0];
	[tilespmem:v36+s21+$0x0] =	vst.idx.msk $0xffff, v59;
	v49 =	vmul.f32 $1.250000000e-01, v49  }
0xa7: {  	v51 =	vadd.s32 v23, v43;
	v52 =	vld [tilespmem:s13+$0x30];
	[tilespmem:v54+s21+$0x0] =	vst.idx.msk $0xffff, v61;
	v53 =	vmul.f32 $1.250000000e-01, v55  }
0xa8: {  	s10 =	smulhi.u32 $0x51EB851F, s16;
	v54 =	vmul.f32 $1.250000000e-01, v41;
	v55 =	vadd.s32 v27, v44;
	v56 =	vld [tilespmem:s13+$0x70];
	[tilespmem:v48+s21+$0x0] =	vst.idx.msk $0xffff, v49  }
0xa9: {  	v58 =	vadd.s32 v32, v46;
	v57 =	vmul.f32 $1.250000000e-01, v57;
	v59 =	vld [tilespmem:s13+$0xB0];
	[tilespmem:v0+s21+$0x0] =	vst.idx.msk $0xffff, v53  }
0xaa: {  	s15 =	sshrl.u32 s10, $0x4;
	[tilespmem:v60+s21+$0x0] =	vst.idx.msk $0xffff, v54;
	v0 =	vmul.f32 $1.250000000e-01, v40;
	v60 =	vadd.s32 v31, v45  }
0xab: {  	s10 =	smul.u32 $0x32, s15;
	v61 =	vmul.f32 $1.250000000e-01, v63;
	[tilespmem:v62+s21+$0x0] =	vst.idx.msk $0xffff, v57;
	v62 =	vadd.s32 v6, v42  }
0xac: {  	[tilespmem:v51+s21+$0x0] =	vst.idx.msk $0xffff, v0;
	v0 =	vmul.f32 $1.250000000e-01, v52  }
0xad: {  	s10 =	ssub.s32 s16, s10;
	[tilespmem:v55+s21+$0x0] =	vst.idx.msk $0xffff, v61;
	v63 =	vmul.f32 $1.250000000e-01, v56  }
0xae: {  	s8 =	sadd.s32 s9, s15;
	s10 =	sshll.u32 s10, $0x11;
	[tilespmem:v58+s21+$0x0] =	vst.idx.msk $0xffff, v0;
	v0 =	vmul.f32 $1.250000000e-01, v59  }
0xaf: {  	s8 =	sshll.u32 s8, $0x7;
	s10 =	sadd.s32 s1, s10;
	[tilespmem:v60+s21+$0x0] =	vst.idx.msk $0xffff, v63  }
0xb0: {  	s19 =	simm.s32 $0x8200;
	s13 =	sadd.s32 s8, s10;
	[tilespmem:v62+s21+$0x0] =	vst.idx.msk $0xffff, v0  }
0xb1: {  	[hbm4b:s13+s3] =	stream.linear.scatter [tilespmem:s19], [sflag:$0x9], $0x80, $0x38;
	[tilespmem:$0xC600] =	vst v63  }
0xb2: {  	s23 =	simm.s32 $0x8288;
	s15 =	sadd.s32 $0x10, s13  }
0xb3: {  	[hbm4b:s15+s3] =	stream.linear.scatter [tilespmem:s23], [sflag:$0x9], $0x80, $0x38;
	[tilespmem:$0xC600] =	vst v63  }
0xb4: {  	s19 =	simm.s32 $0x8310;
	s23 =	sadd.s32 $0x20, s13  }
0xb5: {  	[hbm4b:s23+s3] =	stream.linear.scatter [tilespmem:s19], [sflag:$0x9], $0x80, $0x38;
	[tilespmem:$0xC600] =	vst v63  }
0xb6: {  	s19 =	simm.s32 $0x8398;
	s23 =	sadd.s32 $0x30, s13  }
0xb7: {  	[hbm4b:s23+s3] =	stream.linear.scatter [tilespmem:s19], [sflag:$0x9], $0x80, $0x38;
	[tilespmem:$0xC600] =	vst v63  }
0xb8: {  	s19 =	simm.s32 $0x8420;
	s23 =	sadd.s32 $0x40, s13  }
0xb9: {  	[hbm4b:s23+s3] =	stream.linear.scatter [tilespmem:s19], [sflag:$0x9], $0x80, $0x38;
	[tilespmem:$0xC600] =	vst v63  }
0xba: {  	s31 =	simm.s32 $0x85B8;
	s19 =	simm.s32 $0x84A8;
	s23 =	sadd.s32 $0x50, s13  }
0xbb: {  	[hbm4b:s23+s3] =	stream.linear.scatter [tilespmem:s19], [sflag:$0x9], $0x80, $0x38;
	[tilespmem:$0xC600] =	vst v63  }
0xbc: {  	s10 =	simm.s32 $0x440;
	s19 =	simm.s32 $0x8530;
	s23 =	sadd.s32 $0x60, s13  }
0xbd: {  	[hbm4b:s23+s3] =	stream.linear.scatter [tilespmem:s19], [sflag:$0x9], $0x80, $0x38;
	[tilespmem:$0xC600] =	vst v63  }
0xbe: {  	v23 =	vmov v10;
	s15 =	simm.s32 $0x2200;
	s19 =	sadd.s32 $0x70, s13;
	s13 =	sadd.s32 $0x4000, s13  }
.LBB2_5:
0xbf: {  	[hbm4b:s19+s3] =	stream.linear.scatter [tilespmem:s31], [sflag:$0x9], $0x80, $0x38;
	[tilespmem:$0xC600] =	vst v63  }
0xc0: {  	s19 =	smov.u32 s10;
	s10 =	smov.u32 s15  }
0xc1: {  	s23 =	sadd.s32 $0x1100, s15;
	s10 =	sshra.s32 s10, $0x2;
	s31 =	sadd.s32 $0x8200, s19  }
0xc2: {  	[hbm4b:s13+s3] =	stream.linear.scatter [tilespmem:s31], [sflag:$0x9], $0x80, $0x38;
	[tilespmem:$0xC600] =	vst v63  }
0xc3: {  	p0 =	sne.s32 s15, $0x7700;
	s15 =	sadd.s32 $0x8288, s19;
	s31 =	sadd.s32 $0x10, s13  }
0xc4: {  	[hbm4b:s31+s3] =	stream.linear.scatter [tilespmem:s15], [sflag:$0x9], $0x80, $0x38;
	[tilespmem:$0xC600] =	vst v63  }
0xc5: {  	s15 =	sadd.s32 $0x8310, s19;
	s31 =	sadd.s32 $0x20, s13  }
0xc6: {  	[hbm4b:s31+s3] =	stream.linear.scatter [tilespmem:s15], [sflag:$0x9], $0x80, $0x38;
	[tilespmem:$0xC600] =	vst v63  }
0xc7: {  	s15 =	sadd.s32 $0x8398, s19;
	s31 =	sadd.s32 $0x30, s13  }
0xc8: {  	[hbm4b:s31+s3] =	stream.linear.scatter [tilespmem:s15], [sflag:$0x9], $0x80, $0x38;
	[tilespmem:$0xC600] =	vst v63  }
0xc9: {  	s15 =	sadd.s32 $0x8420, s19;
	s31 =	sadd.s32 $0x40, s13  }
0xca: {  	[hbm4b:s31+s3] =	stream.linear.scatter [tilespmem:s15], [sflag:$0x9], $0x80, $0x38;
	[tilespmem:$0xC600] =	vst v63  }
0xcb: {  	s15 =	sadd.s32 $0x84A8, s19;
	s31 =	sadd.s32 $0x50, s13  }
0xcc: {  	[hbm4b:s31+s3] =	stream.linear.scatter [tilespmem:s15], [sflag:$0x9], $0x80, $0x38;
	[tilespmem:$0xC600] =	vst v63  }
.Ltmp1:
0xcd: {  	_ = 	snop;
	(pc) =	sbr.rel @p0 .LBB2_5-.Ltmp1, $4  }
0xce: {  	s15 =	sadd.s32 $0x8530, s19;
	s31 =	sadd.s32 $0x60, s13  }
0xcf: {  	[hbm4b:s31+s3] =	stream.linear.scatter [tilespmem:s15], [sflag:$0x9], $0x80, $0x38;
	[tilespmem:$0xC600] =	vst v63  }
0xd0: {  	s31 =	sadd.s32 $0x85B8, s19  }
0xd1: {  	s19 =	sadd.s32 $0x70, s13;
	s13 =	sadd.s32 $0x4000, s13;
	s15 =	smov.u32 s23  }
0xd2: {  	[hbm4b:s19+s3] =	stream.linear.scatter [tilespmem:s31], [sflag:$0x9], $0x80, $0x38;
	[tilespmem:$0xC600] =	vst v63  }
0xd3: {  	s15 =	sadd.s32 $0x8200, s10  }
0xd4: {  	[hbm4b:s13+s3] =	stream.linear.scatter [tilespmem:s15], [sflag:$0x9], $0x80, $0x38;
	[tilespmem:$0xC600] =	vst v63  }
0xd5: {  	s19 =	sadd.s32 $0x8288, s10;
	s23 =	sadd.s32 $0x10, s13  }
0xd6: {  	[hbm4b:s23+s3] =	stream.linear.scatter [tilespmem:s19], [sflag:$0x9], $0x80, $0x38;
	[tilespmem:$0xC600] =	vst v63  }
0xd7: {  	s19 =	sadd.s32 $0x8310, s10;
	s23 =	sadd.s32 $0x20, s13  }
0xd8: {  	[hbm4b:s23+s3] =	stream.linear.scatter [tilespmem:s19], [sflag:$0x9], $0x80, $0x38;
	[tilespmem:$0xC600] =	vst v63  }
0xd9: {  	s19 =	sadd.s32 $0x8398, s10;
	s23 =	sadd.s32 $0x30, s13  }
0xda: {  	[hbm4b:s23+s3] =	stream.linear.scatter [tilespmem:s19], [sflag:$0x9], $0x80, $0x38;
	[tilespmem:$0xC600] =	vst v63  }
0xdb: {  	p0 =	seq.s32 s0, $0x31;
	s19 =	sadd.s32 $0x8420, s10;
	s23 =	sadd.s32 $0x40, s13  }
0xdc: {  	[hbm4b:s23+s3] =	stream.linear.scatter [tilespmem:s19], [sflag:$0x9], $0x80, $0x38;
	[tilespmem:$0xC600] =	vst v63  }
0xdd: {  	s15 =	sadd.s32 @!p0 $0x4, s16;
	s19 =	sadd.s32 $0x84A8, s10;
	s23 =	sadd.s32 $0x50, s13  }
0xde: {  	[hbm4b:s23+s3] =	stream.linear.scatter [tilespmem:s19], [sflag:$0x9], $0x80, $0x38;
	[tilespmem:$0xC600] =	vst v63  }
0xdf: {  	s31 =	smulhi.u32 @!p0 $0x51EB851F, s15;
	s19 =	sadd.s32 $0x8530, s10;
	s23 =	sadd.s32 $0x60, s13  }
0xe0: {  	[hbm4b:s23+s3] =	stream.linear.scatter [tilespmem:s19], [sflag:$0x9], $0x80, $0x38;
	[tilespmem:$0xC600] =	vst v63  }
0xe1: {  	s19 =	sshrl.u32 @!p0 s31, $0x4  }
0xe2: {  	s10 =	sadd.s32 $0x85B8, s10;
	s13 =	sadd.s32 $0x70, s13;
	s23 =	smul.u32 @!p0 $0x32, s19  }
0xe3: {  	[hbm4b:s13+s3] =	stream.linear.scatter [tilespmem:s10], [sflag:$0x9], $0x80, $0x38;
	[tilespmem:$0xC600] =	vst v63  }
0xe4: {  	s10 =	ssub.s32 @!p0 s15, s23  }
0xe5: {  	s13 =	sadd.s32 @!p0 s9, s19;
	s10 =	sshll.u32 @!p0 s10, $0xB  }
0xe6: {  	s13 =	sshll.u32 @!p0 s13, $0x4;
	s10 =	sadd.s32 @!p0 s4, s10  }
0xe7: {  	s10 =	sadd.s32 @!p0 s13, s10;
	s13 =	simm.s32 @!p0 $0x0  }
0xe8: {  	[tilespmem:s13], [sflag:$0x1] =	stream.linear.gather @!p0 [hbm4b:s10+s13], $0x80, $0x38;
	[tilespmem:$0xC600] =	vst v63  }
0xe9: {  	_ =	swait.ge [sflag:s22], $0x80  }
0xea: {  	s19 =	simm.s32 $0x2;
	[sflag:s22] =	ssyncset.done $0x0  }
0xeb: {  	s23 =	simm.s32 $0x6200;
	s15 =	simm.s32 $0x1;
	[sflag:s22] =	ssyncadd.s32 $0xFFFFFF80  }
0xec: {  	v34 =	vmov s19;
	[tilespmem:s23], [sflag:$0x8] =	stream.indirect.gather [hbm4b:s5+s11], $0x40, s17, s11, $0xb8;
	[tilespmem:$0xC600] =	vst v63  }
0xed: {  	v33 =	vmov s15;
	s15 =	simm.s32 $0x5;
	v34 =	vshrl.u32 v34, $0x3;
	_ =	swait.ge [sflag:s24], $0x2000  }
0xee: {  	v37 =	vmov s15;
	s15 =	simm.s32 $0x7;
	v33 =	vshrl.u32 v33, $0x3;
	v34 =	vshll.u32 v34, v1;
	[sflag:s24] =	ssyncset.done $0x0  }
0xef: {  	s19 =	simm.s32 @!p1 $0xA;
	v39 =	vmov s15;
	v37 =	vshrl.u32 v37, $0x3;
	v33 =	vshll.u32 v33, v1;
	s13 =	simm.s32 $0x0;
	[sflag:s24] =	ssyncadd.s32 $0xFFFFE000  }
0xf0: {  	v39 =	vshrl.u32 v39, $0x3;
	v32 =	vbroadcast v33, $0x0;
	v0 =	vmov s13;
	_ =	swait.ge @!p1 [sflag:s19], $0x2000  }
0xf1: {  	v57 =	vshll.u32 v37, v1;
	v37 =	vbroadcast v34, $0x0;
	s13 =	simm.s32 $0x4;
	v0 =	vshrl.u32 v0, $0x3;
	[sflag:s19] =	ssyncset.done @!p1 $0x0  }
0xf2: {  	v40 =	vshll.u32 v39, v1;
	v36 =	vmov s13;
	s13 =	simm.s32 $0x2300;
	v0 =	vshll.u32 v0, v1;
	[sflag:s19] =	ssyncadd.s32 @!p1 $0xFFFFE000  }
0xf3: {  	v6 =	vbroadcast v40, $0x0;
	s23 =	simm.s32 $0x3;
	v31 =	vbroadcast v0, $0x0;
	v0 =	vld [tilespmem:s13+$0xC0]  }
0xf4: {  	v33 =	vbroadcast v57, $0x0;
	v59 =	vadd.s32 v12, v32;
	v35 =	vmov s23;
	v42 =	vld [tilespmem:s13+$0xFFFFFF00]  }
0xf5: {  	v49 =	vadd.s32 v16, v37;
	v45 =	vadd.s32 v19, v6;
	v35 =	vshrl.u32 v35, $0x3;
	v44 =	vld [tilespmem:s13+$0xFFFFFF40]  }
0xf6: {  	v36 =	vshrl.u32 v36, $0x3;
	s23 =	simm.s32 $0x6;
	v46 =	vadd.s32 v8, v31;
	v35 =	vshll.u32 v35, v1;
	v47 =	vld [tilespmem:s13+$0xFFFFFF80]  }
0xf7: {  	v43 =	vshll.u32 v36, v1;
	v38 =	vmov s23;
	v36 =	vbroadcast v35, $0x0;
	v48 =	vld [tilespmem:s13+$0xFFFFFFC0]  }
0xf8: {  	v38 =	vshrl.u32 v38, $0x3;
	v35 =	vbroadcast v43, $0x0;
	v50 =	vld [tilespmem:s13+$0x0];
	v0 =	vmul.f32 $1.250000000e-01, v0  }
0xf9: {  	v58 =	vshll.u32 v38, v1;
	v43 =	vadd.s32 v24, v36;
	v51 =	vld [tilespmem:s13+$0x40];
	v42 =	vmul.f32 $1.250000000e-01, v42  }
0xfa: {  	v34 =	vbroadcast v58, $0x0;
	v52 =	vadd.s32 v28, v35;
	v53 =	vld [tilespmem:s13+$0x80];
	v44 =	vmul.f32 $1.250000000e-01, v44;
	[tilespmem:v45+s25+$0x0] =	vst.idx.msk $0xffff, v0  }
0xfb: {  	v60 =	vmul.f32 $1.250000000e-01, v47;
	[tilespmem:v46+s25+$0x0] =	vst.idx.msk $0xffff, v42;
	v45 =	vadd.s32 v30, v33;
	v46 =	vld [tilespmem:s13+$0xD0]  }
0xfc: {  	v62 =	vadd.s32 v15, v34;
	v61 =	vmul.f32 $1.250000000e-01, v48;
	[tilespmem:v59+s25+$0x0] =	vst.idx.msk $0xffff, v44;
	v47 =	vld [tilespmem:s13+$0xFFFFFF10]  }
0xfd: {  	v63 =	vmul.f32 $1.250000000e-01, v50;
	[tilespmem:v49+s25+$0x0] =	vst.idx.msk $0xffff, v60;
	v49 =	vadd.s32 v2, v6;
	v54 =	vld [tilespmem:s13+$0xFFFFFF50]  }
0xfe: {  	v55 =	vadd.s32 v23, v31;
	[tilespmem:v43+s25+$0x0] =	vst.idx.msk $0xffff, v61;
	v60 =	vmul.f32 $1.250000000e-01, v51;
	v56 =	vld [tilespmem:s13+$0xFFFFFF90]  }
0xff: {  	v51 =	vadd.s32 v17, v32;
	[tilespmem:v52+s25+$0x0] =	vst.idx.msk $0xffff, v63;
	v61 =	vmul.f32 $1.250000000e-01, v53;
	v57 =	vld [tilespmem:s13+$0xFFFFFFD0]  }
0x100: {  	v53 =	vadd.s32 v9, v37;
	v58 =	vld [tilespmem:s13+$0x10];
	[tilespmem:v45+s25+$0x0] =	vst.idx.msk $0xffff, v60;
	v38 =	vmul.f32 $1.250000000e-01, v46  }
0x101: {  	[tilespmem:v62+s25+$0x0] =	vst.idx.msk $0xffff, v61;
	v46 =	vmul.f32 $1.250000000e-01, v47;
	v47 =	vadd.s32 v21, v36;
	v59 =	vld [tilespmem:s13+$0x50]  }
0x102: {  	v60 =	vld [tilespmem:s13+$0x90];
	v44 =	vmul.f32 $1.250000000e-01, v54;
	v54 =	vadd.s32 v25, v35;
	[tilespmem:v49+s25+$0x0] =	vst.idx.msk $0xffff, v38  }
0x103: {  	s15 =	simm.s32 $0x9;
	v62 =	vmul.f32 $1.250000000e-01, v56;
	[tilespmem:v55+s25+$0x0] =	vst.idx.msk $0xffff, v46;
	v46 =	vadd.s32 v29, v33;
	v49 =	vld [tilespmem:s13+$0xE0]  }
0x104: {  	s23 =	simm.s32 $0x8;
	v48 =	vmov s15;
	v63 =	vmul.f32 $1.250000000e-01, v57;
	[tilespmem:v51+s25+$0x0] =	vst.idx.msk $0xffff, v44;
	v51 =	vadd.s32 v4, v34;
	v55 =	vld [tilespmem:s13+$0xFFFFFF20]  }
0x105: {  	s15 =	simm.s32 $0xC;
	v0 =	vmov s23;
	[tilespmem:v53+s25+$0x0] =	vst.idx.msk $0xffff, v62;
	v38 =	vmul.f32 $1.250000000e-01, v58;
	v53 =	vadd.s32 v3, v6;
	v56 =	vld [tilespmem:s13+$0xFFFFFF60]  }
0x106: {  	v52 =	vmov s15;
	v57 =	vadd.s32 v14, v31;
	v58 =	vld [tilespmem:s13+$0xFFFFFFA0];
	[tilespmem:v47+s25+$0x0] =	vst.idx.msk $0xffff, v63;
	v44 =	vmul.f32 $1.250000000e-01, v59  }
0x107: {  	v41 =	vshrl.u32 v52, $0x3;
	v52 =	vadd.s32 v13, v32;
	[tilespmem:v54+s25+$0x0] =	vst.idx.msk $0xffff, v38;
	v59 =	vmul.f32 $1.250000000e-01, v60;
	v61 =	vld [tilespmem:s13+$0xFFFFFFE0]  }
0x108: {  	v0 =	vshrl.u32 v0, $0x3;
	v62 =	vadd.s32 v20, v37;
	v63 =	vld [tilespmem:s13+$0x20];
	[tilespmem:v46+s25+$0x0] =	vst.idx.msk $0xffff, v44;
	v54 =	vmul.f32 $1.250000000e-01, v49  }
0x109: {  	s19 =	simm.s32 $0xA;
	v40 =	vshll.u32 v0, v1;
	v0 =	vadd.s32 v18, v36;
	[tilespmem:v51+s25+$0x0] =	vst.idx.msk $0xffff, v59;
	v55 =	vmul.f32 $1.250000000e-01, v55;
	v39 =	vld [tilespmem:s13+$0x60]  }
0x10a: {  	v50 =	vmov s19;
	v38 =	vbroadcast v40, $0x0;
	v40 =	vmul.f32 $1.250000000e-01, v56;
	v60 =	vld [tilespmem:s13+$0xA0];
	[tilespmem:v53+s25+$0x0] =	vst.idx.msk $0xffff, v54  }
0x10b: {  	v50 =	vshrl.u32 v50, $0x3;
	v59 =	vadd.s32 v22, v35;
	v58 =	vmul.f32 $1.250000000e-01, v58;
	[tilespmem:v57+s25+$0x0] =	vst.idx.msk $0xffff, v55;
	v55 =	vld [tilespmem:s13+$0xF0]  }
0x10c: {  	v44 =	vshll.u32 v50, v1;
	[tilespmem:v52+s25+$0x0] =	vst.idx.msk $0xffff, v40;
	v50 =	vld [tilespmem:s13+$0xFFFFFF30];
	v61 =	vmul.f32 $1.250000000e-01, v61  }
0x10d: {  	[tilespmem:v62+s25+$0x0] =	vst.idx.msk $0xffff, v58;
	v52 =	vld [tilespmem:s13+$0xFFFFFF70]  }
0x10e: {  	s23 =	simm.s32 $0xB;
	v63 =	vmul.f32 $1.250000000e-01, v63;
	v49 =	vld [tilespmem:s13+$0xFFFFFFB0];
	[tilespmem:v0+s25+$0x0] =	vst.idx.msk $0xffff, v61  }
0x10f: {  	s19 =	simm.s32 $0xD;
	v43 =	vmov s23;
	s23 =	simm.s32 $0xE;
	v0 =	vld [tilespmem:$0x1FEA0]  }
0x110: {  	v48 =	vshrl.u32 v48, $0x3;
	v42 =	vmov s23;
	v45 =	vmov s19;
	v56 =	vld [tilespmem:s13+$0xFFFFFFF0];
	[tilespmem:v59+s25+$0x0] =	vst.idx.msk $0xffff, v63  }
0x111: {  	v27 =	vmovc v17;
	v43 =	vshrl.u32 v43, $0x3;
	v17 =	vshrl.u32 v45, $0x3;
	v51 =	vadd.s32 v7, v34;
	v7 =	vld [tilespmem:$0x1FF10]  }
0x112: {  	v42 =	vshrl.u32 v42, $0x3;
	v45 =	vshll.u32 v43, v1;
	v53 =	vadd.s32 v5, v6;
	v6 =	vmovc v23;
	v23 =	vld [tilespmem:$0x1FF30]  }
0x113: {  	v10 =	vmovc v14;
	v43 =	vshll.u32 v17, v1;
	v47 =	vshll.u32 v48, v1;
	v48 =	vadd.s32 v11, v31;
	v31 =	vld [tilespmem:$0x1FF50]  }
0x114: {  	v14 =	vmovc v27;
	v17 =	vmovc v9;
	v9 =	vmov v5;
	v46 =	vshll.u32 v41, v1;
	v54 =	vadd.s32 v26, v33;
	v11 =	vld [tilespmem:$0x1FF70]  }
0x115: {  	s31 =	simm.s32 $0xF;
	s10 =	sor.u32 $0x1, s16;
	s15 =	simm.s32 $0x10;
	v5 =	vmovc v2;
	v39 =	vmul.f32 $1.250000000e-01, v39;
	v40 =	vmul.f32 $1.250000000e-01, v60;
	v27 =	vld [tilespmem:$0x1FF90];
	v41 =	vadd.s32 v0, v32;
	v32 =	vmovc v3  }
.LBB2_7:
0x116: {  	_ =	sdelay $0x2  }
0x117: {  	v0 =	vmov s31;
	v37 =	vadd.s32 v7, v37;
	v57 =	vld [tilespmem:s13+$0x30];
	[tilespmem:v54+s25+$0x0] =	vst.idx.msk $0xffff, v39;
	v59 =	vmul.f32 $1.250000000e-01, v55  }
0x118: {  	v36 =	vadd.s32 v23, v36;
	v0 =	vshrl.u32 v0, $0x3;
	[tilespmem:v51+s25+$0x0] =	vst.idx.msk $0xffff, v40;
	v61 =	vld [tilespmem:s13+$0x70];
	v60 =	vmul.f32 $1.250000000e-01, v50  }
0x119: {  	v35 =	vadd.s32 v31, v35;
	v0 =	vshll.u32 v0, v1;
	v63 =	vld [tilespmem:s13+$0xB0];
	s13 =	sadd.s32 $0x200, s13;
	v62 =	vmul.f32 $1.250000000e-01, v52;
	[tilespmem:v53+s25+$0x0] =	vst.idx.msk $0xffff, v59  }
0x11a: {  	v33 =	vadd.s32 v11, v33;
	v40 =	vbroadcast v0, $0x0;
	v0 =	vmul.f32 $1.250000000e-01, v49;
	[tilespmem:v48+s25+$0x0] =	vst.idx.msk $0xffff, v60;
	v53 =	vld [tilespmem:s13+$0xC0]  }
0x11b: {  	v34 =	vadd.s32 v27, v34;
	v39 =	vmov v38;
	v58 =	vmul.f32 $1.250000000e-01, v56;
	[tilespmem:v41+s25+$0x0] =	vst.idx.msk $0xffff, v62;
	v38 =	vld [tilespmem:s13+$0xFFFFFF00]  }
0x11c: {  	v41 =	vbroadcast v47, $0x0;
	v59 =	vadd.s32 v19, v40;
	[tilespmem:v37+s25+$0x0] =	vst.idx.msk $0xffff, v0;
	v0 =	vmul.f32 $1.250000000e-01, v57;
	v49 =	vld [tilespmem:s13+$0xFFFFFF40]  }
0x11d: {  	v51 =	vadd.s32 v8, v39;
	v37 =	vbroadcast v44, $0x0;
	[tilespmem:v36+s25+$0x0] =	vst.idx.msk $0xffff, v58;
	v54 =	vld [tilespmem:s13+$0xFFFFFF80];
	v60 =	vmul.f32 $1.250000000e-01, v61  }
0x11e: {  	v36 =	vbroadcast v45, $0x0;
	v62 =	vld [tilespmem:s13+$0xFFFFFFC0];
	v61 =	vadd.s32 v12, v41;
	[tilespmem:v35+s25+$0x0] =	vst.idx.msk $0xffff, v0;
	v0 =	vmul.f32 $1.250000000e-01, v63  }
0x11f: {  	v63 =	vadd.s32 v16, v37;
	v35 =	vbroadcast v46, $0x0;
	v57 =	vld [tilespmem:s13+$0x0];
	[tilespmem:v33+s25+$0x0] =	vst.idx.msk $0xffff, v60;
	v58 =	vmul.f32 $1.250000000e-01, v53  }
0x120: {  	v42 =	vshll.u32 v42, v1;
	v44 =	vadd.s32 v24, v36;
	[tilespmem:v34+s25+$0x0] =	vst.idx.msk $0xffff, v0;
	v38 =	vmul.f32 $1.250000000e-01, v38  }
0x121: {  	v33 =	vbroadcast v43, $0x0;
	v43 =	vadd.s32 v28, v35;
	v53 =	vld [tilespmem:s13+$0x40];
	v0 =	vmul.f32 $1.250000000e-01, v49;
	[tilespmem:v59+s25+$0x0] =	vst.idx.msk $0xffff, v58  }
0x122: {  	v34 =	vbroadcast v42, $0x0;
	v49 =	vld [tilespmem:s13+$0x80];
	v60 =	vmul.f32 $1.250000000e-01, v54;
	[tilespmem:v51+s25+$0x0] =	vst.idx.msk $0xffff, v38  }
0x123: {  	v46 =	vadd.s32 v30, v33;
	[tilespmem:v61+s25+$0x0] =	vst.idx.msk $0xffff, v0;
	v0 =	vmul.f32 $1.250000000e-01, v62;
	v47 =	vld [tilespmem:s13+$0xD0]  }
0x124: {  	v61 =	vadd.s32 v15, v34;
	[tilespmem:v63+s25+$0x0] =	vst.idx.msk $0xffff, v60;
	v63 =	vmul.f32 $1.250000000e-01, v57;
	v51 =	vld [tilespmem:s13+$0xFFFFFF10]  }
0x125: {  	v45 =	vadd.s32 v5, v40;
	v62 =	vld [tilespmem:s13+$0xFFFFFF50];
	[tilespmem:v44+s25+$0x0] =	vst.idx.msk $0xffff, v0  }
0x126: {  	v55 =	vadd.s32 v6, v39;
	v56 =	vld [tilespmem:s13+$0xFFFFFF90];
	[tilespmem:v43+s25+$0x0] =	vst.idx.msk $0xffff, v63;
	v0 =	vmul.f32 $1.250000000e-01, v53  }
0x127: {  	v53 =	vadd.s32 v14, v41;
	v60 =	vmul.f32 $1.250000000e-01, v49;
	v58 =	vld [tilespmem:s13+$0x10]  }
0x128: {  	v57 =	vld [tilespmem:s13+$0xFFFFFFD0];
	v49 =	vadd.s32 v17, v37;
	[tilespmem:v46+s25+$0x0] =	vst.idx.msk $0xffff, v0;
	v0 =	vmul.f32 $1.250000000e-01, v47  }
0x129: {  	v54 =	vadd.s32 v25, v35;
	[tilespmem:v61+s25+$0x0] =	vst.idx.msk $0xffff, v60;
	v47 =	vmul.f32 $1.250000000e-01, v51  }
0x12a: {  	v59 =	vmov s15;
	v51 =	vadd.s32 v21, v36;
	v48 =	vmul.f32 $1.250000000e-01, v62;
	[tilespmem:v45+s25+$0x0] =	vst.idx.msk $0xffff, v0  }
0x12b: {  	s23 =	sadd.s32 $0x2, s15;
	v42 =	vshrl.u32 v59, $0x3;
	v59 =	vld [tilespmem:s13+$0x50];
	v61 =	vmul.f32 $1.250000000e-01, v56;
	[tilespmem:v55+s25+$0x0] =	vst.idx.msk $0xffff, v47  }
0x12c: {  	v52 =	vmov s23;
	s23 =	sadd.s32 $0x3, s15;
	v60 =	vld [tilespmem:s13+$0x90];
	[tilespmem:v53+s25+$0x0] =	vst.idx.msk $0xffff, v48;
	v63 =	vmul.f32 $1.250000000e-01, v58  }
0x12d: {  	v44 =	vmov s23;
	s23 =	sadd.s32 $0x4, s15;
	v45 =	vadd.s32 v29, v33;
	v62 =	vmul.f32 $1.250000000e-01, v57;
	[tilespmem:v49+s25+$0x0] =	vst.idx.msk $0xffff, v61;
	v47 =	vld [tilespmem:s13+$0xE0]  }
0x12e: {  	v43 =	vmov s23;
	s23 =	sadd.s32 $0x5, s15;
	v53 =	vadd.s32 v4, v34;
	v56 =	vld [tilespmem:s13+$0xFFFFFF60];
	[tilespmem:v54+s25+$0x0] =	vst.idx.msk $0xffff, v63  }
0x12f: {  	v46 =	vmov s23;
	s23 =	sadd.s32 $0x6, s15;
	v49 =	vadd.s32 v32, v40;
	[tilespmem:v51+s25+$0x0] =	vst.idx.msk $0xffff, v62;
	v61 =	vld [tilespmem:s13+$0x20]  }
0x130: {  	v38 =	vmov s23;
	v48 =	vmul.f32 $1.250000000e-01, v59;
	v51 =	vadd.s32 v13, v41;
	v59 =	vld [tilespmem:s13+$0xFFFFFFE0]  }
0x131: {  	v0 =	vshll.u32 v42, v1;
	v57 =	vshrl.u32 v44, $0x3;
	v55 =	vld [tilespmem:s13+$0xFFFFFF20];
	v54 =	vmul.f32 $1.250000000e-01, v60  }
0x132: {  	v44 =	vadd.s32 v10, v39;
	v58 =	vld [tilespmem:s13+$0xFFFFFFA0];
	v62 =	vadd.s32 v18, v36;
	[tilespmem:v45+s25+$0x0] =	vst.idx.msk $0xffff, v48;
	v45 =	vmul.f32 $1.250000000e-01, v47  }
0x133: {  	v42 =	vshrl.u32 v38, $0x3;
	v38 =	vbroadcast v0, $0x0;
	[tilespmem:v53+s25+$0x0] =	vst.idx.msk $0xffff, v54;
	v63 =	vld [tilespmem:s13+$0x60];
	v0 =	vmul.f32 $1.250000000e-01, v56  }
0x134: {  	v60 =	vshrl.u32 v46, $0x3;
	v46 =	vadd.s32 v20, v37;
	v3 =	vld [tilespmem:s13+$0xA0];
	[tilespmem:v49+s25+$0x0] =	vst.idx.msk $0xffff, v45  }
0x135: {  	s19 =	sadd.s32 $0x1, s15;
	[tilespmem:v51+s25+$0x0] =	vst.idx.msk $0xffff, v0;
	v45 =	vshll.u32 v57, v1;
	v57 =	vmul.f32 $1.250000000e-01, v61;
	v61 =	vld [tilespmem:$0x1FEC0];
	v0 =	vmul.f32 $1.250000000e-01, v59  }
0x136: {  	v50 =	vmov s19;
	v55 =	vmul.f32 $1.250000000e-01, v55;
	v59 =	vld [tilespmem:$0x1FFE0]  }
0x137: {  	p1 =	slt.u32 s15, $0x78;
	v50 =	vshrl.u32 v50, $0x3;
	v2 =	vadd.s32 v22, v35;
	[tilespmem:v62+s25+$0x0] =	vst.idx.msk $0xffff, v0;
	v0 =	vld [tilespmem:$0x1FEA0]  }
.Ltmp2:
0x138: {  	v52 =	vshrl.u32 v52, $0x3;
	v43 =	vshrl.u32 v43, $0x3;
	v58 =	vmul.f32 $1.250000000e-01, v58;
	[tilespmem:v44+s25+$0x0] =	vst.idx.msk $0xffff, v55;
	v55 =	vld [tilespmem:s13+$0xF0];
	(pc) =	sbr.rel @p1 .LBB2_7-.Ltmp2, $4  }
0x139: {  	v54 =	vadd.s32 v26, v33;
	v53 =	vadd.s32 v9, v40;
	v47 =	vshll.u32 v50, v1;
	v50 =	vld [tilespmem:s13+$0xFFFFFF30]  }
0x13a: {  	v44 =	vshll.u32 v52, v1;
	[tilespmem:v46+s25+$0x0] =	vst.idx.msk $0xffff, v58;
	v46 =	vshll.u32 v43, v1;
	v52 =	vld [tilespmem:s13+$0xFFFFFF70]  }
0x13b: {  	v43 =	vshll.u32 v60, v1;
	v49 =	vld [tilespmem:s13+$0xFFFFFFB0];
	v40 =	vmul.f32 $1.250000000e-01, v3;
	v48 =	vadd.s32 v61, v39  }
0x13c: {  	s31 =	sadd.s32 $0x7, s15;
	s15 =	sadd.s32 $0x8, s15;
	[tilespmem:v2+s25+$0x0] =	vst.idx.msk $0xffff, v57;
	v56 =	vld [tilespmem:s13+$0xFFFFFFF0];
	v39 =	vmul.f32 $1.250000000e-01, v63;
	v51 =	vadd.s32 v59, v34;
	v41 =	vadd.s32 v0, v41  }
0x13d: {  	_ =	sdelay $0x3  }
0x13e: {  	v0 =	vmov s31;
	v2 =	vadd.s32 v7, v37;
	v3 =	vld [tilespmem:s13+$0x30];
	v55 =	vmul.f32 $1.250000000e-01, v55;
	[tilespmem:v54+s25+$0x0] =	vst.idx.msk $0xffff, v39  }
0x13f: {  	v36 =	vadd.s32 v23, v36;
	[tilespmem:v51+s25+$0x0] =	vst.idx.msk $0xffff, v40;
	v0 =	vshrl.u32 v0, $0x3;
	v60 =	vmul.f32 $1.250000000e-01, v50;
	v50 =	vld [tilespmem:s13+$0x70]  }
0x140: {  	v35 =	vadd.s32 v31, v35;
	s19 =	sadd.s32 $0x200, s13;
	v51 =	vld [tilespmem:s13+$0xB0];
	v0 =	vshll.u32 v0, v1;
	v61 =	vmul.f32 $1.250000000e-01, v52;
	[tilespmem:v53+s25+$0x0] =	vst.idx.msk $0xffff, v55  }
0x141: {  	v33 =	vadd.s32 v11, v33;
	v37 =	vld [tilespmem:s19+$0xC0];
	v0 =	vbroadcast v0, $0x0;
	[tilespmem:v48+s25+$0x0] =	vst.idx.msk $0xffff, v60;
	v62 =	vmul.f32 $1.250000000e-01, v49  }
0x142: {  	v42 =	vshll.u32 v42, v1;
	v34 =	vadd.s32 v27, v34;
	v48 =	vld [tilespmem:s19+$0xFFFFFF00];
	[tilespmem:v41+s25+$0x0] =	vst.idx.msk $0xffff, v61;
	v63 =	vmul.f32 $1.250000000e-01, v56  }
0x143: {  	v47 =	vbroadcast v47, $0x0;
	v41 =	vld [tilespmem:s19+$0xFFFFFF40];
	v49 =	vadd.s32 v19, v0;
	[tilespmem:v2+s25+$0x0] =	vst.idx.msk $0xffff, v62;
	v2 =	vmul.f32 $1.250000000e-01, v3  }
0x144: {  	v44 =	vbroadcast v44, $0x0;
	v60 =	vld [tilespmem:s19+$0xFFFFFF80];
	v3 =	vadd.s32 v8, v38;
	[tilespmem:v36+s25+$0x0] =	vst.idx.msk $0xffff, v63;
	v61 =	vmul.f32 $1.250000000e-01, v50  }
0x145: {  	v45 =	vbroadcast v45, $0x0;
	v40 =	vadd.s32 v12, v47;
	v62 =	vld [tilespmem:s19+$0xFFFFFFC0];
	[tilespmem:v35+s25+$0x0] =	vst.idx.msk $0xffff, v2;
	v2 =	vmul.f32 $1.250000000e-01, v51  }
0x146: {  	v46 =	vbroadcast v46, $0x0;
	v63 =	vld [tilespmem:s19+$0x0];
	v37 =	vmul.f32 $1.250000000e-01, v37;
	v35 =	vadd.s32 v16, v44;
	[tilespmem:v33+s25+$0x0] =	vst.idx.msk $0xffff, v61  }
0x147: {  	v43 =	vbroadcast v43, $0x0;
	v36 =	vadd.s32 v24, v45;
	v53 =	vmul.f32 $1.250000000e-01, v48;
	v48 =	vld [tilespmem:s19+$0x40];
	[tilespmem:v34+s25+$0x0] =	vst.idx.msk $0xffff, v2  }
0x148: {  	v57 =	vld [tilespmem:s19+$0x80];
	v42 =	vbroadcast v42, $0x0;
	v2 =	vmul.f32 $1.250000000e-01, v41;
	v34 =	vadd.s32 v28, v46;
	[tilespmem:v49+s25+$0x0] =	vst.idx.msk $0xffff, v37  }
0x149: {  	[tilespmem:v3+s25+$0x0] =	vst.idx.msk $0xffff, v53;
	v3 =	vmul.f32 $1.250000000e-01, v60;
	v60 =	vadd.s32 v30, v43;
	v37 =	vld [tilespmem:s19+$0xD0]  }
0x14a: {  	v61 =	vld [tilespmem:s19+$0xFFFFFF10];
	[tilespmem:v40+s25+$0x0] =	vst.idx.msk $0xffff, v2;
	v2 =	vmul.f32 $1.250000000e-01, v62;
	v40 =	vadd.s32 v15, v42  }
0x14b: {  	v62 =	vld [tilespmem:s19+$0xFFFFFF50];
	[tilespmem:v35+s25+$0x0] =	vst.idx.msk $0xffff, v3;
	v3 =	vmul.f32 $1.250000000e-01, v63;
	v35 =	vadd.s32 v5, v0  }
0x14c: {  	v50 =	vadd.s32 v6, v38;
	v63 =	vld [tilespmem:s19+$0xFFFFFF90];
	[tilespmem:v36+s25+$0x0] =	vst.idx.msk $0xffff, v2;
	v2 =	vmul.f32 $1.250000000e-01, v48  }
0x14d: {  	v36 =	vadd.s32 v14, v47;
	v48 =	vld [tilespmem:s19+$0xFFFFFFD0];
	[tilespmem:v34+s25+$0x0] =	vst.idx.msk $0xffff, v3;
	v3 =	vmul.f32 $1.250000000e-01, v57  }
0x14e: {  	v34 =	vadd.s32 v17, v44;
	v41 =	vld [tilespmem:s19+$0x10];
	[tilespmem:v60+s25+$0x0] =	vst.idx.msk $0xffff, v2;
	v2 =	vmul.f32 $1.250000000e-01, v37  }
0x14f: {  	v60 =	vmul.f32 $1.250000000e-01, v61;
	v37 =	vadd.s32 v21, v45;
	v61 =	vld [tilespmem:s19+$0x50];
	[tilespmem:v40+s25+$0x0] =	vst.idx.msk $0xffff, v3  }
0x150: {  	v40 =	vadd.s32 v25, v46;
	v3 =	vmul.f32 $1.250000000e-01, v62;
	v62 =	vld [tilespmem:s19+$0x90];
	[tilespmem:v35+s25+$0x0] =	vst.idx.msk $0xffff, v2  }
0x151: {  	[tilespmem:v50+s25+$0x0] =	vst.idx.msk $0xffff, v60;
	v2 =	vmul.f32 $1.250000000e-01, v63;
	v63 =	vadd.s32 v29, v43;
	v35 =	vld [tilespmem:s19+$0xE0]  }
0x152: {  	v50 =	vld [tilespmem:s19+$0xFFFFFF20];
	[tilespmem:v36+s25+$0x0] =	vst.idx.msk $0xffff, v3;
	v3 =	vmul.f32 $1.250000000e-01, v48;
	v36 =	vadd.s32 v4, v42  }
0x153: {  	v48 =	vld [tilespmem:s19+$0xFFFFFF60];
	[tilespmem:v34+s25+$0x0] =	vst.idx.msk $0xffff, v2;
	v2 =	vmul.f32 $1.250000000e-01, v41;
	v34 =	vadd.s32 v32, v0  }
0x154: {  	v41 =	vadd.s32 v10, v38;
	[tilespmem:v37+s25+$0x0] =	vst.idx.msk $0xffff, v3;
	v3 =	vmul.f32 $1.250000000e-01, v61  }
0x155: {  	v60 =	vld [tilespmem:s19+$0xFFFFFFA0];
	v37 =	vadd.s32 v13, v47;
	[tilespmem:v40+s25+$0x0] =	vst.idx.msk $0xffff, v2;
	v2 =	vmul.f32 $1.250000000e-01, v62  }
0x156: {  	v61 =	vld [tilespmem:s19+$0xFFFFFFE0];
	[tilespmem:v63+s25+$0x0] =	vst.idx.msk $0xffff, v3;
	v3 =	vmul.f32 $1.250000000e-01, v35  }
0x157: {  	v40 =	vadd.s32 v20, v44;
	v62 =	vmul.f32 $1.250000000e-01, v50;
	[tilespmem:v36+s25+$0x0] =	vst.idx.msk $0xffff, v2  }
0x158: {  	v49 =	vld [tilespmem:s19+$0x20];
	v35 =	vadd.s32 v18, v45;
	v2 =	vmul.f32 $1.250000000e-01, v48;
	[tilespmem:v34+s25+$0x0] =	vst.idx.msk $0xffff, v3  }
0x159: {  	v63 =	vld [tilespmem:s19+$0x60];
	[tilespmem:v41+s25+$0x0] =	vst.idx.msk $0xffff, v62  }
0x15a: {  	v48 =	vld [tilespmem:s19+$0xA0];
	v3 =	vmul.f32 $1.250000000e-01, v60;
	[tilespmem:v37+s25+$0x0] =	vst.idx.msk $0xffff, v2  }
0x15b: {  	v59 =	vmovc v23;
	v23 =	vmovc v27;
	v27 =	vmov v29;
	v29 =	vmov v4;
	v2 =	vmul.f32 $1.250000000e-01, v61;
	v4 =	vld [tilespmem:$0x1FFE0]  }
0x15c: {  	v34 =	vld [tilespmem:s19+$0xF0];
	[tilespmem:v40+s25+$0x0] =	vst.idx.msk $0xffff, v3  }
0x15d: {  	v0 =	vadd.s32 v9, v0;
	v60 =	vadd.s32 v26, v43;
	v9 =	vld [tilespmem:$0x1FEC0];
	[tilespmem:v35+s25+$0x0] =	vst.idx.msk $0xffff, v2  }
0x15e: {  	v5 =	vmov v10;
	v36 =	vadd.s32 v22, v46;
	v10 =	vld [tilespmem:$0x1FEA0];
	_ =	sdelay $0x1  }
0x15f: {  	v40 =	vld [tilespmem:s19+$0xFFFFFFB0];
	v2 =	vmul.f32 $1.250000000e-01, v63;
	v61 =	vadd.s32 v4, v42  }
0x160: {  	v62 =	vld [tilespmem:s19+$0xFFFFFF70];
	v3 =	vmul.f32 $1.250000000e-01, v49  }
0x161: {  	v41 =	vld [tilespmem:s19+$0xFFFFFF30];
	v49 =	vadd.s32 v7, v44;
	[tilespmem:v60+s25+$0x0] =	vst.idx.msk $0xffff, v2;
	v2 =	vmul.f32 $1.250000000e-01, v34  }
0x162: {  	v63 =	vld [tilespmem:s19+$0xFFFFFFF0];
	[tilespmem:v36+s25+$0x0] =	vst.idx.msk $0xffff, v3;
	v3 =	vmul.f32 $1.250000000e-01, v48;
	v35 =	vadd.s32 v10, v47  }
0x163: {  	v50 =	vld [tilespmem:s19+$0x30];
	v38 =	vadd.s32 v9, v38;
	[tilespmem:v0+s25+$0x0] =	vst.idx.msk $0xffff, v2  }
0x164: {  	v59 =	vadd.s32 v59, v45;
	v60 =	vld [tilespmem:s19+$0x70];
	v0 =	vmul.f32 $1.250000000e-01, v40;
	[tilespmem:v61+s25+$0x0] =	vst.idx.msk $0xffff, v3  }
0x165: {  	s23 =	smulhi.u32 $0x51EB851F, s10;
	v3 =	vmul.f32 $1.250000000e-01, v62;
	v61 =	vadd.s32 v31, v46;
	v62 =	vld [tilespmem:s19+$0xB0]  }
0x166: {  	v51 =	vmul.f32 $1.250000000e-01, v41;
	v2 =	vadd.s32 v11, v43;
	[tilespmem:v49+s25+$0x0] =	vst.idx.msk $0xffff, v0  }
0x167: {  	s13 =	sshrl.u32 s23, $0x4;
	[tilespmem:v35+s25+$0x0] =	vst.idx.msk $0xffff, v3;
	v3 =	vmul.f32 $1.250000000e-01, v63;
	v63 =	vadd.s32 v23, v42  }
0x168: {  	s13 =	smul.u32 $0x32, s13;
	v0 =	vmul.f32 $1.250000000e-01, v50;
	[tilespmem:v38+s25+$0x0] =	vst.idx.msk $0xffff, v51  }
0x169: {  	[tilespmem:v59+s25+$0x0] =	vst.idx.msk $0xffff, v3;
	v3 =	vmul.f32 $1.250000000e-01, v60  }
0x16a: {  	s31 =	ssub.s32 s10, s13;
	[tilespmem:v61+s25+$0x0] =	vst.idx.msk $0xffff, v0;
	v0 =	vmul.f32 $1.250000000e-01, v62  }
0x16b: {  	s8 =	sadd.s32 s1, s8;
	s10 =	sshll.u32 s31, $0x11;
	[tilespmem:v2+s25+$0x0] =	vst.idx.msk $0xffff, v3  }
0x16c: {  	s13 =	simm.s32 $0xA400;
	s10 =	sadd.s32 s10, s8;
	[tilespmem:v63+s25+$0x0] =	vst.idx.msk $0xffff, v0  }
0x16d: {  	[hbm4b:s10+s3] =	stream.linear.scatter [tilespmem:s13], [sflag:$0xA], $0x80, $0x38;
	[tilespmem:$0xC600] =	vst v63  }
0x16e: {  	s15 =	simm.s32 $0xA488;
	s19 =	sadd.s32 $0x10, s10  }
0x16f: {  	[hbm4b:s19+s3] =	stream.linear.scatter [tilespmem:s15], [sflag:$0xA], $0x80, $0x38;
	[tilespmem:$0xC600] =	vst v63  }
0x170: {  	s23 =	simm.s32 $0xA510;
	s8 =	simm.s32 $0x440;
	s31 =	sadd.s32 $0x20, s10  }
0x171: {  	[hbm4b:s31+s3] =	stream.linear.scatter [tilespmem:s23], [sflag:$0xA], $0x80, $0x38;
	[tilespmem:$0xC600] =	vst v63  }
0x172: {  	s13 =	simm.s32 $0x2200;
	s15 =	simm.s32 $0xA598;
	s19 =	sadd.s32 $0x30, s10  }
0x173: {  	[hbm4b:s19+s3] =	stream.linear.scatter [tilespmem:s15], [sflag:$0xA], $0x80, $0x38;
	[tilespmem:$0xC600] =	vst v63  }
0x174: {  	s23 =	simm.s32 $0xA620;
	s31 =	sadd.s32 $0x40, s10;
	s15 =	simm.s32 $0xA6A8  }
0x175: {  	[hbm4b:s31+s3] =	stream.linear.scatter [tilespmem:s23], [sflag:$0xA], $0x80, $0x38;
	[tilespmem:$0xC600] =	vst v63  }
0x176: {  	v58 =	vmovc v19;
	v54 =	vmov v16;
	v52 =	vmov v8;
	v56 =	vmov v24;
	s19 =	sadd.s32 $0x50, s10;
	s23 =	simm.s32 $0xA730;
	s31 =	sadd.s32 $0x60, s10  }
0x177: {  	v55 =	vmovc v14;
	v8 =	vmovc v12;
	v12 =	vmov v13;
	v24 =	vmov v28;
	v16 =	vmov v20;
	[hbm4b:s19+s3] =	stream.linear.scatter [tilespmem:s15], [sflag:$0xA], $0x80, $0x38;
	[tilespmem:$0xC600] =	vst v63  }
0x178: {  	v28 =	vmovc v30;
	v30 =	vmovc v15;
	v15 =	vmov v17;
	v53 =	vmov v6;
	v57 =	vmov v21;
	s15 =	simm.s32 $0xA7B8;
	s19 =	sadd.s32 $0x70, s10;
	s10 =	sadd.s32 $0x4000, s10  }
0x179: {  	v17 =	vmovc v18;
	v21 =	vmovc v25;
	v25 =	vmov v32;
	v18 =	vmov v22;
	v26 =	vmov v4;
	[hbm4b:s31+s3] =	stream.linear.scatter [tilespmem:s23], [sflag:$0xA], $0x80, $0x38;
	[tilespmem:$0xC600] =	vst v63  }
.LBB2_9:
0x17a: {  	[hbm4b:s19+s3] =	stream.linear.scatter [tilespmem:s15], [sflag:$0xA], $0x80, $0x38;
	[tilespmem:$0xC600] =	vst v63  }
0x17b: {  	s15 =	smov.u32 s8;
	s8 =	smov.u32 s13  }
0x17c: {  	s23 =	sadd.s32 $0x1100, s13;
	s8 =	sshra.s32 s8, $0x2;
	s19 =	sadd.s32 $0xA400, s15  }
0x17d: {  	[hbm4b:s10+s3] =	stream.linear.scatter [tilespmem:s19], [sflag:$0xA], $0x80, $0x38;
	[tilespmem:$0xC600] =	vst v63  }
0x17e: {  	p1 =	sne.s32 s13, $0x7700;
	s13 =	sadd.s32 $0xA488, s15;
	s19 =	sadd.s32 $0x10, s10  }
0x17f: {  	[hbm4b:s19+s3] =	stream.linear.scatter [tilespmem:s13], [sflag:$0xA], $0x80, $0x38;
	[tilespmem:$0xC600] =	vst v63  }
0x180: {  	s13 =	sadd.s32 $0xA510, s15;
	s19 =	sadd.s32 $0x20, s10  }
0x181: {  	[hbm4b:s19+s3] =	stream.linear.scatter [tilespmem:s13], [sflag:$0xA], $0x80, $0x38;
	[tilespmem:$0xC600] =	vst v63  }
0x182: {  	s13 =	sadd.s32 $0xA598, s15;
	s19 =	sadd.s32 $0x30, s10  }
0x183: {  	[hbm4b:s19+s3] =	stream.linear.scatter [tilespmem:s13], [sflag:$0xA], $0x80, $0x38;
	[tilespmem:$0xC600] =	vst v63  }
0x184: {  	s13 =	sadd.s32 $0xA620, s15;
	s19 =	sadd.s32 $0x40, s10  }
0x185: {  	[hbm4b:s19+s3] =	stream.linear.scatter [tilespmem:s13], [sflag:$0xA], $0x80, $0x38;
	[tilespmem:$0xC600] =	vst v63  }
.Ltmp3:
0x186: {  	s13 =	sadd.s32 $0xA6A8, s15;
	s19 =	sadd.s32 $0x50, s10;
	(pc) =	sbr.rel @p1 .LBB2_9-.Ltmp3, $4  }
0x187: {  	[hbm4b:s19+s3] =	stream.linear.scatter [tilespmem:s13], [sflag:$0xA], $0x80, $0x38;
	[tilespmem:$0xC600] =	vst v63  }
0x188: {  	s13 =	sadd.s32 $0xA730, s15;
	s19 =	sadd.s32 $0x60, s10;
	s15 =	sadd.s32 $0xA7B8, s15  }
0x189: {  	[hbm4b:s19+s3] =	stream.linear.scatter [tilespmem:s13], [sflag:$0xA], $0x80, $0x38;
	[tilespmem:$0xC600] =	vst v63  }
0x18a: {  	s19 =	sadd.s32 $0x70, s10;
	s10 =	sadd.s32 $0x4000, s10;
	s13 =	smov.u32 s23  }
0x18b: {  	[hbm4b:s19+s3] =	stream.linear.scatter [tilespmem:s15], [sflag:$0xA], $0x80, $0x38;
	[tilespmem:$0xC600] =	vst v63  }
0x18c: {  	s13 =	sadd.s32 $0xA400, s8  }
0x18d: {  	[hbm4b:s10+s3] =	stream.linear.scatter [tilespmem:s13], [sflag:$0xA], $0x80, $0x38;
	[tilespmem:$0xC600] =	vst v63  }
0x18e: {  	s23 =	sadd.s32 $0xA488, s8;
	s31 =	sadd.s32 $0x10, s10  }
0x18f: {  	[hbm4b:s31+s3] =	stream.linear.scatter [tilespmem:s23], [sflag:$0xA], $0x80, $0x38;
	[tilespmem:$0xC600] =	vst v63  }
0x190: {  	s15 =	sadd.s32 $0xA510, s8;
	s19 =	sadd.s32 $0x20, s10  }
0x191: {  	[hbm4b:s19+s3] =	stream.linear.scatter [tilespmem:s15], [sflag:$0xA], $0x80, $0x38;
	[tilespmem:$0xC600] =	vst v63  }
0x192: {  	s23 =	sadd.s32 $0xA598, s8;
	s31 =	sadd.s32 $0x30, s10  }
0x193: {  	[hbm4b:s31+s3] =	stream.linear.scatter [tilespmem:s23], [sflag:$0xA], $0x80, $0x38;
	[tilespmem:$0xC600] =	vst v63  }
0x194: {  	s15 =	sadd.s32 $0xA620, s8;
	s19 =	sadd.s32 $0x40, s10  }
0x195: {  	[hbm4b:s19+s3] =	stream.linear.scatter [tilespmem:s15], [sflag:$0xA], $0x80, $0x38;
	[tilespmem:$0xC600] =	vst v63  }
0x196: {  	s13 =	sadd.s32 @!p0 $0x5, s16;
	s23 =	sadd.s32 $0xA6A8, s8;
	s31 =	sadd.s32 $0x50, s10  }
0x197: {  	[hbm4b:s31+s3] =	stream.linear.scatter [tilespmem:s23], [sflag:$0xA], $0x80, $0x38;
	[tilespmem:$0xC600] =	vst v63  }
0x198: {  	s19 =	sadd.s32 $0xA730, s8;
	s31 =	sadd.s32 $0x60, s10;
	s23 =	smulhi.u32 @!p0 $0x51EB851F, s13  }
0x199: {  	[hbm4b:s31+s3] =	stream.linear.scatter [tilespmem:s19], [sflag:$0xA], $0x80, $0x38;
	[tilespmem:$0xC600] =	vst v63  }
0x19a: {  	s15 =	sshrl.u32 @!p0 s23, $0x4  }
0x19b: {  	s23 =	sadd.s32 $0xA7B8, s8;
	s31 =	sadd.s32 $0x70, s10;
	s19 =	smul.u32 @!p0 $0x32, s15  }
0x19c: {  	[hbm4b:s31+s3] =	stream.linear.scatter [tilespmem:s23], [sflag:$0xA], $0x80, $0x38;
	[tilespmem:$0xC600] =	vst v63  }
0x19d: {  	s8 =	ssub.s32 @!p0 s13, s19  }
0x19e: {  	s10 =	sadd.s32 @!p0 s9, s15;
	s8 =	sshll.u32 @!p0 s8, $0xB  }
0x19f: {  	s10 =	sshll.u32 @!p0 s10, $0x4;
	s8 =	sadd.s32 @!p0 s4, s8  }
0x1a0: {  	s13 =	simm.s32 @!p0 $0x80;
	s8 =	sadd.s32 @!p0 s10, s8;
	s10 =	simm.s32 @!p0 $0x0  }
0x1a1: {  	[tilespmem:s13], [sflag:$0x2] =	stream.linear.gather @!p0 [hbm4b:s8+s10], $0x80, $0x38;
	[tilespmem:$0xC600] =	vst v63  }
0x1a2: {  	s8 =	simm.s32 @!p0 $0x1  }
0x1a3: {  	_ =	swait.ge @!p0 [sflag:s8], $0x80  }
0x1a4: {  	[sflag:s8] =	ssyncset.done @!p0 $0x0  }
0x1a5: {  	[sflag:s8] =	ssyncadd.s32 @!p0 $0xFFFFFF80;
	s8 =	simm.s32 @!p0 $0x200  }
0x1a6: {  	[tilespmem:s8], [sflag:$0x5] =	stream.indirect.gather @!p0 [hbm4b:s5+s13], $0x40, s10, s13, $0xb8;
	[tilespmem:$0xC600] =	vst v63  }
0x1a7: {  	_ =	swait.ge [sflag:s26], $0x2000  }
0x1a8: {  	s19 =	simm.s32 $0x1;
	[sflag:s26] =	ssyncset.done $0x0  }
0x1a9: {  	s15 =	simm.s32 $0x0;
	v2 =	vmov s19;
	s19 =	simm.s32 $0x7;
	[sflag:s26] =	ssyncadd.s32 $0xFFFFE000  }
0x1aa: {  	v0 =	vmov s15;
	s23 =	simm.s32 $0x2;
	v37 =	vmov s19;
	_ =	swait.ge [sflag:s28], $0x2000  }
0x1ab: {  	s31 =	simm.s32 $0x3;
	v0 =	vshrl.u32 v0, $0x3;
	v3 =	vmov s23;
	v37 =	vshrl.u32 v37, $0x3;
	[sflag:s28] =	ssyncset.done $0x0  }
0x1ac: {  	v33 =	vmov s31;
	v0 =	vshll.u32 v0, v1;
	v37 =	vshll.u32 v37, v1;
	s8 =	simm.s32 $0x4300;
	[sflag:s28] =	ssyncadd.s32 $0xFFFFE000  }
0x1ad: {  	s15 =	simm.s32 $0x6;
	v2 =	vshrl.u32 v2, $0x3;
	v39 =	vbroadcast v0, $0x0;
	v41 =	vbroadcast v37, $0x0;
	v0 =	vld [tilespmem:s8+$0xC0]  }
0x1ae: {  	v36 =	vmov s15;
	v3 =	vshrl.u32 v3, $0x3;
	v2 =	vshll.u32 v2, v1;
	v38 =	vld [tilespmem:s8+$0xFFFFFF00]  }
0x1af: {  	v3 =	vshll.u32 v3, v1;
	v22 =	vbroadcast v2, $0x0;
	v2 =	vadd.s32 v58, v41;
	v42 =	vld [tilespmem:s8+$0xFFFFFF40]  }
0x1b0: {  	v33 =	vshrl.u32 v33, $0x3;
	v44 =	vadd.s32 v52, v39;
	v37 =	vbroadcast v3, $0x0;
	v45 =	vld [tilespmem:s8+$0xFFFFFF80]  }
0x1b1: {  	v36 =	vshrl.u32 v36, $0x3;
	v33 =	vshll.u32 v33, v1;
	v46 =	vadd.s32 v8, v22  }
0x1b2: {  	v3 =	vshll.u32 v36, v1;
	v48 =	vadd.s32 v54, v37;
	s10 =	simm.s32 $0x4;
	v0 =	vmul.f32 $1.250000000e-01, v0  }
0x1b3: {  	v36 =	vbroadcast v33, $0x0;
	s13 =	simm.s32 $0x5;
	v34 =	vmov s10;
	v38 =	vmul.f32 $1.250000000e-01, v38  }
0x1b4: {  	v35 =	vmov s13;
	v34 =	vshrl.u32 v34, $0x3;
	v47 =	vld [tilespmem:s8+$0xFFFFFFC0];
	v42 =	vmul.f32 $1.250000000e-01, v42;
	[tilespmem:v2+s21+$0x0] =	vst.idx.msk $0xffff, v0  }
0x1b5: {  	v35 =	vshrl.u32 v35, $0x3;
	v34 =	vshll.u32 v34, v1;
	v49 =	vld [tilespmem:s8+$0x0];
	[tilespmem:v44+s21+$0x0] =	vst.idx.msk $0xffff, v38;
	v2 =	vmul.f32 $1.250000000e-01, v45  }
0x1b6: {  	v43 =	vshll.u32 v35, v1;
	v35 =	vbroadcast v34, $0x0;
	v51 =	vld [tilespmem:s8+$0x40];
	[tilespmem:v46+s21+$0x0] =	vst.idx.msk $0xffff, v42  }
0x1b7: {  	v50 =	vadd.s32 v56, v36;
	v59 =	vld [tilespmem:s8+$0x80];
	[tilespmem:v48+s21+$0x0] =	vst.idx.msk $0xffff, v2  }
0x1b8: {  	v32 =	vmov v58;
	v34 =	vbroadcast v3, $0x0;
	v58 =	vadd.s32 v24, v35;
	v6 =	vld [tilespmem:$0x1FFB0]  }
0x1b9: {  	v33 =	vbroadcast v43, $0x0;
	v44 =	vld [tilespmem:s8+$0xFFFFFF10]  }
0x1ba: {  	v61 =	vadd.s32 v30, v34;
	v60 =	vmul.f32 $1.250000000e-01, v47;
	v62 =	vld [tilespmem:s8+$0xFFFFFF50]  }
0x1bb: {  	v3 =	vadd.s32 v28, v33;
	v38 =	vld [tilespmem:s8+$0xD0];
	v2 =	vmul.f32 $1.250000000e-01, v49  }
0x1bc: {  	v63 =	vmul.f32 $1.250000000e-01, v51;
	v51 =	vadd.s32 v55, v22;
	[tilespmem:v50+s21+$0x0] =	vst.idx.msk $0xffff, v60  }
0x1bd: {  	v11 =	vmov v55;
	v55 =	vld [tilespmem:s8+$0xFFFFFFD0];
	[tilespmem:v58+s21+$0x0] =	vst.idx.msk $0xffff, v2;
	v2 =	vmul.f32 $1.250000000e-01, v59;
	v48 =	vadd.s32 v6, v41  }
0x1be: {  	v7 =	vmov v54;
	v54 =	vld [tilespmem:s8+$0xFFFFFF90];
	v6 =	vmov v53;
	v53 =	vadd.s32 v53, v39  }
0x1bf: {  	v42 =	vmul.f32 $1.250000000e-01, v44;
	v44 =	vadd.s32 v57, v36;
	[tilespmem:v61+s21+$0x0] =	vst.idx.msk $0xffff, v2;
	v61 =	vmul.f32 $1.250000000e-01, v62  }
0x1c0: {  	v4 =	vmovc v52;
	v13 =	vmov v56;
	v52 =	vadd.s32 v15, v37;
	[tilespmem:v3+s21+$0x0] =	vst.idx.msk $0xffff, v63;
	v56 =	vld [tilespmem:s8+$0x10];
	v3 =	vmul.f32 $1.250000000e-01, v38  }
0x1c1: {  	v60 =	vld [tilespmem:s8+$0x50];
	[tilespmem:v51+s21+$0x0] =	vst.idx.msk $0xffff, v61  }
0x1c2: {  	v62 =	vadd.s32 v21, v35;
	v63 =	vld [tilespmem:s8+$0x90];
	v40 =	vmul.f32 $1.250000000e-01, v55;
	[tilespmem:v48+s21+$0x0] =	vst.idx.msk $0xffff, v3  }
0x1c3: {  	[tilespmem:v53+s21+$0x0] =	vst.idx.msk $0xffff, v42;
	v3 =	vmul.f32 $1.250000000e-01, v54;
	v42 =	vadd.s32 v27, v33;
	v48 =	vld [tilespmem:s8+$0xE0]  }
0x1c4: {  	s15 =	simm.s32 $0xB;
	v51 =	vadd.s32 v29, v34;
	[tilespmem:v44+s21+$0x0] =	vst.idx.msk $0xffff, v40;
	v53 =	vld [tilespmem:s8+$0xFFFFFF20]  }
0x1c5: {  	v50 =	vmov s15;
	[tilespmem:v52+s21+$0x0] =	vst.idx.msk $0xffff, v3;
	v3 =	vmul.f32 $1.250000000e-01, v56;
	v52 =	vadd.s32 v25, v41  }
0x1c6: {  	v19 =	vmovc v57;
	s31 =	simm.s32 $0x9;
	v59 =	vshrl.u32 v50, $0x3;
	v50 =	vadd.s32 v5, v39;
	v44 =	vmul.f32 $1.250000000e-01, v60;
	v57 =	vld [tilespmem:s8+$0xFFFFFFE0]  }
0x1c7: {  	s23 =	simm.s32 $0x8;
	v46 =	vmov s31;
	s31 =	simm.s32 $0xE;
	v54 =	vld [tilespmem:s8+$0xFFFFFF60];
	[tilespmem:v62+s21+$0x0] =	vst.idx.msk $0xffff, v3;
	v3 =	vmul.f32 $1.250000000e-01, v63  }
0x1c8: {  	v0 =	vmov s23;
	v2 =	vmov s31;
	v55 =	vld [tilespmem:s8+$0xFFFFFFA0];
	[tilespmem:v42+s21+$0x0] =	vst.idx.msk $0xffff, v44;
	v56 =	vmul.f32 $1.250000000e-01, v48  }
0x1c9: {  	s23 =	simm.s32 $0xD;
	v45 =	vadd.s32 v12, v22;
	v61 =	vld [tilespmem:s8+$0x20];
	v42 =	vshrl.u32 v2, $0x3;
	v2 =	vmul.f32 $1.250000000e-01, v53;
	[tilespmem:v51+s21+$0x0] =	vst.idx.msk $0xffff, v3  }
0x1ca: {  	v0 =	vshrl.u32 v0, $0x3;
	v38 =	vmov s23;
	v60 =	vadd.s32 v16, v37;
	v63 =	vld [tilespmem:s8+$0x60];
	[tilespmem:v52+s21+$0x0] =	vst.idx.msk $0xffff, v56  }
0x1cb: {  	v0 =	vshll.u32 v0, v1;
	v58 =	vshrl.u32 v38, $0x3;
	v40 =	vld [tilespmem:s8+$0xA0];
	[tilespmem:v50+s21+$0x0] =	vst.idx.msk $0xffff, v2  }
0x1cc: {  	v20 =	vmovc v24;
	v24 =	vmovc v28;
	v38 =	vbroadcast v0, $0x0;
	v62 =	vadd.s32 v17, v36;
	v0 =	vmul.f32 $1.250000000e-01, v54;
	v28 =	vld [tilespmem:$0x1FFF0]  }
0x1cd: {  	v3 =	vadd.s32 v18, v35;
	v2 =	vmul.f32 $1.250000000e-01, v55;
	v56 =	vld [tilespmem:s8+$0xF0]  }
0x1ce: {  	s13 =	simm.s32 $0xA;
	v50 =	vld [tilespmem:s8+$0xFFFFFF30];
	[tilespmem:v45+s21+$0x0] =	vst.idx.msk $0xffff, v0  }
0x1cf: {  	v49 =	vmov s13;
	v0 =	vmul.f32 $1.250000000e-01, v57;
	v52 =	vld [tilespmem:s8+$0xFFFFFF70];
	[tilespmem:v60+s21+$0x0] =	vst.idx.msk $0xffff, v2  }
0x1d0: {  	v23 =	vmov v21;
	v49 =	vshrl.u32 v49, $0x3;
	v2 =	vmul.f32 $1.250000000e-01, v61;
	v21 =	vld [tilespmem:$0x1FFD0]  }
0x1d1: {  	s19 =	simm.s32 $0xC;
	v44 =	vshll.u32 v49, v1;
	v49 =	vld [tilespmem:s8+$0xFFFFFFB0];
	[tilespmem:v62+s21+$0x0] =	vst.idx.msk $0xffff, v0  }
0x1d2: {  	v43 =	vmov s19;
	v46 =	vshrl.u32 v46, $0x3;
	v54 =	vld [tilespmem:s8+$0xFFFFFFF0];
	[tilespmem:v3+s21+$0x0] =	vst.idx.msk $0xffff, v2  }
0x1d3: {  	v31 =	vmovc v29;
	v14 =	vmov v7;
	v43 =	vshrl.u32 v43, $0x3;
	v47 =	vshll.u32 v46, v1;
	v29 =	vld [tilespmem:$0x1FF10]  }
0x1d4: {  	v46 =	vshll.u32 v43, v1;
	v43 =	vshll.u32 v58, v1;
	v7 =	vmovc v6;
	v48 =	vadd.s32 v9, v39;
	v9 =	vld [tilespmem:$0x1FF30]  }
0x1d5: {  	v51 =	vadd.s32 v26, v34;
	v26 =	vmovc v24;
	v24 =	vmovc v18;
	v18 =	vmov v13;
	v13 =	vld [tilespmem:$0x1FF70];
	v55 =	vadd.s32 v28, v33  }
0x1d6: {  	v6 =	vmovc v4;
	v53 =	vadd.s32 v21, v41;
	v41 =	vadd.s32 v10, v22;
	v22 =	vmovc v20;
	v20 =	vmov v17;
	v17 =	vld [tilespmem:$0x1FF50]  }
0x1d7: {  	s10 =	simm.s32 $0x10;
	s13 =	simm.s32 $0xF;
	v45 =	vshll.u32 v59, v1;
	v39 =	vmul.f32 $1.250000000e-01, v63;
	v40 =	vmul.f32 $1.250000000e-01, v40;
	v10 =	vmovc v8;
	v8 =	vmovc v5;
	v21 =	vld [tilespmem:$0x1FF90]  }
.LBB2_11:
0x1d8: {  	_ = 	snop  }
0x1d9: {  	v0 =	vmov s13;
	v3 =	vld [tilespmem:s8+$0x30]  }
0x1da: {  	v2 =	vadd.s32 v29, v37;
	v36 =	vadd.s32 v9, v36;
	v4 =	vld [tilespmem:$0x1FFB0];
	[tilespmem:v55+s21+$0x0] =	vst.idx.msk $0xffff, v39;
	v63 =	vmul.f32 $1.250000000e-01, v56  }
0x1db: {  	v35 =	vadd.s32 v17, v35;
	v0 =	vshrl.u32 v0, $0x3;
	[tilespmem:v51+s21+$0x0] =	vst.idx.msk $0xffff, v40;
	v57 =	vld [tilespmem:s8+$0x70];
	v56 =	vmul.f32 $1.250000000e-01, v50  }
0x1dc: {  	v33 =	vadd.s32 v13, v33;
	v0 =	vshll.u32 v0, v1;
	v59 =	vld [tilespmem:s8+$0xB0];
	s8 =	sadd.s32 $0x200, s8;
	v58 =	vmul.f32 $1.250000000e-01, v52;
	[tilespmem:v53+s21+$0x0] =	vst.idx.msk $0xffff, v63  }
0x1dd: {  	v42 =	vshll.u32 v42, v1;
	v40 =	vbroadcast v0, $0x0;
	v0 =	vmul.f32 $1.250000000e-01, v49;
	[tilespmem:v48+s21+$0x0] =	vst.idx.msk $0xffff, v56;
	v53 =	vld [tilespmem:s8+$0xC0]  }
0x1de: {  	v34 =	vadd.s32 v21, v34;
	v39 =	vmov v38;
	v61 =	vmul.f32 $1.250000000e-01, v54;
	[tilespmem:v41+s21+$0x0] =	vst.idx.msk $0xffff, v58;
	v38 =	vld [tilespmem:s8+$0xFFFFFF00]  }
0x1df: {  	v41 =	vbroadcast v47, $0x0;
	v63 =	vadd.s32 v32, v40;
	[tilespmem:v2+s21+$0x0] =	vst.idx.msk $0xffff, v0;
	v0 =	vmul.f32 $1.250000000e-01, v3;
	v62 =	vld [tilespmem:s8+$0xFFFFFF40]  }
0x1e0: {  	v37 =	vbroadcast v44, $0x0;
	v2 =	vadd.s32 v6, v39;
	[tilespmem:v36+s21+$0x0] =	vst.idx.msk $0xffff, v61;
	v3 =	vld [tilespmem:s8+$0xFFFFFF80];
	v60 =	vmul.f32 $1.250000000e-01, v57  }
0x1e1: {  	v36 =	vbroadcast v45, $0x0;
	v61 =	vld [tilespmem:s8+$0xFFFFFFC0];
	v48 =	vadd.s32 v10, v41;
	[tilespmem:v35+s21+$0x0] =	vst.idx.msk $0xffff, v0;
	v0 =	vmul.f32 $1.250000000e-01, v59  }
0x1e2: {  	v45 =	vadd.s32 v14, v37;
	v35 =	vbroadcast v46, $0x0;
	v51 =	vld [tilespmem:s8+$0x0];
	[tilespmem:v33+s21+$0x0] =	vst.idx.msk $0xffff, v60;
	v56 =	vmul.f32 $1.250000000e-01, v53  }
0x1e3: {  	v44 =	vadd.s32 v18, v36;
	v33 =	vbroadcast v43, $0x0;
	v57 =	vld [tilespmem:s8+$0x40];
	[tilespmem:v34+s21+$0x0] =	vst.idx.msk $0xffff, v0;
	v38 =	vmul.f32 $1.250000000e-01, v38  }
0x1e4: {  	v58 =	vadd.s32 v22, v35;
	v34 =	vbroadcast v42, $0x0;
	v59 =	vld [tilespmem:s8+$0x80];
	v0 =	vmul.f32 $1.250000000e-01, v62;
	[tilespmem:v63+s21+$0x0] =	vst.idx.msk $0xffff, v56  }
0x1e5: {  	[tilespmem:v2+s21+$0x0] =	vst.idx.msk $0xffff, v38;
	v2 =	vmul.f32 $1.250000000e-01, v3;
	v3 =	vadd.s32 v26, v33;
	v63 =	vld [tilespmem:s8+$0xD0]  }
0x1e6: {  	v47 =	vadd.s32 v30, v34;
	[tilespmem:v48+s21+$0x0] =	vst.idx.msk $0xffff, v0;
	v0 =	vmul.f32 $1.250000000e-01, v61;
	v60 =	vld [tilespmem:s8+$0xFFFFFF10]  }
0x1e7: {  	v61 =	vld [tilespmem:s8+$0xFFFFFF50];
	[tilespmem:v45+s21+$0x0] =	vst.idx.msk $0xffff, v2;
	v2 =	vmul.f32 $1.250000000e-01, v51;
	v45 =	vadd.s32 v4, v40  }
0x1e8: {  	v62 =	vmov s10;
	v53 =	vadd.s32 v7, v39;
	[tilespmem:v44+s21+$0x0] =	vst.idx.msk $0xffff, v0;
	v0 =	vmul.f32 $1.250000000e-01, v57  }
0x1e9: {  	v52 =	vadd.s32 v11, v41;
	v42 =	vshrl.u32 v62, $0x3;
	v62 =	vld [tilespmem:s8+$0xFFFFFF90];
	[tilespmem:v58+s21+$0x0] =	vst.idx.msk $0xffff, v2;
	v2 =	vmul.f32 $1.250000000e-01, v59  }
0x1ea: {  	v55 =	vld [tilespmem:s8+$0xFFFFFFD0];
	[tilespmem:v3+s21+$0x0] =	vst.idx.msk $0xffff, v0;
	v0 =	vmul.f32 $1.250000000e-01, v63  }
0x1eb: {  	v49 =	vadd.s32 v15, v37;
	v56 =	vld [tilespmem:s8+$0x10];
	v63 =	vmul.f32 $1.250000000e-01, v60;
	[tilespmem:v47+s21+$0x0] =	vst.idx.msk $0xffff, v2  }
0x1ec: {  	v60 =	vadd.s32 v19, v36;
	v57 =	vld [tilespmem:s8+$0x50];
	v61 =	vmul.f32 $1.250000000e-01, v61;
	[tilespmem:v45+s21+$0x0] =	vst.idx.msk $0xffff, v0  }
0x1ed: {  	v50 =	vadd.s32 v23, v35;
	v58 =	vld [tilespmem:s8+$0x90];
	[tilespmem:v53+s21+$0x0] =	vst.idx.msk $0xffff, v63  }
0x1ee: {  	s15 =	sadd.s32 $0x3, s10;
	v0 =	vshll.u32 v42, v1;
	v62 =	vmul.f32 $1.250000000e-01, v62;
	v42 =	vadd.s32 v27, v33;
	[tilespmem:v52+s21+$0x0] =	vst.idx.msk $0xffff, v61;
	v53 =	vld [tilespmem:s8+$0xFFFFFF20]  }
0x1ef: {  	v44 =	vmov s15;
	v63 =	vmul.f32 $1.250000000e-01, v55;
	v52 =	vadd.s32 v31, v34;
	v54 =	vld [tilespmem:s8+$0xFFFFFF60]  }
0x1f0: {  	s31 =	sadd.s32 $0x2, s10;
	v59 =	vshrl.u32 v44, $0x3;
	v44 =	vadd.s32 v8, v39;
	v45 =	vld [tilespmem:s8+$0xE0];
	[tilespmem:v49+s21+$0x0] =	vst.idx.msk $0xffff, v62;
	v38 =	vmul.f32 $1.250000000e-01, v56  }
0x1f1: {  	v51 =	vmov s31;
	s31 =	sadd.s32 $0x6, s10;
	v55 =	vld [tilespmem:s8+$0xFFFFFFA0];
	[tilespmem:v60+s21+$0x0] =	vst.idx.msk $0xffff, v63;
	v46 =	vmul.f32 $1.250000000e-01, v57;
	v57 =	vadd.s32 v12, v41  }
0x1f2: {  	v2 =	vmov s31;
	v49 =	vadd.s32 v25, v40;
	v60 =	vld [tilespmem:s8+$0xFFFFFFE0];
	[tilespmem:v50+s21+$0x0] =	vst.idx.msk $0xffff, v38;
	v50 =	vmul.f32 $1.250000000e-01, v58  }
0x1f3: {  	v58 =	vadd.s32 v16, v37;
	v61 =	vld [tilespmem:s8+$0x20];
	[tilespmem:v42+s21+$0x0] =	vst.idx.msk $0xffff, v46;
	v42 =	vshrl.u32 v2, $0x3;
	v2 =	vmul.f32 $1.250000000e-01, v53  }
0x1f4: {  	v62 =	vadd.s32 v20, v36;
	v38 =	vbroadcast v0, $0x0;
	v63 =	vld [tilespmem:s8+$0x60];
	[tilespmem:v52+s21+$0x0] =	vst.idx.msk $0xffff, v50;
	v0 =	vmul.f32 $1.250000000e-01, v54  }
0x1f5: {  	v45 =	vmul.f32 $1.250000000e-01, v45;
	v5 =	vld [tilespmem:s8+$0xA0];
	[tilespmem:v44+s21+$0x0] =	vst.idx.msk $0xffff, v2  }
0x1f6: {  	v2 =	vmul.f32 $1.250000000e-01, v55;
	[tilespmem:v57+s21+$0x0] =	vst.idx.msk $0xffff, v0;
	v57 =	vld [tilespmem:$0x1FFE0]  }
0x1f7: {  	s23 =	sadd.s32 $0x1, s10;
	s19 =	sadd.s32 $0x4, s10;
	[tilespmem:v49+s21+$0x0] =	vst.idx.msk $0xffff, v45;
	v0 =	vmul.f32 $1.250000000e-01, v60;
	v60 =	vld [tilespmem:$0x1FFD0]  }
0x1f8: {  	v43 =	vmov s19;
	v48 =	vmov s23;
	s23 =	sadd.s32 $0x5, s10;
	[tilespmem:v58+s21+$0x0] =	vst.idx.msk $0xffff, v2;
	v2 =	vmul.f32 $1.250000000e-01, v61;
	v61 =	vld [tilespmem:$0x1FEC0]  }
0x1f9: {  	p1 =	slt.u32 s10, $0x78;
	v43 =	vshrl.u32 v43, $0x3;
	v4 =	vadd.s32 v24, v35;
	v3 =	vmov s23;
	[tilespmem:v62+s21+$0x0] =	vst.idx.msk $0xffff, v0;
	v0 =	vld [tilespmem:$0x1FEA0]  }
.Ltmp4:
0x1fa: {  	v48 =	vshrl.u32 v48, $0x3;
	v51 =	vshrl.u32 v51, $0x3;
	v3 =	vshrl.u32 v3, $0x3;
	v56 =	vld [tilespmem:s8+$0xF0];
	(pc) =	sbr.rel @p1 .LBB2_11-.Ltmp4, $4  }
0x1fb: {  	v47 =	vshll.u32 v48, v1;
	v46 =	vshll.u32 v43, v1;
	v43 =	vshll.u32 v3, v1;
	v50 =	vld [tilespmem:s8+$0xFFFFFF30]  }
0x1fc: {  	v55 =	vadd.s32 v28, v33;
	v44 =	vshll.u32 v51, v1;
	v45 =	vshll.u32 v59, v1;
	v52 =	vld [tilespmem:s8+$0xFFFFFF70]  }
0x1fd: {  	v49 =	vld [tilespmem:s8+$0xFFFFFFB0];
	v51 =	vadd.s32 v57, v34;
	v53 =	vadd.s32 v60, v40;
	v40 =	vmul.f32 $1.250000000e-01, v5  }
0x1fe: {  	s13 =	sadd.s32 $0x7, s10;
	s10 =	sadd.s32 $0x8, s10;
	v54 =	vld [tilespmem:s8+$0xFFFFFFF0];
	[tilespmem:v4+s21+$0x0] =	vst.idx.msk $0xffff, v2;
	v48 =	vadd.s32 v61, v39;
	v39 =	vmul.f32 $1.250000000e-01, v63;
	v41 =	vadd.s32 v0, v41  }
0x1ff: {  	_ =	sdelay $0x3  }
0x200: {  	v0 =	vmov s13;
	v2 =	vadd.s32 v29, v37;
	v3 =	vld [tilespmem:s8+$0x30];
	v4 =	vmul.f32 $1.250000000e-01, v56;
	[tilespmem:v55+s21+$0x0] =	vst.idx.msk $0xffff, v39  }
0x201: {  	v36 =	vadd.s32 v9, v36;
	[tilespmem:v51+s21+$0x0] =	vst.idx.msk $0xffff, v40;
	v0 =	vshrl.u32 v0, $0x3;
	v5 =	vmul.f32 $1.250000000e-01, v50;
	v55 =	vld [tilespmem:s8+$0x70]  }
0x202: {  	v35 =	vadd.s32 v17, v35;
	s15 =	sadd.s32 $0x200, s8;
	v40 =	vld [tilespmem:s8+$0xB0];
	v0 =	vshll.u32 v0, v1;
	v56 =	vmul.f32 $1.250000000e-01, v52;
	[tilespmem:v53+s21+$0x0] =	vst.idx.msk $0xffff, v4  }
0x203: {  	v33 =	vadd.s32 v13, v33;
	v57 =	vld [tilespmem:s15+$0xC0];
	v0 =	vbroadcast v0, $0x0;
	[tilespmem:v48+s21+$0x0] =	vst.idx.msk $0xffff, v5;
	v58 =	vmul.f32 $1.250000000e-01, v49  }
0x204: {  	v34 =	vadd.s32 v21, v34;
	v59 =	vld [tilespmem:s15+$0xFFFFFF00];
	[tilespmem:v41+s21+$0x0] =	vst.idx.msk $0xffff, v56;
	v60 =	vmul.f32 $1.250000000e-01, v54  }
0x205: {  	v47 =	vbroadcast v47, $0x0;
	v61 =	vld [tilespmem:s15+$0xFFFFFF40];
	v62 =	vadd.s32 v32, v0;
	[tilespmem:v2+s21+$0x0] =	vst.idx.msk $0xffff, v58;
	v2 =	vmul.f32 $1.250000000e-01, v3  }
0x206: {  	v44 =	vbroadcast v44, $0x0;
	v63 =	vld [tilespmem:s15+$0xFFFFFF80];
	v3 =	vadd.s32 v6, v38;
	[tilespmem:v36+s21+$0x0] =	vst.idx.msk $0xffff, v60;
	v51 =	vmul.f32 $1.250000000e-01, v55  }
0x207: {  	v52 =	vadd.s32 v10, v47;
	[tilespmem:v35+s21+$0x0] =	vst.idx.msk $0xffff, v2;
	v2 =	vmul.f32 $1.250000000e-01, v40  }
0x208: {  	v54 =	vadd.s32 v14, v44;
	v4 =	vmul.f32 $1.250000000e-01, v57;
	[tilespmem:v33+s21+$0x0] =	vst.idx.msk $0xffff, v51  }
0x209: {  	v59 =	vmul.f32 $1.250000000e-01, v59;
	[tilespmem:v34+s21+$0x0] =	vst.idx.msk $0xffff, v2  }
0x20a: {  	v45 =	vbroadcast v45, $0x0;
	v53 =	vld [tilespmem:s15+$0xFFFFFFC0];
	v2 =	vmul.f32 $1.250000000e-01, v61;
	[tilespmem:v62+s21+$0x0] =	vst.idx.msk $0xffff, v4  }
0x20b: {  	v56 =	vld [tilespmem:s15+$0x80];
	[tilespmem:v3+s21+$0x0] =	vst.idx.msk $0xffff, v59;
	v3 =	vmul.f32 $1.250000000e-01, v63  }
0x20c: {  	v46 =	vbroadcast v46, $0x0;
	v60 =	vadd.s32 v18, v45;
	v55 =	vld [tilespmem:s15+$0x0];
	[tilespmem:v52+s21+$0x0] =	vst.idx.msk $0xffff, v2  }
0x20d: {  	v42 =	vshll.u32 v42, v1;
	v43 =	vbroadcast v43, $0x0;
	v18 =	vld [tilespmem:s15+$0x40];
	[tilespmem:v54+s21+$0x0] =	vst.idx.msk $0xffff, v3  }
0x20e: {  	v42 =	vbroadcast v42, $0x0;
	v22 =	vadd.s32 v22, v46;
	v62 =	vld [tilespmem:$0x1FFB0]  }
0x20f: {  	v57 =	vadd.s32 v26, v43;
	v33 =	vld [tilespmem:s15+$0xFFFFFF10];
	v2 =	vmul.f32 $1.250000000e-01, v53  }
0x210: {  	v59 =	vadd.s32 v30, v42;
	v61 =	vld [tilespmem:s15+$0xFFFFFF50]  }
0x211: {  	v63 =	vadd.s32 v7, v38;
	v58 =	vld [tilespmem:s15+$0xD0];
	v3 =	vmul.f32 $1.250000000e-01, v55;
	[tilespmem:v60+s21+$0x0] =	vst.idx.msk $0xffff, v2  }
0x212: {  	v53 =	vmov v11;
	v11 =	vadd.s32 v11, v47;
	v2 =	vmul.f32 $1.250000000e-01, v18;
	v18 =	vld [tilespmem:s15+$0xFFFFFFD0]  }
0x213: {  	v10 =	vld [tilespmem:s15+$0xFFFFFF90];
	[tilespmem:v22+s21+$0x0] =	vst.idx.msk $0xffff, v3;
	v3 =	vmul.f32 $1.250000000e-01, v56;
	v35 =	vadd.s32 v62, v0  }
0x214: {  	v52 =	vadd.s32 v19, v45;
	[tilespmem:v57+s21+$0x0] =	vst.idx.msk $0xffff, v2;
	v50 =	vmul.f32 $1.250000000e-01, v33  }
0x215: {  	v22 =	vadd.s32 v15, v44;
	v60 =	vld [tilespmem:s15+$0x50];
	[tilespmem:v59+s21+$0x0] =	vst.idx.msk $0xffff, v3;
	v3 =	vmul.f32 $1.250000000e-01, v61  }
0x216: {  	v30 =	vld [tilespmem:s15+$0x10];
	v2 =	vmul.f32 $1.250000000e-01, v58;
	[tilespmem:v63+s21+$0x0] =	vst.idx.msk $0xffff, v50  }
0x217: {  	v63 =	vadd.s32 v27, v43;
	v40 =	vld [tilespmem:s15+$0xFFFFFF20];
	[tilespmem:v11+s21+$0x0] =	vst.idx.msk $0xffff, v3;
	v3 =	vmul.f32 $1.250000000e-01, v18  }
0x218: {  	v61 =	vadd.s32 v23, v46;
	v62 =	vld [tilespmem:s15+$0x90];
	[tilespmem:v35+s21+$0x0] =	vst.idx.msk $0xffff, v2;
	v2 =	vmul.f32 $1.250000000e-01, v10  }
0x219: {  	v57 =	vmov v8;
	v8 =	vadd.s32 v8, v38;
	[tilespmem:v52+s21+$0x0] =	vst.idx.msk $0xffff, v3;
	v35 =	vld [tilespmem:s15+$0xE0]  }
0x21a: {  	v55 =	vld [tilespmem:s15+$0xFFFFFF60];
	v3 =	vmul.f32 $1.250000000e-01, v60;
	v10 =	vadd.s32 v31, v42;
	[tilespmem:v22+s21+$0x0] =	vst.idx.msk $0xffff, v2  }
0x21b: {  	v34 =	vadd.s32 v25, v0;
	v2 =	vmul.f32 $1.250000000e-01, v30;
	v11 =	vld [tilespmem:s15+$0xFFFFFFA0]  }
0x21c: {  	v18 =	vadd.s32 v12, v47;
	[tilespmem:v63+s21+$0x0] =	vst.idx.msk $0xffff, v3;
	v30 =	vmul.f32 $1.250000000e-01, v40  }
0x21d: {  	v54 =	vmovc v15;
	v15 =	vmov v19;
	v19 =	vld [tilespmem:s15+$0xFFFFFFE0];
	v22 =	vadd.s32 v16, v44;
	[tilespmem:v61+s21+$0x0] =	vst.idx.msk $0xffff, v2;
	v2 =	vmul.f32 $1.250000000e-01, v62  }
0x21e: {  	[tilespmem:v8+s21+$0x0] =	vst.idx.msk $0xffff, v30;
	v3 =	vmul.f32 $1.250000000e-01, v35  }
0x21f: {  	v59 =	vmov v31;
	v31 =	vadd.s32 v20, v45;
	v52 =	vld [tilespmem:s15+$0x60];
	[tilespmem:v10+s21+$0x0] =	vst.idx.msk $0xffff, v2;
	v2 =	vmul.f32 $1.250000000e-01, v55  }
0x220: {  	v56 =	vmov v23;
	v23 =	vld [tilespmem:s15+$0x20];
	[tilespmem:v34+s21+$0x0] =	vst.idx.msk $0xffff, v3;
	v3 =	vmul.f32 $1.250000000e-01, v11  }
0x221: {  	v10 =	vld [tilespmem:s15+$0xA0];
	[tilespmem:v18+s21+$0x0] =	vst.idx.msk $0xffff, v2  }
0x222: {  	v2 =	vmul.f32 $1.250000000e-01, v19;
	v5 =	vld [tilespmem:$0x1FFE0];
	[tilespmem:v22+s21+$0x0] =	vst.idx.msk $0xffff, v3  }
0x223: {  	v19 =	vld [tilespmem:$0x1FFD0]  }
0x224: {  	v60 =	vmov v20;
	v20 =	vld [tilespmem:$0x1FEC0];
	[tilespmem:v31+s21+$0x0] =	vst.idx.msk $0xffff, v2  }
0x225: {  	v63 =	vmov v28;
	v55 =	vadd.s32 v24, v46;
	v11 =	vadd.s32 v28, v43;
	v28 =	vld [tilespmem:$0x1FEA0]  }
0x226: {  	v34 =	vld [tilespmem:s15+$0xF0]  }
0x227: {  	v41 =	vld [tilespmem:s15+$0xFFFFFF30];
	v25 =	vmov v5;
	v5 =	vadd.s32 v5, v42  }
0x228: {  	v18 =	vld [tilespmem:s15+$0xFFFFFF70];
	v3 =	vmul.f32 $1.250000000e-01, v23;
	v0 =	vadd.s32 v19, v0  }
0x229: {  	v23 =	vld [tilespmem:s15+$0xFFFFFFB0];
	v2 =	vmul.f32 $1.250000000e-01, v52;
	v22 =	vadd.s32 v20, v38  }
0x22a: {  	v31 =	vld [tilespmem:s15+$0xFFFFFFF0];
	[tilespmem:v55+s21+$0x0] =	vst.idx.msk $0xffff, v3;
	v3 =	vmul.f32 $1.250000000e-01, v10;
	v30 =	vadd.s32 v28, v47  }
0x22b: {  	v44 =	vadd.s32 v29, v44;
	[tilespmem:v11+s21+$0x0] =	vst.idx.msk $0xffff, v2;
	v2 =	vmul.f32 $1.250000000e-01, v34;
	v47 =	vld [tilespmem:s15+$0x30]  }
0x22c: {  	s10 =	smulhi.u32 $0x51EB851F, s7;
	v49 =	vadd.s32 v9, v45;
	v48 =	vmul.f32 $1.250000000e-01, v41;
	v50 =	vld [tilespmem:s15+$0x70];
	[tilespmem:v5+s21+$0x0] =	vst.idx.msk $0xffff, v3  }
0x22d: {  	v52 =	vadd.s32 v17, v46;
	v3 =	vmul.f32 $1.250000000e-01, v18;
	v55 =	vld [tilespmem:s15+$0xB0];
	[tilespmem:v0+s21+$0x0] =	vst.idx.msk $0xffff, v2  }
0x22e: {  	s19 =	sshrl.u32 s10, $0x4;
	[tilespmem:v22+s21+$0x0] =	vst.idx.msk $0xffff, v48;
	v0 =	vmul.f32 $1.250000000e-01, v23;
	v2 =	vadd.s32 v13, v43  }
0x22f: {  	s10 =	smul.u32 $0x32, s19;
	v61 =	vadd.s32 v21, v42;
	[tilespmem:v30+s21+$0x0] =	vst.idx.msk $0xffff, v3;
	v3 =	vmul.f32 $1.250000000e-01, v31  }
0x230: {  	[tilespmem:v44+s21+$0x0] =	vst.idx.msk $0xffff, v0;
	v0 =	vmul.f32 $1.250000000e-01, v47  }
0x231: {  	s23 =	ssub.s32 s7, s10;
	[tilespmem:v49+s21+$0x0] =	vst.idx.msk $0xffff, v3;
	v3 =	vmul.f32 $1.250000000e-01, v50  }
0x232: {  	s8 =	sadd.s32 s9, s19;
	s7 =	sshll.u32 s23, $0x11;
	[tilespmem:v52+s21+$0x0] =	vst.idx.msk $0xffff, v0;
	v0 =	vmul.f32 $1.250000000e-01, v55  }
0x233: {  	s8 =	sshll.u32 s8, $0x7;
	s7 =	sadd.s32 s1, s7;
	[tilespmem:v2+s21+$0x0] =	vst.idx.msk $0xffff, v3  }
0x234: {  	s31 =	simm.s32 $0x8200;
	s8 =	sadd.s32 s8, s7;
	[tilespmem:v61+s21+$0x0] =	vst.idx.msk $0xffff, v0  }
0x235: {  	[hbm4b:s8+s3] =	stream.linear.scatter [tilespmem:s31], [sflag:$0x9], $0x80, $0x38;
	[tilespmem:$0xC600] =	vst v63  }
0x236: {  	s10 =	simm.s32 $0x8288;
	s13 =	sadd.s32 $0x10, s8  }
0x237: {  	[hbm4b:s13+s3] =	stream.linear.scatter [tilespmem:s10], [sflag:$0x9], $0x80, $0x38;
	[tilespmem:$0xC600] =	vst v63  }
0x238: {  	s23 =	simm.s32 $0x8398;
	s19 =	sadd.s32 $0x20, s8;
	s15 =	simm.s32 $0x8310  }
0x239: {  	[hbm4b:s19+s3] =	stream.linear.scatter [tilespmem:s15], [sflag:$0x9], $0x80, $0x38;
	[tilespmem:$0xC600] =	vst v63  }
0x23a: {  	s7 =	simm.s32 $0x440;
	s31 =	sadd.s32 $0x30, s8;
	s10 =	simm.s32 $0x8420  }
0x23b: {  	[hbm4b:s31+s3] =	stream.linear.scatter [tilespmem:s23], [sflag:$0x9], $0x80, $0x38;
	[tilespmem:$0xC600] =	vst v63  }
0x23c: {  	s13 =	sadd.s32 $0x40, s8;
	s15 =	simm.s32 $0x84A8;
	s19 =	sadd.s32 $0x50, s8  }
0x23d: {  	[hbm4b:s13+s3] =	stream.linear.scatter [tilespmem:s10], [sflag:$0x9], $0x80, $0x38;
	[tilespmem:$0xC600] =	vst v63  }
0x23e: {  	s23 =	simm.s32 $0x8530;
	s31 =	sadd.s32 $0x60, s8;
	s10 =	simm.s32 $0x2200  }
0x23f: {  	[hbm4b:s19+s3] =	stream.linear.scatter [tilespmem:s15], [sflag:$0x9], $0x80, $0x38;
	[tilespmem:$0xC600] =	vst v63  }
0x240: {  	s13 =	simm.s32 $0x85B8;
	s15 =	sadd.s32 $0x70, s8;
	s8 =	sadd.s32 $0x4000, s8  }
0x241: {  	v51 =	vmov v7;
	v58 =	vmov v27;
	v62 =	vmov v24;
	[hbm4b:s31+s3] =	stream.linear.scatter [tilespmem:s23], [sflag:$0x9], $0x80, $0x38;
	[tilespmem:$0xC600] =	vst v63  }
.LBB2_13:
0x242: {  	[hbm4b:s15+s3] =	stream.linear.scatter [tilespmem:s13], [sflag:$0x9], $0x80, $0x38;
	[tilespmem:$0xC600] =	vst v63  }
0x243: {  	s13 =	smov.u32 s7;
	s7 =	smov.u32 s10  }
0x244: {  	s19 =	sadd.s32 $0x1100, s10;
	s7 =	sshra.s32 s7, $0x2;
	s15 =	sadd.s32 $0x8200, s13  }
0x245: {  	[hbm4b:s8+s3] =	stream.linear.scatter [tilespmem:s15], [sflag:$0x9], $0x80, $0x38;
	[tilespmem:$0xC600] =	vst v63  }
0x246: {  	p1 =	sne.s32 s10, $0x7700;
	s10 =	sadd.s32 $0x8288, s13;
	s15 =	sadd.s32 $0x10, s8  }
0x247: {  	[hbm4b:s15+s3] =	stream.linear.scatter [tilespmem:s10], [sflag:$0x9], $0x80, $0x38;
	[tilespmem:$0xC600] =	vst v63  }
0x248: {  	s10 =	sadd.s32 $0x8310, s13;
	s15 =	sadd.s32 $0x20, s8  }
0x249: {  	[hbm4b:s15+s3] =	stream.linear.scatter [tilespmem:s10], [sflag:$0x9], $0x80, $0x38;
	[tilespmem:$0xC600] =	vst v63  }
0x24a: {  	s10 =	sadd.s32 $0x8398, s13;
	s15 =	sadd.s32 $0x30, s8  }
0x24b: {  	[hbm4b:s15+s3] =	stream.linear.scatter [tilespmem:s10], [sflag:$0x9], $0x80, $0x38;
	[tilespmem:$0xC600] =	vst v63  }
0x24c: {  	s10 =	sadd.s32 $0x8420, s13;
	s15 =	sadd.s32 $0x40, s8  }
0x24d: {  	[hbm4b:s15+s3] =	stream.linear.scatter [tilespmem:s10], [sflag:$0x9], $0x80, $0x38;
	[tilespmem:$0xC600] =	vst v63  }
.Ltmp5:
0x24e: {  	s10 =	sadd.s32 $0x84A8, s13;
	s15 =	sadd.s32 $0x50, s8;
	(pc) =	sbr.rel @p1 .LBB2_13-.Ltmp5, $4  }
0x24f: {  	[hbm4b:s15+s3] =	stream.linear.scatter [tilespmem:s10], [sflag:$0x9], $0x80, $0x38;
	[tilespmem:$0xC600] =	vst v63  }
0x250: {  	s10 =	sadd.s32 $0x8530, s13;
	s15 =	sadd.s32 $0x60, s8;
	s13 =	sadd.s32 $0x85B8, s13  }
0x251: {  	[hbm4b:s15+s3] =	stream.linear.scatter [tilespmem:s10], [sflag:$0x9], $0x80, $0x38;
	[tilespmem:$0xC600] =	vst v63  }
0x252: {  	s15 =	sadd.s32 $0x70, s8;
	s8 =	sadd.s32 $0x4000, s8;
	s10 =	smov.u32 s19  }
0x253: {  	[hbm4b:s15+s3] =	stream.linear.scatter [tilespmem:s13], [sflag:$0x9], $0x80, $0x38;
	[tilespmem:$0xC600] =	vst v63  }
0x254: {  	s10 =	sadd.s32 $0x8200, s7  }
0x255: {  	[hbm4b:s8+s3] =	stream.linear.scatter [tilespmem:s10], [sflag:$0x9], $0x80, $0x38;
	[tilespmem:$0xC600] =	vst v63  }
0x256: {  	s23 =	sadd.s32 $0x8288, s7;
	s31 =	sadd.s32 $0x10, s8  }
0x257: {  	[hbm4b:s31+s3] =	stream.linear.scatter [tilespmem:s23], [sflag:$0x9], $0x80, $0x38;
	[tilespmem:$0xC600] =	vst v63  }
0x258: {  	s15 =	sadd.s32 $0x8310, s7;
	s19 =	sadd.s32 $0x20, s8  }
0x259: {  	[hbm4b:s19+s3] =	stream.linear.scatter [tilespmem:s15], [sflag:$0x9], $0x80, $0x38;
	[tilespmem:$0xC600] =	vst v63  }
0x25a: {  	s23 =	sadd.s32 $0x8398, s7;
	s31 =	sadd.s32 $0x30, s8  }
0x25b: {  	[hbm4b:s31+s3] =	stream.linear.scatter [tilespmem:s23], [sflag:$0x9], $0x80, $0x38;
	[tilespmem:$0xC600] =	vst v63  }
0x25c: {  	s10 =	sadd.s32 @!p0 $0x6, s16;
	s15 =	sadd.s32 $0x8420, s7;
	s19 =	sadd.s32 $0x40, s8  }
0x25d: {  	[hbm4b:s19+s3] =	stream.linear.scatter [tilespmem:s15], [sflag:$0x9], $0x80, $0x38;
	[tilespmem:$0xC600] =	vst v63  }
0x25e: {  	s16 =	smulhi.u32 @!p0 $0x51EB851F, s10;
	s23 =	sadd.s32 $0x84A8, s7;
	s31 =	sadd.s32 $0x50, s8  }
0x25f: {  	[hbm4b:s31+s3] =	stream.linear.scatter [tilespmem:s23], [sflag:$0x9], $0x80, $0x38;
	[tilespmem:$0xC600] =	vst v63  }
0x260: {  	s13 =	sshrl.u32 @!p0 s16, $0x4;
	s15 =	sadd.s32 $0x8530, s7;
	s19 =	sadd.s32 $0x60, s8  }
0x261: {  	[hbm4b:s19+s3] =	stream.linear.scatter [tilespmem:s15], [sflag:$0x9], $0x80, $0x38;
	[tilespmem:$0xC600] =	vst v63  }
0x262: {  	s23 =	sadd.s32 $0x85B8, s7;
	s31 =	sadd.s32 $0x70, s8;
	s15 =	smul.u32 @!p0 $0x32, s13  }
0x263: {  	[hbm4b:s31+s3] =	stream.linear.scatter [tilespmem:s23], [sflag:$0x9], $0x80, $0x38;
	[tilespmem:$0xC600] =	vst v63  }
0x264: {  	s7 =	ssub.s32 @!p0 s10, s15  }
0x265: {  	s8 =	sadd.s32 @!p0 s9, s13;
	s7 =	sshll.u32 @!p0 s7, $0xB  }
0x266: {  	s8 =	sshll.u32 @!p0 s8, $0x4;
	s7 =	sadd.s32 @!p0 s4, s7  }
0x267: {  	s10 =	simm.s32 @!p0 $0x100;
	s7 =	sadd.s32 @!p0 s8, s7;
	s8 =	simm.s32 @!p0 $0x0  }
0x268: {  	[tilespmem:s10], [sflag:$0x3] =	stream.linear.gather @!p0 [hbm4b:s7+s8], $0x80, $0x38;
	[tilespmem:$0xC600] =	vst v63  }
0x269: {  	s7 =	simm.s32 @!p0 $0x2  }
0x26a: {  	_ =	swait.ge @!p0 [sflag:s7], $0x80  }
0x26b: {  	[sflag:s7] =	ssyncset.done @!p0 $0x0  }
0x26c: {  	s8 =	simm.s32 @!p0 $0x2200;
	[sflag:s7] =	ssyncadd.s32 @!p0 $0xFFFFFF80;
	s7 =	simm.s32 @!p0 $0x80  }
0x26d: {  	[tilespmem:s8], [sflag:$0x6] =	stream.indirect.gather @!p0 [hbm4b:s5+s7], $0x40, s7, s7, $0xb8;
	[tilespmem:$0xC600] =	vst v63  }
0x26e: {  	s16 =	simm.s32 $0x3;
	_ =	swait.ge [sflag:s29], $0x2000  }
0x26f: {  	v4 =	vmov s16;
	[sflag:s29] =	ssyncset.done $0x0  }
0x270: {  	v4 =	vshrl.u32 v4, $0x3;
	[sflag:s29] =	ssyncadd.s32 $0xFFFFE000  }
0x271: {  	v4 =	vshll.u32 v4, v1;
	s13 =	simm.s32 $0x1;
	_ =	swait.ge [sflag:s30], $0x2000  }
0x272: {  	v36 =	vbroadcast v4, $0x0;
	v2 =	vmov s13;
	s10 =	simm.s32 $0x0;
	s8 =	simm.s32 $0x7;
	v28 =	vld [tilespmem:$0x1FFA0]  }
0x273: {  	v2 =	vshrl.u32 v2, $0x3;
	v0 =	vmov s10;
	v35 =	vmov s8;
	v6 =	vld [tilespmem:$0x1FED0]  }
0x274: {  	v2 =	vshll.u32 v2, v1;
	v0 =	vshrl.u32 v0, $0x3;
	v35 =	vshrl.u32 v35, $0x3;
	[sflag:s30] =	ssyncset.done $0x0;
	v31 =	vld [tilespmem:$0x1FEB0]  }
0x275: {  	v40 =	vbroadcast v2, $0x0;
	v0 =	vshll.u32 v0, v1;
	s7 =	simm.s32 $0x6300;
	v35 =	vshll.u32 v35, v1;
	v4 =	vld [tilespmem:$0x1FEF0];
	[sflag:s30] =	ssyncadd.s32 $0xFFFFE000  }
0x276: {  	s15 =	simm.s32 $0x2;
	v39 =	vbroadcast v0, $0x0;
	v41 =	vbroadcast v35, $0x0;
	v0 =	vld [tilespmem:s7+$0xC0]  }
0x277: {  	v3 =	vmov s15;
	v38 =	vld [tilespmem:s7+$0xFFFFFF00]  }
0x278: {  	s19 =	simm.s32 $0x4;
	v3 =	vshrl.u32 v3, $0x3;
	v2 =	vadd.s32 v28, v41;
	v45 =	vadd.s32 v6, v40;
	v6 =	vld [tilespmem:$0x1FF20]  }
0x279: {  	v5 =	vmov s19;
	v3 =	vshll.u32 v3, v1;
	v42 =	vld [tilespmem:s7+$0xFFFFFF40];
	v43 =	vadd.s32 v31, v39  }
0x27a: {  	s31 =	simm.s32 $0x6;
	v5 =	vshrl.u32 v5, $0x3;
	v37 =	vbroadcast v3, $0x0;
	v44 =	vld [tilespmem:s7+$0xFFFFFF80]  }
0x27b: {  	v34 =	vmov s31;
	v5 =	vshll.u32 v5, v1;
	v0 =	vmul.f32 $1.250000000e-01, v0  }
0x27c: {  	v35 =	vbroadcast v5, $0x0;
	v46 =	vld [tilespmem:s7+$0xFFFFFFC0];
	v4 =	vadd.s32 v4, v37;
	v5 =	vmul.f32 $1.250000000e-01, v38  }
0x27d: {  	v34 =	vshrl.u32 v34, $0x3;
	v38 =	vadd.s32 v6, v36;
	v6 =	vld [tilespmem:$0x1FF40];
	[tilespmem:v2+s25+$0x0] =	vst.idx.msk $0xffff, v0  }
0x27e: {  	v3 =	vshll.u32 v34, v1;
	v47 =	vld [tilespmem:s7+$0x0];
	v42 =	vmul.f32 $1.250000000e-01, v42;
	[tilespmem:v43+s25+$0x0] =	vst.idx.msk $0xffff, v5  }
0x27f: {  	s23 =	simm.s32 $0x5;
	v34 =	vbroadcast v3, $0x0;
	v2 =	vmul.f32 $1.250000000e-01, v44;
	v3 =	vld [tilespmem:$0x1FF60]  }
0x280: {  	v33 =	vmov s23;
	v43 =	vld [tilespmem:s7+$0xFFFFFF10];
	[tilespmem:v45+s25+$0x0] =	vst.idx.msk $0xffff, v42  }
0x281: {  	v33 =	vshrl.u32 v33, $0x3;
	v30 =	vld [tilespmem:$0x1FF80];
	[tilespmem:v4+s25+$0x0] =	vst.idx.msk $0xffff, v2  }
0x282: {  	v33 =	vshll.u32 v33, v1;
	v32 =	vld [tilespmem:$0x1FFB0]  }
0x283: {  	v33 =	vbroadcast v33, $0x0;
	v48 =	vld [tilespmem:s7+$0x40];
	v49 =	vadd.s32 v6, v35  }
0x284: {  	v10 =	vmov v51;
	v51 =	vadd.s32 v51, v39;
	v50 =	vld [tilespmem:s7+$0x80]  }
0x285: {  	v61 =	vmul.f32 $1.250000000e-01, v46;
	v5 =	vld [tilespmem:s7+$0xD0];
	v3 =	vadd.s32 v3, v33  }
0x286: {  	v46 =	vld [tilespmem:s7+$0xFFFFFF50];
	v2 =	vmul.f32 $1.250000000e-01, v47;
	v44 =	vadd.s32 v30, v34  }
0x287: {  	v52 =	vld [tilespmem:s7+$0xFFFFFF90];
	[tilespmem:v38+s25+$0x0] =	vst.idx.msk $0xffff, v61;
	v38 =	vmul.f32 $1.250000000e-01, v43;
	v4 =	vadd.s32 v32, v41  }
0x288: {  	v61 =	vmul.f32 $1.250000000e-01, v48;
	v6 =	vmov v53;
	v48 =	vadd.s32 v53, v40;
	v53 =	vld [tilespmem:s7+$0xFFFFFFD0];
	[tilespmem:v49+s25+$0x0] =	vst.idx.msk $0xffff, v2  }
0x289: {  	v13 =	vmov v54;
	[tilespmem:v51+s25+$0x0] =	vst.idx.msk $0xffff, v38;
	v2 =	vmul.f32 $1.250000000e-01, v50;
	v50 =	vadd.s32 v54, v37;
	v54 =	vld [tilespmem:s7+$0x10]  }
0x28a: {  	v43 =	vadd.s32 v15, v36;
	[tilespmem:v3+s25+$0x0] =	vst.idx.msk $0xffff, v61;
	v3 =	vmul.f32 $1.250000000e-01, v5  }
0x28b: {  	v61 =	vmul.f32 $1.250000000e-01, v46;
	v46 =	vadd.s32 v56, v35;
	[tilespmem:v44+s25+$0x0] =	vst.idx.msk $0xffff, v2  }
0x28c: {  	v51 =	vld [tilespmem:s7+$0xFFFFFF20];
	[tilespmem:v4+s25+$0x0] =	vst.idx.msk $0xffff, v3;
	v3 =	vmul.f32 $1.250000000e-01, v52  }
0x28d: {  	v55 =	vld [tilespmem:s7+$0x50];
	[tilespmem:v48+s25+$0x0] =	vst.idx.msk $0xffff, v61;
	v61 =	vmul.f32 $1.250000000e-01, v53  }
0x28e: {  	v14 =	vmov v56;
	v56 =	vld [tilespmem:s7+$0x90];
	[tilespmem:v50+s25+$0x0] =	vst.idx.msk $0xffff, v3;
	v3 =	vmul.f32 $1.250000000e-01, v54  }
0x28f: {  	s10 =	simm.s32 $0x8;
	v17 =	vld [tilespmem:$0x1FFC0];
	[tilespmem:v43+s25+$0x0] =	vst.idx.msk $0xffff, v61  }
0x290: {  	s16 =	simm.s32 $0xB;
	v0 =	vmov s10;
	v12 =	vld [tilespmem:$0x1FEE0];
	[tilespmem:v46+s25+$0x0] =	vst.idx.msk $0xffff, v3  }
0x291: {  	s19 =	simm.s32 $0xC;
	s15 =	simm.s32 $0xA;
	v0 =	vshrl.u32 v0, $0x3;
	v42 =	vmov s16;
	v4 =	vadd.s32 v58, v33;
	v11 =	vld [tilespmem:$0x1FF00]  }
0x292: {  	s31 =	simm.s32 $0xE;
	v47 =	vmov s15;
	v49 =	vmov s19;
	v48 =	vadd.s32 v59, v34;
	v38 =	vld [tilespmem:s7+$0xE0]  }
0x293: {  	v2 =	vmov s31;
	v52 =	vshrl.u32 v47, $0x3;
	v47 =	vld [tilespmem:s7+$0xFFFFFF60];
	v54 =	vadd.s32 v57, v39  }
0x294: {  	v23 =	vmovc v57;
	v53 =	vshrl.u32 v42, $0x3;
	v57 =	vld [tilespmem:s7+$0xFFFFFFA0];
	v61 =	vmul.f32 $1.250000000e-01, v55;
	v50 =	vadd.s32 v17, v41  }
0x295: {  	v8 =	vmovc v15;
	v15 =	vmovc v58;
	v43 =	vshrl.u32 v49, $0x3;
	v58 =	vld [tilespmem:s7+$0xFFFFFFE0];
	v3 =	vmul.f32 $1.250000000e-01, v56;
	v49 =	vadd.s32 v12, v40  }
0x296: {  	v19 =	vmovc v59;
	v42 =	vshrl.u32 v2, $0x3;
	v2 =	vmul.f32 $1.250000000e-01, v51;
	v59 =	vld [tilespmem:s7+$0x20];
	[tilespmem:v4+s25+$0x0] =	vst.idx.msk $0xffff, v61;
	v46 =	vadd.s32 v11, v37  }
0x297: {  	v0 =	vshll.u32 v0, v1;
	v4 =	vmul.f32 $1.250000000e-01, v38;
	v61 =	vld [tilespmem:s7+$0x60];
	[tilespmem:v48+s25+$0x0] =	vst.idx.msk $0xffff, v3  }
0x298: {  	v22 =	vmovc v62;
	v38 =	vbroadcast v0, $0x0;
	v0 =	vmul.f32 $1.250000000e-01, v47;
	v3 =	vadd.s32 v62, v35;
	v62 =	vld [tilespmem:s7+$0xA0];
	[tilespmem:v54+s25+$0x0] =	vst.idx.msk $0xffff, v2  }
0x299: {  	v18 =	vmov v60;
	v60 =	vadd.s32 v60, v36;
	v2 =	vmul.f32 $1.250000000e-01, v57;
	[tilespmem:v50+s25+$0x0] =	vst.idx.msk $0xffff, v4;
	v50 =	vld [tilespmem:s7+$0xFFFFFF30]  }
0x29a: {  	v56 =	vld [tilespmem:s7+$0xF0];
	[tilespmem:v49+s25+$0x0] =	vst.idx.msk $0xffff, v0  }
0x29b: {  	v44 =	vshll.u32 v52, v1;
	v52 =	vld [tilespmem:s7+$0xFFFFFF70];
	[tilespmem:v46+s25+$0x0] =	vst.idx.msk $0xffff, v2  }
0x29c: {  	v0 =	vmul.f32 $1.250000000e-01, v58;
	v4 =	vld [tilespmem:$0x1FFD0]  }
0x29d: {  	v9 =	vld [tilespmem:$0x1FEC0]  }
0x29e: {  	v2 =	vmul.f32 $1.250000000e-01, v59;
	v49 =	vld [tilespmem:s7+$0xFFFFFFB0];
	[tilespmem:v60+s25+$0x0] =	vst.idx.msk $0xffff, v0  }
0x29f: {  	s13 =	simm.s32 $0x9;
	v0 =	vld [tilespmem:$0x1FEA0]  }
0x2a0: {  	s23 =	simm.s32 $0xD;
	v45 =	vmov s13;
	v54 =	vld [tilespmem:s7+$0xFFFFFFF0];
	[tilespmem:v3+s25+$0x0] =	vst.idx.msk $0xffff, v2  }
0x2a1: {  	v45 =	vshrl.u32 v45, $0x3;
	v5 =	vmov s23;
	v27 =	vld [tilespmem:$0x1FF10]  }
0x2a2: {  	v5 =	vshrl.u32 v5, $0x3;
	v51 =	vadd.s32 v25, v34;
	v55 =	vadd.s32 v63, v33;
	v21 =	vld [tilespmem:$0x1FF30]  }
0x2a3: {  	v47 =	vshll.u32 v45, v1;
	v45 =	vshll.u32 v53, v1;
	v46 =	vshll.u32 v43, v1;
	v20 =	vld [tilespmem:$0x1FF50]  }
0x2a4: {  	v26 =	vmovc v63;
	v43 =	vshll.u32 v5, v1;
	v29 =	vld [tilespmem:$0x1FF70];
	v53 =	vadd.s32 v4, v41;
	v48 =	vadd.s32 v9, v39  }
0x2a5: {  	s8 =	simm.s32 $0x10;
	s10 =	simm.s32 $0xF;
	v7 =	vld [tilespmem:$0x1FF90];
	v16 =	vmovc v4;
	v39 =	vmul.f32 $1.250000000e-01, v61;
	v24 =	vmovc v0;
	v41 =	vadd.s32 v0, v40;
	v40 =	vmul.f32 $1.250000000e-01, v62  }
.LBB2_15:
0x2a6: {  	_ = 	snop  }
0x2a7: {  	v0 =	vmov s10;
	v2 =	vadd.s32 v27, v37;
	v3 =	vld [tilespmem:s7+$0x30]  }
0x2a8: {  	v62 =	vld [tilespmem:$0x1FF20];
	[tilespmem:v55+s25+$0x0] =	vst.idx.msk $0xffff, v39;
	v0 =	vshrl.u32 v0, $0x3;
	v5 =	vmul.f32 $1.250000000e-01, v50  }
0x2a9: {  	[tilespmem:v51+s25+$0x0] =	vst.idx.msk $0xffff, v40;
	v55 =	vld [tilespmem:s7+$0x70];
	v0 =	vshll.u32 v0, v1  }
0x2aa: {  	v36 =	vadd.s32 v21, v36;
	v57 =	vld [tilespmem:s7+$0xB0];
	s7 =	sadd.s32 $0x200, s7;
	v40 =	vbroadcast v0, $0x0;
	v0 =	vmul.f32 $1.250000000e-01, v49;
	[tilespmem:v48+s25+$0x0] =	vst.idx.msk $0xffff, v5  }
0x2ab: {  	v4 =	vmul.f32 $1.250000000e-01, v56;
	v5 =	vadd.s32 v29, v33;
	v58 =	vld [tilespmem:s7+$0xFFFFFF00]  }
0x2ac: {  	v35 =	vadd.s32 v20, v35;
	v39 =	vmov v38;
	v51 =	vld [tilespmem:$0x1FED0];
	v56 =	vmul.f32 $1.250000000e-01, v52;
	[tilespmem:v2+s25+$0x0] =	vst.idx.msk $0xffff, v0  }
0x2ad: {  	v59 =	vmul.f32 $1.250000000e-01, v54;
	[tilespmem:v53+s25+$0x0] =	vst.idx.msk $0xffff, v4;
	v0 =	vmul.f32 $1.250000000e-01, v3;
	v2 =	vadd.s32 v31, v39;
	v3 =	vld [tilespmem:s7+$0xFFFFFF80]  }
0x2ae: {  	[tilespmem:v41+s25+$0x0] =	vst.idx.msk $0xffff, v56;
	v53 =	vld [tilespmem:$0x1FEF0];
	v38 =	vmul.f32 $1.250000000e-01, v55  }
0x2af: {  	[tilespmem:v36+s25+$0x0] =	vst.idx.msk $0xffff, v59;
	v4 =	vld [tilespmem:s7+$0xC0]  }
0x2b0: {  	v34 =	vadd.s32 v7, v34;
	v60 =	vld [tilespmem:s7+$0xFFFFFF40];
	[tilespmem:v5+s25+$0x0] =	vst.idx.msk $0xffff, v38;
	v5 =	vmul.f32 $1.250000000e-01, v58  }
0x2b1: {  	v61 =	vadd.s32 v28, v40;
	v41 =	vbroadcast v47, $0x0;
	[tilespmem:v35+s25+$0x0] =	vst.idx.msk $0xffff, v0;
	v0 =	vmul.f32 $1.250000000e-01, v57;
	v57 =	vld [tilespmem:$0x1FF40]  }
0x2b2: {  	v37 =	vbroadcast v44, $0x0;
	[tilespmem:v2+s25+$0x0] =	vst.idx.msk $0xffff, v5;
	v2 =	vmul.f32 $1.250000000e-01, v3;
	v3 =	vld [tilespmem:$0x1FF60]  }
0x2b3: {  	v36 =	vbroadcast v45, $0x0;
	v48 =	vld [tilespmem:s7+$0xFFFFFFC0];
	v52 =	vadd.s32 v51, v41  }
0x2b4: {  	v35 =	vbroadcast v46, $0x0;
	v55 =	vld [tilespmem:s7+$0x0];
	v54 =	vadd.s32 v53, v37;
	v4 =	vmul.f32 $1.250000000e-01, v4  }
0x2b5: {  	v42 =	vshll.u32 v42, v1;
	v33 =	vbroadcast v43, $0x0;
	v63 =	vadd.s32 v62, v36;
	[tilespmem:v34+s25+$0x0] =	vst.idx.msk $0xffff, v0;
	v56 =	vld [tilespmem:s7+$0x40]  }
0x2b6: {  	s15 =	sadd.s32 $0x2, s8;
	v34 =	vbroadcast v42, $0x0;
	v59 =	vld [tilespmem:s7+$0x80];
	v0 =	vmul.f32 $1.250000000e-01, v60;
	v58 =	vadd.s32 v57, v35;
	[tilespmem:v61+s25+$0x0] =	vst.idx.msk $0xffff, v4  }
0x2b7: {  	v50 =	vmov s15;
	v49 =	vadd.s32 v13, v37;
	v5 =	vld [tilespmem:s7+$0xD0];
	v3 =	vadd.s32 v3, v33  }
0x2b8: {  	s13 =	sadd.s32 $0x1, s8;
	v50 =	vshrl.u32 v50, $0x3;
	[tilespmem:v52+s25+$0x0] =	vst.idx.msk $0xffff, v0;
	v0 =	vmul.f32 $1.250000000e-01, v48;
	v61 =	vadd.s32 v30, v34;
	v60 =	vld [tilespmem:s7+$0xFFFFFF10]  }
0x2b9: {  	s19 =	sadd.s32 $0x4, s8;
	v47 =	vmov s13;
	v45 =	vadd.s32 v32, v40;
	v62 =	vld [tilespmem:s7+$0xFFFFFF50];
	[tilespmem:v54+s25+$0x0] =	vst.idx.msk $0xffff, v2;
	v2 =	vmul.f32 $1.250000000e-01, v55  }
0x2ba: {  	v43 =	vmov s19;
	v51 =	vadd.s32 v10, v39;
	[tilespmem:v63+s25+$0x0] =	vst.idx.msk $0xffff, v0;
	v52 =	vld [tilespmem:s7+$0xFFFFFF90];
	v0 =	vmul.f32 $1.250000000e-01, v56  }
0x2bb: {  	v44 =	vshll.u32 v50, v1;
	v46 =	vadd.s32 v6, v41;
	v63 =	vld [tilespmem:s7+$0xFFFFFFD0];
	[tilespmem:v58+s25+$0x0] =	vst.idx.msk $0xffff, v2;
	v2 =	vmul.f32 $1.250000000e-01, v59  }
0x2bc: {  	v47 =	vshrl.u32 v47, $0x3;
	v43 =	vshrl.u32 v43, $0x3;
	v54 =	vld [tilespmem:s7+$0x10];
	[tilespmem:v3+s25+$0x0] =	vst.idx.msk $0xffff, v0;
	v0 =	vmul.f32 $1.250000000e-01, v5  }
0x2bd: {  	v42 =	vadd.s32 v8, v36;
	v4 =	vmov s8;
	[tilespmem:v61+s25+$0x0] =	vst.idx.msk $0xffff, v2;
	v5 =	vmul.f32 $1.250000000e-01, v60;
	v55 =	vld [tilespmem:s7+$0x50]  }
0x2be: {  	v4 =	vshrl.u32 v4, $0x3;
	v61 =	vadd.s32 v14, v35;
	v60 =	vmul.f32 $1.250000000e-01, v62;
	v62 =	vld [tilespmem:s7+$0x90];
	[tilespmem:v45+s25+$0x0] =	vst.idx.msk $0xffff, v0  }
0x2bf: {  	v0 =	vshll.u32 v4, v1;
	[tilespmem:v51+s25+$0x0] =	vst.idx.msk $0xffff, v5;
	v4 =	vmul.f32 $1.250000000e-01, v52;
	v5 =	vadd.s32 v15, v33;
	v45 =	vld [tilespmem:s7+$0xE0]  }
0x2c0: {  	s16 =	sadd.s32 $0x3, s8;
	v47 =	vshll.u32 v47, v1;
	v63 =	vmul.f32 $1.250000000e-01, v63;
	[tilespmem:v46+s25+$0x0] =	vst.idx.msk $0xffff, v60;
	v46 =	vadd.s32 v19, v34;
	v51 =	vld [tilespmem:s7+$0xFFFFFF20]  }
0x2c1: {  	v38 =	vmov s16;
	v52 =	vld [tilespmem:s7+$0xFFFFFF60];
	[tilespmem:v49+s25+$0x0] =	vst.idx.msk $0xffff, v4;
	v4 =	vmul.f32 $1.250000000e-01, v54;
	v49 =	vadd.s32 v17, v40  }
0x2c2: {  	v53 =	vshrl.u32 v38, $0x3;
	[tilespmem:v42+s25+$0x0] =	vst.idx.msk $0xffff, v63;
	v54 =	vadd.s32 v23, v39;
	v57 =	vld [tilespmem:s7+$0xFFFFFFA0];
	v55 =	vmul.f32 $1.250000000e-01, v55  }
0x2c3: {  	s23 =	sadd.s32 $0x5, s8;
	s31 =	sadd.s32 $0x6, s8;
	v48 =	vadd.s32 v11, v37;
	v58 =	vadd.s32 v12, v41;
	v59 =	vld [tilespmem:s7+$0xFFFFFFE0];
	[tilespmem:v61+s25+$0x0] =	vst.idx.msk $0xffff, v4;
	v4 =	vmul.f32 $1.250000000e-01, v62  }
0x2c4: {  	v2 =	vmov s31;
	v3 =	vmov s23;
	v60 =	vld [tilespmem:s7+$0x20];
	[tilespmem:v5+s25+$0x0] =	vst.idx.msk $0xffff, v55;
	v5 =	vmul.f32 $1.250000000e-01, v45  }
0x2c5: {  	v42 =	vshrl.u32 v2, $0x3;
	v61 =	vadd.s32 v18, v36;
	v2 =	vmul.f32 $1.250000000e-01, v51;
	[tilespmem:v46+s25+$0x0] =	vst.idx.msk $0xffff, v4;
	v62 =	vld [tilespmem:s7+$0x60]  }
0x2c6: {  	p0 =	slt.u32 s8, $0x78;
	v38 =	vbroadcast v0, $0x0;
	v0 =	vmul.f32 $1.250000000e-01, v52;
	v4 =	vadd.s32 v22, v35;
	v63 =	vld [tilespmem:s7+$0xA0];
	[tilespmem:v49+s25+$0x0] =	vst.idx.msk $0xffff, v5  }
.Ltmp6:
0x2c7: {  	v41 =	vadd.s32 v24, v41;
	v3 =	vshrl.u32 v3, $0x3;
	[tilespmem:v54+s25+$0x0] =	vst.idx.msk $0xffff, v2;
	v2 =	vmul.f32 $1.250000000e-01, v57;
	v56 =	vld [tilespmem:s7+$0xF0];
	(pc) =	sbr.rel @p0 .LBB2_15-.Ltmp6, $4  }
0x2c8: {  	v55 =	vadd.s32 v26, v33;
	v51 =	vadd.s32 v25, v34;
	[tilespmem:v58+s25+$0x0] =	vst.idx.msk $0xffff, v0;
	v0 =	vmul.f32 $1.250000000e-01, v59;
	v50 =	vld [tilespmem:s7+$0xFFFFFF30]  }
0x2c9: {  	v45 =	vshll.u32 v53, v1;
	v53 =	vadd.s32 v16, v40;
	v52 =	vld [tilespmem:s7+$0xFFFFFF70];
	[tilespmem:v48+s25+$0x0] =	vst.idx.msk $0xffff, v2;
	v2 =	vmul.f32 $1.250000000e-01, v60  }
0x2ca: {  	v46 =	vshll.u32 v43, v1;
	v43 =	vshll.u32 v3, v1;
	[tilespmem:v61+s25+$0x0] =	vst.idx.msk $0xffff, v0;
	v49 =	vld [tilespmem:s7+$0xFFFFFFB0]  }
0x2cb: {  	s10 =	sadd.s32 $0x7, s8;
	s8 =	sadd.s32 $0x8, s8;
	v48 =	vadd.s32 v9, v39;
	v54 =	vld [tilespmem:s7+$0xFFFFFFF0];
	v39 =	vmul.f32 $1.250000000e-01, v62;
	[tilespmem:v4+s25+$0x0] =	vst.idx.msk $0xffff, v2;
	v40 =	vmul.f32 $1.250000000e-01, v63  }
0x2cc: {  	_ =	sdelay $0x3  }
0x2cd: {  	v2 =	vadd.s32 v27, v37;
	v4 =	vmul.f32 $1.250000000e-01, v56;
	[tilespmem:v55+s25+$0x0] =	vst.idx.msk $0xffff, v39  }
0x2ce: {  	v36 =	vadd.s32 v21, v36;
	v5 =	vmul.f32 $1.250000000e-01, v50;
	[tilespmem:v51+s25+$0x0] =	vst.idx.msk $0xffff, v40  }
0x2cf: {  	v59 =	vmul.f32 $1.250000000e-01, v52;
	[tilespmem:v53+s25+$0x0] =	vst.idx.msk $0xffff, v4  }
0x2d0: {  	[tilespmem:v48+s25+$0x0] =	vst.idx.msk $0xffff, v5;
	v5 =	vmul.f32 $1.250000000e-01, v49  }
0x2d1: {  	v3 =	vld [tilespmem:s7+$0x30];
	[tilespmem:v41+s25+$0x0] =	vst.idx.msk $0xffff, v59;
	v61 =	vmul.f32 $1.250000000e-01, v54  }
0x2d2: {  	[tilespmem:v2+s25+$0x0] =	vst.idx.msk $0xffff, v5  }
0x2d3: {  	v35 =	vadd.s32 v20, v35;
	[tilespmem:v36+s25+$0x0] =	vst.idx.msk $0xffff, v61  }
0x2d4: {  	v57 =	vmov v27;
	v27 =	vld [tilespmem:$0x1FED0];
	_ =	sdelay $0x1  }
0x2d5: {  	v58 =	vld [tilespmem:s7+$0x70];
	v2 =	vmul.f32 $1.250000000e-01, v3  }
0x2d6: {  	v47 =	vbroadcast v47, $0x0  }
0x2d7: {  	v33 =	vadd.s32 v29, v33;
	[tilespmem:v35+s25+$0x0] =	vst.idx.msk $0xffff, v2  }
0x2d8: {  	v0 =	vmov s10;
	v52 =	vadd.s32 v27, v47;
	v27 =	vld [tilespmem:$0x1FEF0]  }
0x2d9: {  	v0 =	vshrl.u32 v0, $0x3  }
0x2da: {  	s13 =	sadd.s32 $0x200, s7;
	v0 =	vshll.u32 v0, v1;
	v40 =	vld [tilespmem:s7+$0xB0];
	v51 =	vmul.f32 $1.250000000e-01, v58  }
0x2db: {  	v44 =	vbroadcast v44, $0x0;
	v4 =	vld [tilespmem:s13+$0xC0];
	v0 =	vbroadcast v0, $0x0  }
0x2dc: {  	v34 =	vadd.s32 v7, v34;
	v60 =	vld [tilespmem:s13+$0xFFFFFF00];
	[tilespmem:v33+s25+$0x0] =	vst.idx.msk $0xffff, v51  }
0x2dd: {  	v63 =	vadd.s32 v28, v0;
	v54 =	vadd.s32 v27, v44;
	v27 =	vld [tilespmem:$0x1FF20]  }
0x2de: {  	v3 =	vadd.s32 v31, v38  }
0x2df: {  	v2 =	vmul.f32 $1.250000000e-01, v40  }
0x2e0: {  	v45 =	vbroadcast v45, $0x0;
	v4 =	vmul.f32 $1.250000000e-01, v4  }
0x2e1: {  	v62 =	vld [tilespmem:s13+$0xFFFFFF40];
	v56 =	vmul.f32 $1.250000000e-01, v60;
	[tilespmem:v34+s25+$0x0] =	vst.idx.msk $0xffff, v2  }
0x2e2: {  	v58 =	vadd.s32 v27, v45;
	v27 =	vld [tilespmem:$0x1FF40];
	[tilespmem:v63+s25+$0x0] =	vst.idx.msk $0xffff, v4  }
0x2e3: {  	v5 =	vld [tilespmem:s13+$0xFFFFFF80];
	[tilespmem:v3+s25+$0x0] =	vst.idx.msk $0xffff, v56  }
0x2e4: {  	v4 =	vld [tilespmem:$0x1FF60]  }
0x2e5: {  	v53 =	vld [tilespmem:s13+$0xFFFFFFC0]  }
0x2e6: {  	v46 =	vbroadcast v46, $0x0;
	v55 =	vld [tilespmem:s13+$0x0]  }
0x2e7: {  	v42 =	vshll.u32 v42, v1;
	v43 =	vbroadcast v43, $0x0;
	v59 =	vld [tilespmem:s13+$0x40]  }
0x2e8: {  	v42 =	vbroadcast v42, $0x0;
	v61 =	vld [tilespmem:s13+$0x80];
	v2 =	vmul.f32 $1.250000000e-01, v62;
	v60 =	vadd.s32 v27, v46  }
0x2e9: {  	v3 =	vmul.f32 $1.250000000e-01, v5;
	v5 =	vld [tilespmem:s13+$0xD0];
	v4 =	vadd.s32 v4, v43  }
0x2ea: {  	v62 =	vadd.s32 v30, v42;
	v33 =	vld [tilespmem:s13+$0xFFFFFF10];
	[tilespmem:v52+s25+$0x0] =	vst.idx.msk $0xffff, v2;
	v2 =	vmul.f32 $1.250000000e-01, v53  }
0x2eb: {  	v52 =	vadd.s32 v32, v0;
	v63 =	vld [tilespmem:s13+$0xFFFFFF50];
	[tilespmem:v54+s25+$0x0] =	vst.idx.msk $0xffff, v3;
	v3 =	vmul.f32 $1.250000000e-01, v55  }
0x2ec: {  	v53 =	vadd.s32 v10, v38;
	v54 =	vld [tilespmem:s13+$0xFFFFFF90];
	[tilespmem:v58+s25+$0x0] =	vst.idx.msk $0xffff, v2;
	v2 =	vmul.f32 $1.250000000e-01, v59  }
0x2ed: {  	v55 =	vadd.s32 v6, v47;
	v56 =	vld [tilespmem:s13+$0xFFFFFFD0];
	[tilespmem:v60+s25+$0x0] =	vst.idx.msk $0xffff, v3;
	v3 =	vmul.f32 $1.250000000e-01, v61  }
0x2ee: {  	v58 =	vadd.s32 v13, v44;
	v59 =	vld [tilespmem:s13+$0x10];
	[tilespmem:v4+s25+$0x0] =	vst.idx.msk $0xffff, v2;
	v2 =	vmul.f32 $1.250000000e-01, v5  }
0x2ef: {  	v4 =	vmul.f32 $1.250000000e-01, v33;
	v5 =	vadd.s32 v8, v45;
	v60 =	vld [tilespmem:s13+$0x50];
	[tilespmem:v62+s25+$0x0] =	vst.idx.msk $0xffff, v3  }
0x2f0: {  	v61 =	vadd.s32 v14, v46;
	v3 =	vmul.f32 $1.250000000e-01, v63;
	v62 =	vld [tilespmem:s13+$0x90];
	[tilespmem:v52+s25+$0x0] =	vst.idx.msk $0xffff, v2  }
0x2f1: {  	[tilespmem:v53+s25+$0x0] =	vst.idx.msk $0xffff, v4;
	v2 =	vmul.f32 $1.250000000e-01, v54;
	v4 =	vadd.s32 v15, v43;
	v35 =	vld [tilespmem:s13+$0xE0]  }
0x2f2: {  	v63 =	vadd.s32 v19, v42;
	v40 =	vld [tilespmem:s13+$0xFFFFFF20];
	[tilespmem:v55+s25+$0x0] =	vst.idx.msk $0xffff, v3;
	v3 =	vmul.f32 $1.250000000e-01, v56  }
0x2f3: {  	v53 =	vadd.s32 v17, v0;
	v52 =	vld [tilespmem:s13+$0xFFFFFF60];
	[tilespmem:v58+s25+$0x0] =	vst.idx.msk $0xffff, v2;
	v2 =	vmul.f32 $1.250000000e-01, v59  }
0x2f4: {  	v54 =	vadd.s32 v23, v38;
	v55 =	vld [tilespmem:s13+$0xFFFFFFA0];
	[tilespmem:v5+s25+$0x0] =	vst.idx.msk $0xffff, v3;
	v3 =	vmul.f32 $1.250000000e-01, v60  }
0x2f5: {  	v5 =	vadd.s32 v12, v47;
	v56 =	vld [tilespmem:s13+$0xFFFFFFE0];
	[tilespmem:v61+s25+$0x0] =	vst.idx.msk $0xffff, v2;
	v2 =	vmul.f32 $1.250000000e-01, v62  }
0x2f6: {  	v58 =	vadd.s32 v11, v44;
	v59 =	vld [tilespmem:s13+$0x20];
	[tilespmem:v4+s25+$0x0] =	vst.idx.msk $0xffff, v3;
	v3 =	vmul.f32 $1.250000000e-01, v35  }
0x2f7: {  	v60 =	vadd.s32 v18, v45;
	v4 =	vmul.f32 $1.250000000e-01, v40;
	v61 =	vld [tilespmem:s13+$0x60];
	[tilespmem:v63+s25+$0x0] =	vst.idx.msk $0xffff, v2  }
0x2f8: {  	v62 =	vadd.s32 v22, v46;
	v2 =	vmul.f32 $1.250000000e-01, v52;
	v63 =	vld [tilespmem:s13+$0xA0];
	[tilespmem:v53+s25+$0x0] =	vst.idx.msk $0xffff, v3  }
0x2f9: {  	[tilespmem:v54+s25+$0x0] =	vst.idx.msk $0xffff, v4;
	v3 =	vmul.f32 $1.250000000e-01, v55;
	v4 =	vadd.s32 v26, v43;
	v34 =	vld [tilespmem:s13+$0xF0]  }
0x2fa: {  	v41 =	vld [tilespmem:s13+$0xFFFFFF30];
	[tilespmem:v5+s25+$0x0] =	vst.idx.msk $0xffff, v2;
	v2 =	vmul.f32 $1.250000000e-01, v56;
	v5 =	vadd.s32 v25, v42  }
0x2fb: {  	v0 =	vadd.s32 v16, v0;
	v53 =	vld [tilespmem:s13+$0xFFFFFF70];
	[tilespmem:v58+s25+$0x0] =	vst.idx.msk $0xffff, v3;
	v3 =	vmul.f32 $1.250000000e-01, v59  }
0x2fc: {  	v54 =	vadd.s32 v9, v38;
	v55 =	vld [tilespmem:s13+$0xFFFFFFB0];
	[tilespmem:v60+s25+$0x0] =	vst.idx.msk $0xffff, v2;
	v2 =	vmul.f32 $1.250000000e-01, v61  }
0x2fd: {  	v56 =	vadd.s32 v24, v47;
	v58 =	vld [tilespmem:s13+$0xFFFFFFF0];
	[tilespmem:v62+s25+$0x0] =	vst.idx.msk $0xffff, v3;
	v3 =	vmul.f32 $1.250000000e-01, v63  }
0x2fe: {  	v59 =	vadd.s32 v57, v44;
	v60 =	vld [tilespmem:s13+$0x30];
	[tilespmem:v4+s25+$0x0] =	vst.idx.msk $0xffff, v2;
	v2 =	vmul.f32 $1.250000000e-01, v34  }
0x2ff: {  	v61 =	vadd.s32 v21, v45;
	v4 =	vmul.f32 $1.250000000e-01, v41;
	v62 =	vld [tilespmem:s13+$0x70];
	[tilespmem:v5+s25+$0x0] =	vst.idx.msk $0xffff, v3  }
0x300: {  	v3 =	vmul.f32 $1.250000000e-01, v53;
	v5 =	vadd.s32 v20, v46;
	v63 =	vld [tilespmem:s13+$0xB0];
	[tilespmem:v0+s25+$0x0] =	vst.idx.msk $0xffff, v2  }
0x301: {  	[tilespmem:v54+s25+$0x0] =	vst.idx.msk $0xffff, v4;
	v0 =	vmul.f32 $1.250000000e-01, v55;
	v2 =	vadd.s32 v29, v43  }
0x302: {  	v4 =	vadd.s32 v7, v42;
	[tilespmem:v56+s25+$0x0] =	vst.idx.msk $0xffff, v3;
	v3 =	vmul.f32 $1.250000000e-01, v58  }
0x303: {  	[tilespmem:v59+s25+$0x0] =	vst.idx.msk $0xffff, v0;
	v0 =	vmul.f32 $1.250000000e-01, v60  }
0x304: {  	[tilespmem:v61+s25+$0x0] =	vst.idx.msk $0xffff, v3;
	v3 =	vmul.f32 $1.250000000e-01, v62  }
0x305: {  	s15 =	sshll.u32 s14, $0x11;
	s2 =	sadd.s32 s2, s9;
	[tilespmem:v5+s25+$0x0] =	vst.idx.msk $0xffff, v0;
	v0 =	vmul.f32 $1.250000000e-01, v63  }
0x306: {  	s2 =	sshll.u32 s2, $0x7;
	s7 =	sadd.s32 s1, s15;
	[tilespmem:v2+s25+$0x0] =	vst.idx.msk $0xffff, v3  }
0x307: {  	s16 =	simm.s32 $0xA400;
	s7 =	sadd.s32 s2, s7;
	[tilespmem:v4+s25+$0x0] =	vst.idx.msk $0xffff, v0  }
0x308: {  	[hbm4b:s7+s3] =	stream.linear.scatter [tilespmem:s16], [sflag:$0xA], $0x80, $0x38;
	[tilespmem:$0xC600] =	vst v63  }
0x309: {  	s19 =	simm.s32 $0xA488;
	s8 =	sadd.s32 $0x10, s7  }
0x30a: {  	[hbm4b:s8+s3] =	stream.linear.scatter [tilespmem:s19], [sflag:$0xA], $0x80, $0x38;
	[tilespmem:$0xC600] =	vst v63  }
0x30b: {  	s23 =	simm.s32 $0xA510;
	s10 =	simm.s32 $0xA598;
	s31 =	sadd.s32 $0x20, s7  }
0x30c: {  	[hbm4b:s31+s3] =	stream.linear.scatter [tilespmem:s23], [sflag:$0xA], $0x80, $0x38;
	[tilespmem:$0xC600] =	vst v63  }
0x30d: {  	s14 =	simm.s32 $0xA620;
	s2 =	simm.s32 $0x440;
	s13 =	sadd.s32 $0x30, s7  }
0x30e: {  	[hbm4b:s13+s3] =	stream.linear.scatter [tilespmem:s10], [sflag:$0xA], $0x80, $0x38;
	[tilespmem:$0xC600] =	vst v63  }
0x30f: {  	s15 =	sadd.s32 $0x40, s7;
	s16 =	simm.s32 $0xA6A8;
	s19 =	sadd.s32 $0x50, s7  }
0x310: {  	[hbm4b:s15+s3] =	stream.linear.scatter [tilespmem:s14], [sflag:$0xA], $0x80, $0x38;
	[tilespmem:$0xC600] =	vst v63  }
0x311: {  	s8 =	simm.s32 $0x2200;
	s23 =	simm.s32 $0xA730;
	s31 =	sadd.s32 $0x60, s7  }
0x312: {  	v17 =	vmov v6;
	[hbm4b:s19+s3] =	stream.linear.scatter [tilespmem:s16], [sflag:$0xA], $0x80, $0x38;
	[tilespmem:$0xC600] =	vst v63  }
0x313: {  	v52 =	vmovc v25;
	v9 =	vmovc v13;
	v25 =	vmov v14;
	v21 =	vmov v8;
	v29 =	vmov v15;
	s10 =	simm.s32 $0xA7B8;
	s13 =	sadd.s32 $0x70, s7;
	s7 =	sadd.s32 $0x4000, s7  }
0x314: {  	v7 =	vmovc v52;
	v62 =	vmovc v23;
	v5 =	vmov v16;
	v4 =	vmov v19;
	v0 =	vmov v57;
	[hbm4b:s31+s3] =	stream.linear.scatter [tilespmem:s23], [sflag:$0xA], $0x80, $0x38;
	[tilespmem:$0xC600] =	vst v63  }
.LBB2_17:
0x315: {  	[hbm4b:s13+s3] =	stream.linear.scatter [tilespmem:s10], [sflag:$0xA], $0x80, $0x38;
	[tilespmem:$0xC600] =	vst v63  }
0x316: {  	s10 =	smov.u32 s2;
	s2 =	smov.u32 s8  }
0x317: {  	s14 =	sadd.s32 $0x1100, s8;
	s2 =	sshra.s32 s2, $0x2;
	s13 =	sadd.s32 $0xA400, s10  }
0x318: {  	[hbm4b:s7+s3] =	stream.linear.scatter [tilespmem:s13], [sflag:$0xA], $0x80, $0x38;
	[tilespmem:$0xC600] =	vst v63  }
0x319: {  	p0 =	sne.s32 s8, $0x7700;
	s8 =	sadd.s32 $0xA488, s10;
	s13 =	sadd.s32 $0x10, s7  }
0x31a: {  	[hbm4b:s13+s3] =	stream.linear.scatter [tilespmem:s8], [sflag:$0xA], $0x80, $0x38;
	[tilespmem:$0xC600] =	vst v63  }
0x31b: {  	s8 =	sadd.s32 $0xA510, s10;
	s13 =	sadd.s32 $0x20, s7  }
0x31c: {  	[hbm4b:s13+s3] =	stream.linear.scatter [tilespmem:s8], [sflag:$0xA], $0x80, $0x38;
	[tilespmem:$0xC600] =	vst v63  }
0x31d: {  	s8 =	sadd.s32 $0xA598, s10;
	s13 =	sadd.s32 $0x30, s7  }
0x31e: {  	[hbm4b:s13+s3] =	stream.linear.scatter [tilespmem:s8], [sflag:$0xA], $0x80, $0x38;
	[tilespmem:$0xC600] =	vst v63  }
0x31f: {  	s8 =	sadd.s32 $0xA620, s10;
	s13 =	sadd.s32 $0x40, s7  }
0x320: {  	[hbm4b:s13+s3] =	stream.linear.scatter [tilespmem:s8], [sflag:$0xA], $0x80, $0x38;
	[tilespmem:$0xC600] =	vst v63  }
.Ltmp7:
0x321: {  	s8 =	sadd.s32 $0xA6A8, s10;
	s13 =	sadd.s32 $0x50, s7;
	(pc) =	sbr.rel @p0 .LBB2_17-.Ltmp7, $4  }
0x322: {  	[hbm4b:s13+s3] =	stream.linear.scatter [tilespmem:s8], [sflag:$0xA], $0x80, $0x38;
	[tilespmem:$0xC600] =	vst v63  }
0x323: {  	s8 =	sadd.s32 $0xA730, s10;
	s13 =	sadd.s32 $0x60, s7;
	s10 =	sadd.s32 $0xA7B8, s10  }
0x324: {  	[hbm4b:s13+s3] =	stream.linear.scatter [tilespmem:s8], [sflag:$0xA], $0x80, $0x38;
	[tilespmem:$0xC600] =	vst v63  }
0x325: {  	s13 =	sadd.s32 $0x70, s7;
	s7 =	sadd.s32 $0x4000, s7;
	s8 =	smov.u32 s14  }
0x326: {  	[hbm4b:s13+s3] =	stream.linear.scatter [tilespmem:s10], [sflag:$0xA], $0x80, $0x38;
	[tilespmem:$0xC600] =	vst v63  }
0x327: {  	s8 =	sadd.s32 $0xA400, s2;
	v8 =	vld [tilespmem:$0x1FEB0]  }
0x328: {  	v11 =	vld [tilespmem:$0x1FEC0];
	[hbm4b:s7+s3] =	stream.linear.scatter [tilespmem:s8], [sflag:$0xA], $0x80, $0x38  }
0x329: {  	s14 =	sadd.s32 $0xA488, s2;
	s15 =	sadd.s32 $0x10, s7;
	v12 =	vld [tilespmem:$0x1FED0]  }
0x32a: {  	v13 =	vld [tilespmem:$0x1FEE0];
	[hbm4b:s15+s3] =	stream.linear.scatter [tilespmem:s14], [sflag:$0xA], $0x80, $0x38  }
0x32b: {  	s16 =	sadd.s32 $0xA510, s2;
	s19 =	sadd.s32 $0x20, s7;
	v16 =	vld [tilespmem:$0x1FEF0]  }
0x32c: {  	v20 =	vld [tilespmem:$0x1FF00];
	[hbm4b:s19+s3] =	stream.linear.scatter [tilespmem:s16], [sflag:$0xA], $0x80, $0x38  }
0x32d: {  	s23 =	sadd.s32 $0xA598, s2;
	s31 =	sadd.s32 $0x30, s7;
	v24 =	vld [tilespmem:$0x1FF20]  }
0x32e: {  	v27 =	vld [tilespmem:$0x1FF30];
	[hbm4b:s31+s3] =	stream.linear.scatter [tilespmem:s23], [sflag:$0xA], $0x80, $0x38  }
0x32f: {  	s10 =	sadd.s32 $0xA620, s2;
	s13 =	sadd.s32 $0x40, s7;
	s0 =	sadd.s32 $0x1, s0;
	v28 =	vld [tilespmem:$0x1FF40]  }
0x330: {  	v32 =	vld [tilespmem:$0x1FF50];
	[hbm4b:s13+s3] =	stream.linear.scatter [tilespmem:s10], [sflag:$0xA], $0x80, $0x38  }
0x331: {  	v30 =	vld [tilespmem:$0x1FF60];
	p0 =	sne.s32 s0, $0x32;
	s14 =	sadd.s32 $0xA6A8, s2;
	s15 =	sadd.s32 $0x50, s7  }
0x332: {  	v31 =	vld [tilespmem:$0x1FF70];
	[hbm4b:s15+s3] =	stream.linear.scatter [tilespmem:s14], [sflag:$0xA], $0x80, $0x38  }
.Ltmp8:
0x333: {  	v15 =	vld [tilespmem:$0x1FF80];
	(pc) =	sbr.rel @p0 .LBB2_2-.Ltmp8, $4  }
0x334: {  	v6 =	vld [tilespmem:$0x1FF90];
	s16 =	sadd.s32 $0xA730, s2;
	s19 =	sadd.s32 $0x60, s7  }
0x335: {  	v19 =	vld [tilespmem:$0x1FFA0];
	[hbm4b:s19+s3] =	stream.linear.scatter [tilespmem:s16], [sflag:$0xA], $0x80, $0x38  }
0x336: {  	v2 =	vld [tilespmem:$0x1FFB0];
	s23 =	sadd.s32 $0xA7B8, s2;
	s31 =	sadd.s32 $0x70, s7  }
0x337: {  	v3 =	vld [tilespmem:$0x1FFC0];
	v23 =	vmov v0;
	[hbm4b:s31+s3] =	stream.linear.scatter [tilespmem:s23], [sflag:$0xA], $0x80, $0x38  }
0x338: {  	_ =	swait.ge [sflag:s28], $0x2000  }
0x339: {  	[sflag:s28] =	ssyncset.done $0x0  }
0x33a: {  	[sflag:s28] =	ssyncadd.s32 $0xFFFFE000  }
0x33b: {  	_ =	swait.ge [sflag:s30], $0x2000  }
0x33c: {  	s2 =	rddreg [dreg:$0x6]  }
0x33d: {  	s0 =	rddreg [dreg:$0x5];
	s2 =	sadd.s32 $0x1, s2  }
0x33e: {  	p0 =	sne.s32 s2, s0  }
.Ltmp9:
0x33f: {  	_ = 	snop;
	(pc) =	sbr.rel @p0 .LBB2_1-.Ltmp9, $3  }
0x340: {  	_ =	sdelay $0x1  }
0x341: {  	[sflag:s30] =	ssyncset.done $0x0  }
0x342: {  	[sflag:s30] =	ssyncadd.s32 $0xFFFFE000  }
0x343: {  	_ =	sfence.sel $0x180000  }
0x344: {  	[bflag:$0x0] =	sbarrier.arrive $0xFFFF  }
0x345: {  	_ =	strace $0x90000047  }
0x346: {  	s0 =	stileid.u32;
	[bflag:$0x2] =	sbarrier.arrive $0xFFFF  }
0x347: {  	p0 =	sne.s32 s0, $0x0;
	s0 =	rddreg [dreg:$0x2]  }
0x348: {  	s0 =	sadd.s32 @!p0 $0x100000, s0  }
0x349: {  	[sflag:s0] =	ssyncadd.tile.s32 @!p0 $0x1;
	_ =	shalt  }
.Lfunc_end2:
_tile_overlayer_lowered:
.L_overlay_start_2:
0x34a: {  	(tag) =	ssettag $0x2  }
0x34b: {  	s0 =	rddreg [dreg:$0x0];
	s2 =	stileid.u32  }
0x34c: {  	s1 =	rddreg [dreg:$0x1];
	p0 =	sne.s32 s2, $0x0  }
0x34d: {  	s3 =	rddreg [dreg:$0x2];
	[bflag:$0x3] =	sbarrier.arrive $0xFFFF;
	s2 =	simm.s32 @!p0 $0x1C0B  }
0x34e: {  	[timem:s3], [sflag:s2] =	dma.local @!p0 [hbm:s0], s1  }
0x34f: {  	s0 =	simm.s32 @!p0 $0xB  }
0x350: {  	_ =	swait.ge @!p0 [sflag:s0], s1  }
0x351: {  	s1 =	ssub.s32 @!p0 $0x0, s1;
	[sflag:s0] =	ssyncset.done @!p0 $0x0  }
0x352: {  	[sflag:s0] =	ssyncadd.s32 @!p0 s1  }
0x353: {  	[bflag:$0x3] =	sbarrier.arrive $0xFFFF  }
0x354: {  	_ =	shalt  }

</sc_bundles>
